<compile_context>
chip_gen: v7x
topology: tpu7x:2x2x1
jax: 0.10.2.dev20260603
libtpu: 0.0.44.dev20260713+nightly
codegen_flags: <defaults>
</compile_context>

<pallas_src>
import functools

import jax
import jax.numpy as jnp
from jax import lax
from jax.experimental import pallas as pl
from jax.experimental.pallas import tpu as pltpu
from jax.experimental.pallas import tpu_sc as plsc

B, T, H = 1024, 50, 96
E = 32
G4 = 4 * H
FE = 4 * E
B4 = B // 4

CT = 5
NCHK = T // CT

NT = 3
NC, NS = 2, 16
NW = NC * NS
BT = B * T
RPW = BT // NW
CH = 80
NCH = RPW // CH


def _sc_gather_body(idx_hbm, t_test, t_q, t_tag, out_hbm,
                    idx_v, rows_v, gsem, osem):
    wid = lax.axis_index("s") * NC + lax.axis_index("c")
    base = wid * RPW
    tables = (t_test, t_q, t_tag)
    pltpu.sync_copy(idx_hbm.at[wid], idx_v)
    out_copies = [None, None]
    gather_waves = []
    for j, tab in enumerate(tables):
        s = j % 2
        if out_copies[s] is not None:
            out_copies[s].wait()
        copies = []
        for c in range(NCH):
            copies.append(
                pltpu.async_copy(tab.at[idx_v.at[j, c]],
                                 rows_v.at[s, pl.ds(c * CH, CH)], gsem))
        gather_waves.append(copies)
        if j >= 1:
            for cp in gather_waves[j - 1]:
                cp.wait()
            out_copies[(j - 1) % 2] = pltpu.async_copy(
                rows_v.at[(j - 1) % 2],
                out_hbm.at[j - 1, pl.ds(base, RPW)], osem)
    for cp in gather_waves[NT - 1]:
        cp.wait()
    out_copies[(NT - 1) % 2] = pltpu.async_copy(
        rows_v.at[(NT - 1) % 2], out_hbm.at[NT - 1, pl.ds(base, RPW)], osem)
    for oc in out_copies:
        if oc is not None:
            oc.wait()


@functools.partial(jax.jit, static_argnums=())
def _sc_gather(idx, emb_test, emb_q, emb_tag):
    mesh = plsc.VectorSubcoreMesh(core_axis_name="c", subcore_axis_name="s")
    return pl.kernel(
        _sc_gather_body,
        out_type=jax.ShapeDtypeStruct((NT, BT, E), jnp.float32),
        mesh=mesh,
        compiler_params=pltpu.CompilerParams(use_tc_tiling_on_sc=False),
        scratch_types=[
            pltpu.VMEM((NT, NCH, CH), jnp.int32),
            pltpu.VMEM((2, RPW, E), jnp.float32),
            pltpu.SemaphoreType.DMA,
            pltpu.SemaphoreType.DMA,
        ],
    )(idx, emb_test, emb_q, emb_tag)


def _tc_body(e_ref, inter_ref, P_ref, Wt_ref, bc_ref,
             Wih0_ref, Whh0_ref, b0_ref,
             Wih1_ref, Whh1_ref, b1_ref, Wf_ref, bf_ref,
             out_ref, Xg0_ref, h0s_ref, Xg1_ref):
    cdims = (((1,), (1,)), ((), ()))
    Wt = Wt_ref[...]
    p0 = P_ref[0:1, :]
    p1 = P_ref[1:2, :]
    p2 = P_ref[2:3, :]
    z = jnp.zeros((B, H), jnp.float32)
    h0 = c0 = h1 = c1 = z
    wf = Wf_ref[...][0]
    bf = bf_ref[0, 0]

    def gates(g, c_prev):
        i = jax.nn.sigmoid(g[:, 0:H])
        f = jax.nn.sigmoid(g[:, H:2 * H])
        gg = jnp.tanh(g[:, 2 * H:3 * H])
        o = jax.nn.sigmoid(g[:, 3 * H:4 * H])
        c_new = f * c_prev + i * gg
        return o * jnp.tanh(c_new), c_new

    def xg0_chunk(c):
        base = c * CT
        em = e_ref[:, base:base + CT]
        Xp = lax.dot_general(
            em[0].reshape(CT * B4, FE).astype(jnp.float32), Wt[0], cdims,
            preferred_element_type=jnp.float32)
        for jj in range(1, NT):
            Xp += lax.dot_general(
                em[jj].reshape(CT * B4, FE).astype(jnp.float32), Wt[jj],
                cdims, preferred_element_type=jnp.float32)
        for k in range(4):
            iv = inter_ref[k, base * B4:(base + CT) * B4]
            pc = jnp.where(iv == 0, p0, jnp.where(iv == 1, p1, p2))
            Xk = Xp[:, k * H:(k + 1) * H] + pc + bc_ref[...]
            Xg0_ref[:, k] = (
                lax.dot_general(Xk, Wih0_ref[...], cdims,
                                preferred_element_type=jnp.float32)
                + b0_ref[...]).reshape(CT, B4, G4)

    def xg1_chunk():
        for tt in range(CT):
            Xg1_ref[tt] = (
                lax.dot_general(h0s_ref[tt], Wih1_ref[...], cdims,
                                preferred_element_type=jnp.float32)
                + b1_ref[...])

    xg0_chunk(0)
    for tt in range(CT):
        g = Xg0_ref[tt].reshape(B, G4) + lax.dot_general(
            h0, Whh0_ref[...], cdims, preferred_element_type=jnp.float32)
        h0, c0 = gates(g, c0)
        h0s_ref[tt] = h0
    xg1_chunk()
    for c in range(1, NCHK):
        xg0_chunk(c)
        for tt in range(CT):
            g0 = Xg0_ref[tt].reshape(B, G4) + lax.dot_general(
                h0, Whh0_ref[...], cdims,
                preferred_element_type=jnp.float32)
            g1 = Xg1_ref[tt] + lax.dot_general(
                h1, Whh1_ref[...], cdims,
                preferred_element_type=jnp.float32)
            h0, c0 = gates(g0, c0)
            h1, c1 = gates(g1, c1)
            h0s_ref[tt] = h0
            out_ref[(c - 1) * CT + tt] = jnp.sum(h1 * wf, axis=-1) + bf
        xg1_chunk()
    for tt in range(CT):
        g1 = Xg1_ref[tt] + lax.dot_general(
            h1, Whh1_ref[...], cdims, preferred_element_type=jnp.float32)
        h1, c1 = gates(g1, c1)
        out_ref[(NCHK - 1) * CT + tt] = jnp.sum(h1 * wf, axis=-1) + bf


def _tc_lstm(e_tm, inter_p, P3, Wt, bc, Wih0, Whh0, b0,
             Wih1, Whh1, b1, Wf, bf, interpret=False):
    return pl.pallas_call(
        _tc_body,
        out_shape=jax.ShapeDtypeStruct((T, B), jnp.float32),
        scratch_shapes=[
            pltpu.VMEM((CT, 4, B4, G4), jnp.float32),
            pltpu.VMEM((CT, B, H), jnp.float32),
            pltpu.VMEM((CT, B, G4), jnp.float32),
        ],
        interpret=interpret,
    )(e_tm, inter_p, P3, Wt, bc, Wih0, Whh0, b0, Wih1, Whh1, b1, Wf, bf)


def kernel(test, question, tag, correct, mask, interaction, duration,
           emb_inter, emb_test, emb_q, emb_tag, Wc, bc,
           Wih0, Whh0, bih0, bhh0, Wih1, Whh1, bih1, bhh1, Wf, bf):
    Wt = jnp.stack([
        jax.scipy.linalg.block_diag(*([Wc[:, j * E:(j + 1) * E]] * 4))
        for j in range(1, 4)
    ])
    P3 = emb_inter @ Wc[:, 0:E].T
    bc_r = bc.reshape(1, H)
    b0 = (bih0 + bhh0).reshape(1, G4)
    b1 = (bih1 + bhh1).reshape(1, G4)
    bf_r = bf.reshape(1, 1)
    idx = jnp.stack([
        test.T.reshape(-1), question.T.reshape(-1), tag.T.reshape(-1),
    ]).reshape(NT, NW, NCH, CH).transpose(1, 0, 2, 3)
    e = _sc_gather(idx, emb_test, emb_q, emb_tag)
    e_tm = e.astype(jnp.bfloat16).reshape(NT, T, B4, FE)
    inter_p = interaction.reshape(B4, 4, T).transpose(1, 2, 0)
    inter_p = inter_p.reshape(4, T * B4, 1)
    out_p = _tc_lstm(e_tm, inter_p, P3, Wt, bc_r, Wih0, Whh0, b0,
                     Wih1, Whh1, b1, Wf, bf_r)
    out_tm = out_p.reshape(T, 4, B4).transpose(0, 2, 1).reshape(T, B)
    return out_tm.T

# --- scband reference (transcript-rebuilt; emitter-appended) ---
"""Pipeline reference for scband-lstm-83090437308719 (READ-ONLY COPY).

The authoritative reference and input builder live on the scoring server;
editing this copy changes nothing except your own understanding.
"""

import jax, jax.numpy as jnp
import numpy as np

B, T, H = 1024, 50, 96
E = H // 3

def _lstm_layer(x, Wih, Whh, bih, bhh):
    b = x.shape[0]
    hdim = Whh.shape[1]
    h0 = jnp.zeros((b, hdim), x.dtype)
    c0 = jnp.zeros((b, hdim), x.dtype)
    def step(carry, xt):
        h, c = carry
        gates = xt @ Wih.T + bih + h @ Whh.T + bhh
        i, f, g, o = jnp.split(gates, 4, axis=-1)
        i = jax.nn.sigmoid(i)
        f = jax.nn.sigmoid(f)
        g = jnp.tanh(g)
        o = jax.nn.sigmoid(o)
        c = f * c + i * g
        h = o * jnp.tanh(c)
        return (h, c), h
    _, ys = jax.lax.scan(step, (h0, c0), jnp.swapaxes(x, 0, 1))
    return jnp.swapaxes(ys, 0, 1)

def setup_inputs(seed: int = 0):
    key = jax.random.key(seed)
    ks = jax.random.split(key, 24)
    s = 0.05
    inp = {}
    inp['test'] = jax.random.randint(ks[0], (B, T), 0, 1001, dtype=jnp.int32)
    inp['question'] = jax.random.randint(ks[1], (B, T), 0, 100001, dtype=jnp.int32)
    inp['tag'] = jax.random.randint(ks[2], (B, T), 0, 1001, dtype=jnp.int32)
    inp['correct'] = jax.random.randint(ks[3], (B, T), 0, 2, dtype=jnp.int32)
    inp['mask'] = jnp.ones((B, T), jnp.float32)
    inp['interaction'] = jax.random.randint(ks[4], (B, T), 0, 3, dtype=jnp.int32)
    inp['duration'] = jnp.zeros((B, T, 0), jnp.float32)
    inp['emb_inter'] = jax.random.normal(ks[5], (3, E), jnp.float32) * s
    inp['emb_test'] = jax.random.normal(ks[6], (1001, E), jnp.float32) * s
    inp['emb_q'] = jax.random.normal(ks[7], (100001, E), jnp.float32) * s
    inp['emb_tag'] = jax.random.normal(ks[8], (1001, E), jnp.float32) * s
    inp['Wc'] = jax.random.normal(ks[9], (H, 4 * E), jnp.float32) * s
    inp['bc'] = jnp.zeros((H,), jnp.float32)
    inp['Wih0'] = jax.random.normal(ks[10], (4 * H, H), jnp.float32) * s
    inp['Whh0'] = jax.random.normal(ks[11], (4 * H, H), jnp.float32) * s
    inp['bih0'] = jnp.zeros((4 * H,), jnp.float32)
    inp['bhh0'] = jnp.zeros((4 * H,), jnp.float32)
    inp['Wih1'] = jax.random.normal(ks[12], (4 * H, H), jnp.float32) * s
    inp['Whh1'] = jax.random.normal(ks[13], (4 * H, H), jnp.float32) * s
    inp['bih1'] = jnp.zeros((4 * H,), jnp.float32)
    inp['bhh1'] = jnp.zeros((4 * H,), jnp.float32)
    inp['Wf'] = jax.random.normal(ks[14], (1, H), jnp.float32) * s
    inp['bf'] = jnp.zeros((1,), jnp.float32)
    return inp

def reference(test, question, tag, correct, mask, interaction, duration, emb_inter, emb_test, emb_q, emb_tag, Wc, bc, Wih0, Whh0, bih0, bhh0, Wih1, Whh1, bih1, bhh1, Wf, bf):
    e = jnp.concatenate([emb_inter[interaction], emb_test[test], emb_q[question], emb_tag[tag], duration], axis=2)
    X = e @ Wc.T + bc
    h = _lstm_layer(X, Wih0, Whh0, bih0, bhh0)
    h = _lstm_layer(h, Wih1, Whh1, bih1, bhh1)
    out = (h @ Wf.T + bf).reshape(h.shape[0], -1)
    return out

if __name__ == "__main__":
    import jax
    _d = setup_inputs()
    print(jax.jit(kernel)(*tuple(_d.values())))

</pallas_src>

<mosaic_0001>
#map = affine_map<(d0, d1) -> (0, 0, 0, 0)>
#map1 = affine_map<(d0, d1) -> (0, 0)>
#map2 = affine_map<(d0, d1) -> (0, 0, 0)>
module attributes {stable_mosaic.version = 14 : i64} {
  func.func @_sc_gather_body(%arg0: i32, %arg1: i32, %arg2: memref<32x3x20x80xi32, #tpu.memory_space<hbm>>, %arg3: memref<1001x32xf32, #tpu.memory_space<hbm>>, %arg4: memref<100001x32xf32, #tpu.memory_space<hbm>>, %arg5: memref<1001x32xf32, #tpu.memory_space<hbm>>, %arg6: memref<3x51200x32xf32, #tpu.memory_space<hbm>>, %arg7: memref<3x20x80xi32, #tpu.memory_space<vmem>>, %arg8: memref<2x1600x32xf32, #tpu.memory_space<vmem>>, %arg9: memref<!tpu.dma_semaphore, #tpu.memory_space<semaphore_mem>>, %arg10: memref<!tpu.dma_semaphore, #tpu.memory_space<semaphore_mem>>) attributes {dimension_semantics = [#tpu.dimension_semantics<core_parallel>, #tpu.dimension_semantics<subcore_parallel>], iteration_bounds = array<i64: 2, 16>, scalar_prefetch = 0 : i64, scratch_operands = 4 : i64, tpu.core_type = #tpu.core_type<sc_vector_subcore>, window_params = [{transform_indices = #map}, {transform_indices = #map1}, {transform_indices = #map1}, {transform_indices = #map1}, {transform_indices = #map2}]} {
    %mul3A = arith.constant 2 : i32
    %mul3A_0 = arith.muli %arg1, %mul3A : i32
    %add3A = arith.addi %mul3A_0, %arg0 : i32
    %mul3A_1 = arith.constant 1600 : i32
    %mul3A_2 = arith.muli %add3A, %mul3A_1 : i32
    "tpu.region"() ({
      %run_scoped3A = tpu.sem_alloc : memref<!tpu.dma_semaphore, #tpu.memory_space<semaphore_mem>>
      %dma_start3A_1657 = arith.constant 0 : i32
      %dma_start3A_1658 = arith.constant 0 : i32
      %dma_start3A_1659 = arith.constant 0 : i32
      %dma_start3A_1660 = tpu.memref_slice %arg2[%add3A, %dma_start3A_1657, %dma_start3A_1658, %dma_start3A_1659] : memref<32x3x20x80xi32, #tpu.memory_space<hbm>> -> memref<1x3x20x80xi32, #tpu.memory_space<hbm>>
      %dma_start3A_1661 = tpu.memref_squeeze %dma_start3A_1660 : memref<1x3x20x80xi32, #tpu.memory_space<hbm>> -> memref<3x20x80xi32, #tpu.memory_space<hbm>>
      %dma_start3A_1662 = arith.constant 0 : i32
      %dma_start3A_1663 = arith.constant 0 : i32
      %dma_start3A_1664 = arith.constant 0 : i32
      %dma_start3A_1665 = tpu.memref_slice %arg2[%add3A, %dma_start3A_1662, %dma_start3A_1663, %dma_start3A_1664] : memref<32x3x20x80xi32, #tpu.memory_space<hbm>> -> memref<1x3x20x80xi32, #tpu.memory_space<hbm>>
      %dma_start3A_1666 = tpu.memref_squeeze %dma_start3A_1665 : memref<1x3x20x80xi32, #tpu.memory_space<hbm>> -> memref<3x20x80xi32, #tpu.memory_space<hbm>>
      tpu.enqueue_dma source(%dma_start3A_1666 : memref<3x20x80xi32, #tpu.memory_space<hbm>>) target(%arg7 : memref<3x20x80xi32, #tpu.memory_space<vmem>>) target_semaphore(%run_scoped3A : memref<!tpu.dma_semaphore, #tpu.memory_space<semaphore_mem>>)
      %dma_wait3A_1667 = arith.constant 0 : i32
      %dma_wait3A_1668 = arith.constant 0 : i32
      %dma_wait3A_1669 = arith.constant 0 : i32
      %dma_wait3A_1670 = tpu.memref_slice %arg2[%add3A, %dma_wait3A_1667, %dma_wait3A_1668, %dma_wait3A_1669] : memref<32x3x20x80xi32, #tpu.memory_space<hbm>> -> memref<1x3x20x80xi32, #tpu.memory_space<hbm>>
      %dma_wait3A_1671 = tpu.memref_squeeze %dma_wait3A_1670 : memref<1x3x20x80xi32, #tpu.memory_space<hbm>> -> memref<3x20x80xi32, #tpu.memory_space<hbm>>
      %dma_wait3A_1672 = arith.constant 0 : i32
      %dma_wait3A_1673 = arith.constant 0 : i32
      %dma_wait3A_1674 = arith.constant 0 : i32
      %dma_wait3A_1675 = tpu.memref_slice %arg2[%add3A, %dma_wait3A_1672, %dma_wait3A_1673, %dma_wait3A_1674] : memref<32x3x20x80xi32, #tpu.memory_space<hbm>> -> memref<1x3x20x80xi32, #tpu.memory_space<hbm>>
      %dma_wait3A_1676 = tpu.memref_squeeze %dma_wait3A_1675 : memref<1x3x20x80xi32, #tpu.memory_space<hbm>> -> memref<3x20x80xi32, #tpu.memory_space<hbm>>
      tpu.wait_dma2 semaphore(%run_scoped3A : memref<!tpu.dma_semaphore, #tpu.memory_space<semaphore_mem>>) src(%dma_wait3A_1676 : memref<3x20x80xi32, #tpu.memory_space<hbm>>) dst(%arg7 : memref<3x20x80xi32, #tpu.memory_space<vmem>>)
      tpu.yield
    }) : () -> ()
    %dma_start3A = arith.constant 0 : i32
    %dma_start3A_3 = arith.constant 0 : i32
    %dma_start3A_4 = arith.constant 0 : i32
    %dma_start3A_5 = arith.constant 0 : i32
    %dma_start3A_6 = arith.constant 0 : i32
    %dma_start3A_7 = tpu.memref_slice %arg8[%dma_start3A_4, %dma_start3A_5, %dma_start3A_6] : memref<2x1600x32xf32, #tpu.memory_space<vmem>> -> memref<1x80x32xf32, #tpu.memory_space<vmem>>
    %dma_start3A_8 = tpu.memref_squeeze %dma_start3A_7 : memref<1x80x32xf32, #tpu.memory_space<vmem>> -> memref<80x32xf32, #tpu.memory_space<vmem>>
    %dma_start3A_9 = arith.constant 0 : i32
    %dma_start3A_10 = tpu.memref_slice %arg7[%dma_start3A, %dma_start3A_3, %dma_start3A_9] : memref<3x20x80xi32, #tpu.memory_space<vmem>> -> memref<1x1x80xi32, #tpu.memory_space<vmem>>
    %dma_start3A_11 = tpu.memref_squeeze %dma_start3A_10 : memref<1x1x80xi32, #tpu.memory_space<vmem>> -> memref<80xi32, #tpu.memory_space<vmem>>
    %dma_start3A_12 = arith.constant 0 : i32
    %dma_start3A_13 = arith.constant 0 : i32
    %dma_start3A_14 = tpu.memref_slice %arg3[%dma_start3A_12, %dma_start3A_13] : memref<1001x32xf32, #tpu.memory_space<hbm>> -> memref<1001x32xf32, #tpu.memory_space<hbm>>
    tpu.enqueue_indirect_dma source(%dma_start3A_14 : memref<1001x32xf32, #tpu.memory_space<hbm>>) target(%dma_start3A_8 : memref<80x32xf32, #tpu.memory_space<vmem>>) offsets(%dma_start3A_11 : memref<80xi32, #tpu.memory_space<vmem>>) semaphore(%arg9 : memref<!tpu.dma_semaphore, #tpu.memory_space<semaphore_mem>>)
    %dma_start3A_15 = arith.constant 0 : i32
    %dma_start3A_16 = arith.constant 1 : i32
    %dma_start3A_17 = arith.constant 0 : i32
    %dma_start3A_18 = arith.constant 80 : i32
    %dma_start3A_19 = arith.constant 0 : i32
    %dma_start3A_20 = tpu.memref_slice %arg8[%dma_start3A_17, %dma_start3A_18, %dma_start3A_19] : memref<2x1600x32xf32, #tpu.memory_space<vmem>> -> memref<1x80x32xf32, #tpu.memory_space<vmem>>
    %dma_start3A_21 = tpu.memref_squeeze %dma_start3A_20 : memref<1x80x32xf32, #tpu.memory_space<vmem>> -> memref<80x32xf32, #tpu.memory_space<vmem>>
    %dma_start3A_22 = arith.constant 0 : i32
    %dma_start3A_23 = tpu.memref_slice %arg7[%dma_start3A_15, %dma_start3A_16, %dma_start3A_22] : memref<3x20x80xi32, #tpu.memory_space<vmem>> -> memref<1x1x80xi32, #tpu.memory_space<vmem>>
    %dma_start3A_24 = tpu.memref_squeeze %dma_start3A_23 : memref<1x1x80xi32, #tpu.memory_space<vmem>> -> memref<80xi32, #tpu.memory_space<vmem>>
    %dma_start3A_25 = arith.constant 0 : i32
    %dma_start3A_26 = arith.constant 0 : i32
    %dma_start3A_27 = tpu.memref_slice %arg3[%dma_start3A_25, %dma_start3A_26] : memref<1001x32xf32, #tpu.memory_space<hbm>> -> memref<1001x32xf32, #tpu.memory_space<hbm>>
    tpu.enqueue_indirect_dma source(%dma_start3A_27 : memref<1001x32xf32, #tpu.memory_space<hbm>>) target(%dma_start3A_21 : memref<80x32xf32, #tpu.memory_space<vmem>>) offsets(%dma_start3A_24 : memref<80xi32, #tpu.memory_space<vmem>>) semaphore(%arg9 : memref<!tpu.dma_semaphore, #tpu.memory_space<semaphore_mem>>)
    %dma_start3A_28 = arith.constant 0 : i32
    %dma_start3A_29 = arith.constant 2 : i32
    %dma_start3A_30 = arith.constant 0 : i32
    %dma_start3A_31 = arith.constant 160 : i32
    %dma_start3A_32 = arith.constant 0 : i32
    %dma_start3A_33 = tpu.memref_slice %arg8[%dma_start3A_30, %dma_start3A_31, %dma_start3A_32] : memref<2x1600x32xf32, #tpu.memory_space<vmem>> -> memref<1x80x32xf32, #tpu.memory_space<vmem>>
    %dma_start3A_34 = tpu.memref_squeeze %dma_start3A_33 : memref<1x80x32xf32, #tpu.memory_space<vmem>> -> memref<80x32xf32, #tpu.memory_space<vmem>>
    %dma_start3A_35 = arith.constant 0 : i32
    %dma_start3A_36 = tpu.memref_slice %arg7[%dma_start3A_28, %dma_start3A_29, %dma_start3A_35] : memref<3x20x80xi32, #tpu.memory_space<vmem>> -> memref<1x1x80xi32, #tpu.memory_space<vmem>>
    %dma_start3A_37 = tpu.memref_squeeze %dma_start3A_36 : memref<1x1x80xi32, #tpu.memory_space<vmem>> -> memref<80xi32, #tpu.memory_space<vmem>>
    %dma_start3A_38 = arith.constant 0 : i32
    %dma_start3A_39 = arith.constant 0 : i32
    %dma_start3A_40 = tpu.memref_slice %arg3[%dma_start3A_38, %dma_start3A_39] : memref<1001x32xf32, #tpu.memory_space<hbm>> -> memref<1001x32xf32, #tpu.memory_space<hbm>>
    tpu.enqueue_indirect_dma source(%dma_start3A_40 : memref<1001x32xf32, #tpu.memory_space<hbm>>) target(%dma_start3A_34 : memref<80x32xf32, #tpu.memory_space<vmem>>) offsets(%dma_start3A_37 : memref<80xi32, #tpu.memory_space<vmem>>) semaphore(%arg9 : memref<!tpu.dma_semaphore, #tpu.memory_space<semaphore_mem>>)
    %dma_start3A_41 = arith.constant 0 : i32
    %dma_start3A_42 = arith.constant 3 : i32
    %dma_start3A_43 = arith.constant 0 : i32
    %dma_start3A_44 = arith.constant 240 : i32
    %dma_start3A_45 = arith.constant 0 : i32
    %dma_start3A_46 = tpu.memref_slice %arg8[%dma_start3A_43, %dma_start3A_44, %dma_start3A_45] : memref<2x1600x32xf32, #tpu.memory_space<vmem>> -> memref<1x80x32xf32, #tpu.memory_space<vmem>>
    %dma_start3A_47 = tpu.memref_squeeze %dma_start3A_46 : memref<1x80x32xf32, #tpu.memory_space<vmem>> -> memref<80x32xf32, #tpu.memory_space<vmem>>
    %dma_start3A_48 = arith.constant 0 : i32
    %dma_start3A_49 = tpu.memref_slice %arg7[%dma_start3A_41, %dma_start3A_42, %dma_start3A_48] : memref<3x20x80xi32, #tpu.memory_space<vmem>> -> memref<1x1x80xi32, #tpu.memory_space<vmem>>
    %dma_start3A_50 = tpu.memref_squeeze %dma_start3A_49 : memref<1x1x80xi32, #tpu.memory_space<vmem>> -> memref<80xi32, #tpu.memory_space<vmem>>
    %dma_start3A_51 = arith.constant 0 : i32
    %dma_start3A_52 = arith.constant 0 : i32
    %dma_start3A_53 = tpu.memref_slice %arg3[%dma_start3A_51, %dma_start3A_52] : memref<1001x32xf32, #tpu.memory_space<hbm>> -> memref<1001x32xf32, #tpu.memory_space<hbm>>
    tpu.enqueue_indirect_dma source(%dma_start3A_53 : memref<1001x32xf32, #tpu.memory_space<hbm>>) target(%dma_start3A_47 : memref<80x32xf32, #tpu.memory_space<vmem>>) offsets(%dma_start3A_50 : memref<80xi32, #tpu.memory_space<vmem>>) semaphore(%arg9 : memref<!tpu.dma_semaphore, #tpu.memory_space<semaphore_mem>>)
    %dma_start3A_54 = arith.constant 0 : i32
    %dma_start3A_55 = arith.constant 4 : i32
    %dma_start3A_56 = arith.constant 0 : i32
    %dma_start3A_57 = arith.constant 320 : i32
    %dma_start3A_58 = arith.constant 0 : i32
    %dma_start3A_59 = tpu.memref_slice %arg8[%dma_start3A_56, %dma_start3A_57, %dma_start3A_58] : memref<2x1600x32xf32, #tpu.memory_space<vmem>> -> memref<1x80x32xf32, #tpu.memory_space<vmem>>
    %dma_start3A_60 = tpu.memref_squeeze %dma_start3A_59 : memref<1x80x32xf32, #tpu.memory_space<vmem>> -> memref<80x32xf32, #tpu.memory_space<vmem>>
    %dma_start3A_61 = arith.constant 0 : i32
    %dma_start3A_62 = tpu.memref_slice %arg7[%dma_start3A_54, %dma_start3A_55, %dma_start3A_61] : memref<3x20x80xi32, #tpu.memory_space<vmem>> -> memref<1x1x80xi32, #tpu.memory_space<vmem>>
    %dma_start3A_63 = tpu.memref_squeeze %dma_start3A_62 : memref<1x1x80xi32, #tpu.memory_space<vmem>> -> memref<80xi32, #tpu.memory_space<vmem>>
    %dma_start3A_64 = arith.constant 0 : i32
    %dma_start3A_65 = arith.constant 0 : i32
    %dma_start3A_66 = tpu.memref_slice %arg3[%dma_start3A_64, %dma_start3A_65] : memref<1001x32xf32, #tpu.memory_space<hbm>> -> memref<1001x32xf32, #tpu.memory_space<hbm>>
    tpu.enqueue_indirect_dma source(%dma_start3A_66 : memref<1001x32xf32, #tpu.memory_space<hbm>>) target(%dma_start3A_60 : memref<80x32xf32, #tpu.memory_space<vmem>>) offsets(%dma_start3A_63 : memref<80xi32, #tpu.memory_space<vmem>>) semaphore(%arg9 : memref<!tpu.dma_semaphore, #tpu.memory_space<semaphore_mem>>)
    %dma_start3A_67 = arith.constant 0 : i32
    %dma_start3A_68 = arith.constant 5 : i32
    %dma_start3A_69 = arith.constant 0 : i32
    %dma_start3A_70 = arith.constant 400 : i32
    %dma_start3A_71 = arith.constant 0 : i32
    %dma_start3A_72 = tpu.memref_slice %arg8[%dma_start3A_69, %dma_start3A_70, %dma_start3A_71] : memref<2x1600x32xf32, #tpu.memory_space<vmem>> -> memref<1x80x32xf32, #tpu.memory_space<vmem>>
    %dma_start3A_73 = tpu.memref_squeeze %dma_start3A_72 : memref<1x80x32xf32, #tpu.memory_space<vmem>> -> memref<80x32xf32, #tpu.memory_space<vmem>>
    %dma_start3A_74 = arith.constant 0 : i32
    %dma_start3A_75 = tpu.memref_slice %arg7[%dma_start3A_67, %dma_start3A_68, %dma_start3A_74] : memref<3x20x80xi32, #tpu.memory_space<vmem>> -> memref<1x1x80xi32, #tpu.memory_space<vmem>>
    %dma_start3A_76 = tpu.memref_squeeze %dma_start3A_75 : memref<1x1x80xi32, #tpu.memory_space<vmem>> -> memref<80xi32, #tpu.memory_space<vmem>>
    %dma_start3A_77 = arith.constant 0 : i32
    %dma_start3A_78 = arith.constant 0 : i32
    %dma_start3A_79 = tpu.memref_slice %arg3[%dma_start3A_77, %dma_start3A_78] : memref<1001x32xf32, #tpu.memory_space<hbm>> -> memref<1001x32xf32, #tpu.memory_space<hbm>>
    tpu.enqueue_indirect_dma source(%dma_start3A_79 : memref<1001x32xf32, #tpu.memory_space<hbm>>) target(%dma_start3A_73 : memref<80x32xf32, #tpu.memory_space<vmem>>) offsets(%dma_start3A_76 : memref<80xi32, #tpu.memory_space<vmem>>) semaphore(%arg9 : memref<!tpu.dma_semaphore, #tpu.memory_space<semaphore_mem>>)
    %dma_start3A_80 = arith.constant 0 : i32
    %dma_start3A_81 = arith.constant 6 : i32
    %dma_start3A_82 = arith.constant 0 : i32
    %dma_start3A_83 = arith.constant 480 : i32
    %dma_start3A_84 = arith.constant 0 : i32
    %dma_start3A_85 = tpu.memref_slice %arg8[%dma_start3A_82, %dma_start3A_83, %dma_start3A_84] : memref<2x1600x32xf32, #tpu.memory_space<vmem>> -> memref<1x80x32xf32, #tpu.memory_space<vmem>>
    %dma_start3A_86 = tpu.memref_squeeze %dma_start3A_85 : memref<1x80x32xf32, #tpu.memory_space<vmem>> -> memref<80x32xf32, #tpu.memory_space<vmem>>
    %dma_start3A_87 = arith.constant 0 : i32
    %dma_start3A_88 = tpu.memref_slice %arg7[%dma_start3A_80, %dma_start3A_81, %dma_start3A_87] : memref<3x20x80xi32, #tpu.memory_space<vmem>> -> memref<1x1x80xi32, #tpu.memory_space<vmem>>
    %dma_start3A_89 = tpu.memref_squeeze %dma_start3A_88 : memref<1x1x80xi32, #tpu.memory_space<vmem>> -> memref<80xi32, #tpu.memory_space<vmem>>
    %dma_start3A_90 = arith.constant 0 : i32
    %dma_start3A_91 = arith.constant 0 : i32
    %dma_start3A_92 = tpu.memref_slice %arg3[%dma_start3A_90, %dma_start3A_91] : memref<1001x32xf32, #tpu.memory_space<hbm>> -> memref<1001x32xf32, #tpu.memory_space<hbm>>
    tpu.enqueue_indirect_dma source(%dma_start3A_92 : memref<1001x32xf32, #tpu.memory_space<hbm>>) target(%dma_start3A_86 : memref<80x32xf32, #tpu.memory_space<vmem>>) offsets(%dma_start3A_89 : memref<80xi32, #tpu.memory_space<vmem>>) semaphore(%arg9 : memref<!tpu.dma_semaphore, #tpu.memory_space<semaphore_mem>>)
    %dma_start3A_93 = arith.constant 0 : i32
    %dma_start3A_94 = arith.constant 7 : i32
    %dma_start3A_95 = arith.constant 0 : i32
    %dma_start3A_96 = arith.constant 560 : i32
    %dma_start3A_97 = arith.constant 0 : i32
    %dma_start3A_98 = tpu.memref_slice %arg8[%dma_start3A_95, %dma_start3A_96, %dma_start3A_97] : memref<2x1600x32xf32, #tpu.memory_space<vmem>> -> memref<1x80x32xf32, #tpu.memory_space<vmem>>
    %dma_start3A_99 = tpu.memref_squeeze %dma_start3A_98 : memref<1x80x32xf32, #tpu.memory_space<vmem>> -> memref<80x32xf32, #tpu.memory_space<vmem>>
    %dma_start3A_100 = arith.constant 0 : i32
    %dma_start3A_101 = tpu.memref_slice %arg7[%dma_start3A_93, %dma_start3A_94, %dma_start3A_100] : memref<3x20x80xi32, #tpu.memory_space<vmem>> -> memref<1x1x80xi32, #tpu.memory_space<vmem>>
    %dma_start3A_102 = tpu.memref_squeeze %dma_start3A_101 : memref<1x1x80xi32, #tpu.memory_space<vmem>> -> memref<80xi32, #tpu.memory_space<vmem>>
    %dma_start3A_103 = arith.constant 0 : i32
    %dma_start3A_104 = arith.constant 0 : i32
    %dma_start3A_105 = tpu.memref_slice %arg3[%dma_start3A_103, %dma_start3A_104] : memref<1001x32xf32, #tpu.memory_space<hbm>> -> memref<1001x32xf32, #tpu.memory_space<hbm>>
    tpu.enqueue_indirect_dma source(%dma_start3A_105 : memref<1001x32xf32, #tpu.memory_space<hbm>>) target(%dma_start3A_99 : memref<80x32xf32, #tpu.memory_space<vmem>>) offsets(%dma_start3A_102 : memref<80xi32, #tpu.memory_space<vmem>>) semaphore(%arg9 : memref<!tpu.dma_semaphore, #tpu.memory_space<semaphore_mem>>)
    %dma_start3A_106 = arith.constant 0 : i32
    %dma_start3A_107 = arith.constant 8 : i32
    %dma_start3A_108 = arith.constant 0 : i32
    %dma_start3A_109 = arith.constant 640 : i32
    %dma_start3A_110 = arith.constant 0 : i32
    %dma_start3A_111 = tpu.memref_slice %arg8[%dma_start3A_108, %dma_start3A_109, %dma_start3A_110] : memref<2x1600x32xf32, #tpu.memory_space<vmem>> -> memref<1x80x32xf32, #tpu.memory_space<vmem>>
    %dma_start3A_112 = tpu.memref_squeeze %dma_start3A_111 : memref<1x80x32xf32, #tpu.memory_space<vmem>> -> memref<80x32xf32, #tpu.memory_space<vmem>>
    %dma_start3A_113 = arith.constant 0 : i32
    %dma_start3A_114 = tpu.memref_slice %arg7[%dma_start3A_106, %dma_start3A_107, %dma_start3A_113] : memref<3x20x80xi32, #tpu.memory_space<vmem>> -> memref<1x1x80xi32, #tpu.memory_space<vmem>>
    %dma_start3A_115 = tpu.memref_squeeze %dma_start3A_114 : memref<1x1x80xi32, #tpu.memory_space<vmem>> -> memref<80xi32, #tpu.memory_space<vmem>>
    %dma_start3A_116 = arith.constant 0 : i32
    %dma_start3A_117 = arith.constant 0 : i32
    %dma_start3A_118 = tpu.memref_slice %arg3[%dma_start3A_116, %dma_start3A_117] : memref<1001x32xf32, #tpu.memory_space<hbm>> -> memref<1001x32xf32, #tpu.memory_space<hbm>>
    tpu.enqueue_indirect_dma source(%dma_start3A_118 : memref<1001x32xf32, #tpu.memory_space<hbm>>) target(%dma_start3A_112 : memref<80x32xf32, #tpu.memory_space<vmem>>) offsets(%dma_start3A_115 : memref<80xi32, #tpu.memory_space<vmem>>) semaphore(%arg9 : memref<!tpu.dma_semaphore, #tpu.memory_space<semaphore_mem>>)
    %dma_start3A_119 = arith.constant 0 : i32
    %dma_start3A_120 = arith.constant 9 : i32
    %dma_start3A_121 = arith.constant 0 : i32
    %dma_start3A_122 = arith.constant 720 : i32
    %dma_start3A_123 = arith.constant 0 : i32
    %dma_start3A_124 = tpu.memref_slice %arg8[%dma_start3A_121, %dma_start3A_122, %dma_start3A_123] : memref<2x1600x32xf32, #tpu.memory_space<vmem>> -> memref<1x80x32xf32, #tpu.memory_space<vmem>>
    %dma_start3A_125 = tpu.memref_squeeze %dma_start3A_124 : memref<1x80x32xf32, #tpu.memory_space<vmem>> -> memref<80x32xf32, #tpu.memory_space<vmem>>
    %dma_start3A_126 = arith.constant 0 : i32
    %dma_start3A_127 = tpu.memref_slice %arg7[%dma_start3A_119, %dma_start3A_120, %dma_start3A_126] : memref<3x20x80xi32, #tpu.memory_space<vmem>> -> memref<1x1x80xi32, #tpu.memory_space<vmem>>
    %dma_start3A_128 = tpu.memref_squeeze %dma_start3A_127 : memref<1x1x80xi32, #tpu.memory_space<vmem>> -> memref<80xi32, #tpu.memory_space<vmem>>
    %dma_start3A_129 = arith.constant 0 : i32
    %dma_start3A_130 = arith.constant 0 : i32
    %dma_start3A_131 = tpu.memref_slice %arg3[%dma_start3A_129, %dma_start3A_130] : memref<1001x32xf32, #tpu.memory_space<hbm>> -> memref<1001x32xf32, #tpu.memory_space<hbm>>
    tpu.enqueue_indirect_dma source(%dma_start3A_131 : memref<1001x32xf32, #tpu.memory_space<hbm>>) target(%dma_start3A_125 : memref<80x32xf32, #tpu.memory_space<vmem>>) offsets(%dma_start3A_128 : memref<80xi32, #tpu.memory_space<vmem>>) semaphore(%arg9 : memref<!tpu.dma_semaphore, #tpu.memory_space<semaphore_mem>>)
    %dma_start3A_132 = arith.constant 0 : i32
    %dma_start3A_133 = arith.constant 10 : i32
    %dma_start3A_134 = arith.constant 0 : i32
    %dma_start3A_135 = arith.constant 800 : i32
    %dma_start3A_136 = arith.constant 0 : i32
    %dma_start3A_137 = tpu.memref_slice %arg8[%dma_start3A_134, %dma_start3A_135, %dma_start3A_136] : memref<2x1600x32xf32, #tpu.memory_space<vmem>> -> memref<1x80x32xf32, #tpu.memory_space<vmem>>
    %dma_start3A_138 = tpu.memref_squeeze %dma_start3A_137 : memref<1x80x32xf32, #tpu.memory_space<vmem>> -> memref<80x32xf32, #tpu.memory_space<vmem>>
    %dma_start3A_139 = arith.constant 0 : i32
    %dma_start3A_140 = tpu.memref_slice %arg7[%dma_start3A_132, %dma_start3A_133, %dma_start3A_139] : memref<3x20x80xi32, #tpu.memory_space<vmem>> -> memref<1x1x80xi32, #tpu.memory_space<vmem>>
    %dma_start3A_141 = tpu.memref_squeeze %dma_start3A_140 : memref<1x1x80xi32, #tpu.memory_space<vmem>> -> memref<80xi32, #tpu.memory_space<vmem>>
    %dma_start3A_142 = arith.constant 0 : i32
    %dma_start3A_143 = arith.constant 0 : i32
    %dma_start3A_144 = tpu.memref_slice %arg3[%dma_start3A_142, %dma_start3A_143] : memref<1001x32xf32, #tpu.memory_space<hbm>> -> memref<1001x32xf32, #tpu.memory_space<hbm>>
    tpu.enqueue_indirect_dma source(%dma_start3A_144 : memref<1001x32xf32, #tpu.memory_space<hbm>>) target(%dma_start3A_138 : memref<80x32xf32, #tpu.memory_space<vmem>>) offsets(%dma_start3A_141 : memref<80xi32, #tpu.memory_space<vmem>>) semaphore(%arg9 : memref<!tpu.dma_semaphore, #tpu.memory_space<semaphore_mem>>)
    %dma_start3A_145 = arith.constant 0 : i32
    %dma_start3A_146 = arith.constant 11 : i32
    %dma_start3A_147 = arith.constant 0 : i32
    %dma_start3A_148 = arith.constant 880 : i32
    %dma_start3A_149 = arith.constant 0 : i32
    %dma_start3A_150 = tpu.memref_slice %arg8[%dma_start3A_147, %dma_start3A_148, %dma_start3A_149] : memref<2x1600x32xf32, #tpu.memory_space<vmem>> -> memref<1x80x32xf32, #tpu.memory_space<vmem>>
    %dma_start3A_151 = tpu.memref_squeeze %dma_start3A_150 : memref<1x80x32xf32, #tpu.memory_space<vmem>> -> memref<80x32xf32, #tpu.memory_space<vmem>>
    %dma_start3A_152 = arith.constant 0 : i32
    %dma_start3A_153 = tpu.memref_slice %arg7[%dma_start3A_145, %dma_start3A_146, %dma_start3A_152] : memref<3x20x80xi32, #tpu.memory_space<vmem>> -> memref<1x1x80xi32, #tpu.memory_space<vmem>>
    %dma_start3A_154 = tpu.memref_squeeze %dma_start3A_153 : memref<1x1x80xi32, #tpu.memory_space<vmem>> -> memref<80xi32, #tpu.memory_space<vmem>>
    %dma_start3A_155 = arith.constant 0 : i32
    %dma_start3A_156 = arith.constant 0 : i32
    %dma_start3A_157 = tpu.memref_slice %arg3[%dma_start3A_155, %dma_start3A_156] : memref<1001x32xf32, #tpu.memory_space<hbm>> -> memref<1001x32xf32, #tpu.memory_space<hbm>>
    tpu.enqueue_indirect_dma source(%dma_start3A_157 : memref<1001x32xf32, #tpu.memory_space<hbm>>) target(%dma_start3A_151 : memref<80x32xf32, #tpu.memory_space<vmem>>) offsets(%dma_start3A_154 : memref<80xi32, #tpu.memory_space<vmem>>) semaphore(%arg9 : memref<!tpu.dma_semaphore, #tpu.memory_space<semaphore_mem>>)
    %dma_start3A_158 = arith.constant 0 : i32
    %dma_start3A_159 = arith.constant 12 : i32
    %dma_start3A_160 = arith.constant 0 : i32
    %dma_start3A_161 = arith.constant 960 : i32
    %dma_start3A_162 = arith.constant 0 : i32
    %dma_start3A_163 = tpu.memref_slice %arg8[%dma_start3A_160, %dma_start3A_161, %dma_start3A_162] : memref<2x1600x32xf32, #tpu.memory_space<vmem>> -> memref<1x80x32xf32, #tpu.memory_space<vmem>>
    %dma_start3A_164 = tpu.memref_squeeze %dma_start3A_163 : memref<1x80x32xf32, #tpu.memory_space<vmem>> -> memref<80x32xf32, #tpu.memory_space<vmem>>
    %dma_start3A_165 = arith.constant 0 : i32
    %dma_start3A_166 = tpu.memref_slice %arg7[%dma_start3A_158, %dma_start3A_159, %dma_start3A_165] : memref<3x20x80xi32, #tpu.memory_space<vmem>> -> memref<1x1x80xi32, #tpu.memory_space<vmem>>
    %dma_start3A_167 = tpu.memref_squeeze %dma_start3A_166 : memref<1x1x80xi32, #tpu.memory_space<vmem>> -> memref<80xi32, #tpu.memory_space<vmem>>
    %dma_start3A_168 = arith.constant 0 : i32
    %dma_start3A_169 = arith.constant 0 : i32
    %dma_start3A_170 = tpu.memref_slice %arg3[%dma_start3A_168, %dma_start3A_169] : memref<1001x32xf32, #tpu.memory_space<hbm>> -> memref<1001x32xf32, #tpu.memory_space<hbm>>
    tpu.enqueue_indirect_dma source(%dma_start3A_170 : memref<1001x32xf32, #tpu.memory_space<hbm>>) target(%dma_start3A_164 : memref<80x32xf32, #tpu.memory_space<vmem>>) offsets(%dma_start3A_167 : memref<80xi32, #tpu.memory_space<vmem>>) semaphore(%arg9 : memref<!tpu.dma_semaphore, #tpu.memory_space<semaphore_mem>>)
    %dma_start3A_171 = arith.constant 0 : i32
    %dma_start3A_172 = arith.constant 13 : i32
    %dma_start3A_173 = arith.constant 0 : i32
    %dma_start3A_174 = arith.constant 1040 : i32
    %dma_start3A_175 = arith.constant 0 : i32
    %dma_start3A_176 = tpu.memref_slice %arg8[%dma_start3A_173, %dma_start3A_174, %dma_start3A_175] : memref<2x1600x32xf32, #tpu.memory_space<vmem>> -> memref<1x80x32xf32, #tpu.memory_space<vmem>>
    %dma_start3A_177 = tpu.memref_squeeze %dma_start3A_176 : memref<1x80x32xf32, #tpu.memory_space<vmem>> -> memref<80x32xf32, #tpu.memory_space<vmem>>
    %dma_start3A_178 = arith.constant 0 : i32
    %dma_start3A_179 = tpu.memref_slice %arg7[%dma_start3A_171, %dma_start3A_172, %dma_start3A_178] : memref<3x20x80xi32, #tpu.memory_space<vmem>> -> memref<1x1x80xi32, #tpu.memory_space<vmem>>
    %dma_start3A_180 = tpu.memref_squeeze %dma_start3A_179 : memref<1x1x80xi32, #tpu.memory_space<vmem>> -> memref<80xi32, #tpu.memory_space<vmem>>
    %dma_start3A_181 = arith.constant 0 : i32
    %dma_start3A_182 = arith.constant 0 : i32
    %dma_start3A_183 = tpu.memref_slice %arg3[%dma_start3A_181, %dma_start3A_182] : memref<1001x32xf32, #tpu.memory_space<hbm>> -> memref<1001x32xf32, #tpu.memory_space<hbm>>
    tpu.enqueue_indirect_dma source(%dma_start3A_183 : memref<1001x32xf32, #tpu.memory_space<hbm>>) target(%dma_start3A_177 : memref<80x32xf32, #tpu.memory_space<vmem>>) offsets(%dma_start3A_180 : memref<80xi32, #tpu.memory_space<vmem>>) semaphore(%arg9 : memref<!tpu.dma_semaphore, #tpu.memory_space<semaphore_mem>>)
    %dma_start3A_184 = arith.constant 0 : i32
    %dma_start3A_185 = arith.constant 14 : i32
    %dma_start3A_186 = arith.constant 0 : i32
    %dma_start3A_187 = arith.constant 1120 : i32
    %dma_start3A_188 = arith.constant 0 : i32
    %dma_start3A_189 = tpu.memref_slice %arg8[%dma_start3A_186, %dma_start3A_187, %dma_start3A_188] : memref<2x1600x32xf32, #tpu.memory_space<vmem>> -> memref<1x80x32xf32, #tpu.memory_space<vmem>>
    %dma_start3A_190 = tpu.memref_squeeze %dma_start3A_189 : memref<1x80x32xf32, #tpu.memory_space<vmem>> -> memref<80x32xf32, #tpu.memory_space<vmem>>
    %dma_start3A_191 = arith.constant 0 : i32
    %dma_start3A_192 = tpu.memref_slice %arg7[%dma_start3A_184, %dma_start3A_185, %dma_start3A_191] : memref<3x20x80xi32, #tpu.memory_space<vmem>> -> memref<1x1x80xi32, #tpu.memory_space<vmem>>
    %dma_start3A_193 = tpu.memref_squeeze %dma_start3A_192 : memref<1x1x80xi32, #tpu.memory_space<vmem>> -> memref<80xi32, #tpu.memory_space<vmem>>
    %dma_start3A_194 = arith.constant 0 : i32
    %dma_start3A_195 = arith.constant 0 : i32
    %dma_start3A_196 = tpu.memref_slice %arg3[%dma_start3A_194, %dma_start3A_195] : memref<1001x32xf32, #tpu.memory_space<hbm>> -> memref<1001x32xf32, #tpu.memory_space<hbm>>
    tpu.enqueue_indirect_dma source(%dma_start3A_196 : memref<1001x32xf32, #tpu.memory_space<hbm>>) target(%dma_start3A_190 : memref<80x32xf32, #tpu.memory_space<vmem>>) offsets(%dma_start3A_193 : memref<80xi32, #tpu.memory_space<vmem>>) semaphore(%arg9 : memref<!tpu.dma_semaphore, #tpu.memory_space<semaphore_mem>>)
    %dma_start3A_197 = arith.constant 0 : i32
    %dma_start3A_198 = arith.constant 15 : i32
    %dma_start3A_199 = arith.constant 0 : i32
    %dma_start3A_200 = arith.constant 1200 : i32
    %dma_start3A_201 = arith.constant 0 : i32
    %dma_start3A_202 = tpu.memref_slice %arg8[%dma_start3A_199, %dma_start3A_200, %dma_start3A_201] : memref<2x1600x32xf32, #tpu.memory_space<vmem>> -> memref<1x80x32xf32, #tpu.memory_space<vmem>>
    %dma_start3A_203 = tpu.memref_squeeze %dma_start3A_202 : memref<1x80x32xf32, #tpu.memory_space<vmem>> -> memref<80x32xf32, #tpu.memory_space<vmem>>
    %dma_start3A_204 = arith.constant 0 : i32
    %dma_start3A_205 = tpu.memref_slice %arg7[%dma_start3A_197, %dma_start3A_198, %dma_start3A_204] : memref<3x20x80xi32, #tpu.memory_space<vmem>> -> memref<1x1x80xi32, #tpu.memory_space<vmem>>
    %dma_start3A_206 = tpu.memref_squeeze %dma_start3A_205 : memref<1x1x80xi32, #tpu.memory_space<vmem>> -> memref<80xi32, #tpu.memory_space<vmem>>
    %dma_start3A_207 = arith.constant 0 : i32
    %dma_start3A_208 = arith.constant 0 : i32
    %dma_start3A_209 = tpu.memref_slice %arg3[%dma_start3A_207, %dma_start3A_208] : memref<1001x32xf32, #tpu.memory_space<hbm>> -> memref<1001x32xf32, #tpu.memory_space<hbm>>
    tpu.enqueue_indirect_dma source(%dma_start3A_209 : memref<1001x32xf32, #tpu.memory_space<hbm>>) target(%dma_start3A_203 : memref<80x32xf32, #tpu.memory_space<vmem>>) offsets(%dma_start3A_206 : memref<80xi32, #tpu.memory_space<vmem>>) semaphore(%arg9 : memref<!tpu.dma_semaphore, #tpu.memory_space<semaphore_mem>>)
    %dma_start3A_210 = arith.constant 0 : i32
    %dma_start3A_211 = arith.constant 16 : i32
    %dma_start3A_212 = arith.constant 0 : i32
    %dma_start3A_213 = arith.constant 1280 : i32
    %dma_start3A_214 = arith.constant 0 : i32
    %dma_start3A_215 = tpu.memref_slice %arg8[%dma_start3A_212, %dma_start3A_213, %dma_start3A_214] : memref<2x1600x32xf32, #tpu.memory_space<vmem>> -> memref<1x80x32xf32, #tpu.memory_space<vmem>>
    %dma_start3A_216 = tpu.memref_squeeze %dma_start3A_215 : memref<1x80x32xf32, #tpu.memory_space<vmem>> -> memref<80x32xf32, #tpu.memory_space<vmem>>
    %dma_start3A_217 = arith.constant 0 : i32
    %dma_start3A_218 = tpu.memref_slice %arg7[%dma_start3A_210, %dma_start3A_211, %dma_start3A_217] : memref<3x20x80xi32, #tpu.memory_space<vmem>> -> memref<1x1x80xi32, #tpu.memory_space<vmem>>
    %dma_start3A_219 = tpu.memref_squeeze %dma_start3A_218 : memref<1x1x80xi32, #tpu.memory_space<vmem>> -> memref<80xi32, #tpu.memory_space<vmem>>
    %dma_start3A_220 = arith.constant 0 : i32
    %dma_start3A_221 = arith.constant 0 : i32
    %dma_start3A_222 = tpu.memref_slice %arg3[%dma_start3A_220, %dma_start3A_221] : memref<1001x32xf32, #tpu.memory_space<hbm>> -> memref<1001x32xf32, #tpu.memory_space<hbm>>
    tpu.enqueue_indirect_dma source(%dma_start3A_222 : memref<1001x32xf32, #tpu.memory_space<hbm>>) target(%dma_start3A_216 : memref<80x32xf32, #tpu.memory_space<vmem>>) offsets(%dma_start3A_219 : memref<80xi32, #tpu.memory_space<vmem>>) semaphore(%arg9 : memref<!tpu.dma_semaphore, #tpu.memory_space<semaphore_mem>>)
    %dma_start3A_223 = arith.constant 0 : i32
    %dma_start3A_224 = arith.constant 17 : i32
    %dma_start3A_225 = arith.constant 0 : i32
    %dma_start3A_226 = arith.constant 1360 : i32
    %dma_start3A_227 = arith.constant 0 : i32
    %dma_start3A_228 = tpu.memref_slice %arg8[%dma_start3A_225, %dma_start3A_226, %dma_start3A_227] : memref<2x1600x32xf32, #tpu.memory_space<vmem>> -> memref<1x80x32xf32, #tpu.memory_space<vmem>>
    %dma_start3A_229 = tpu.memref_squeeze %dma_start3A_228 : memref<1x80x32xf32, #tpu.memory_space<vmem>> -> memref<80x32xf32, #tpu.memory_space<vmem>>
    %dma_start3A_230 = arith.constant 0 : i32
    %dma_start3A_231 = tpu.memref_slice %arg7[%dma_start3A_223, %dma_start3A_224, %dma_start3A_230] : memref<3x20x80xi32, #tpu.memory_space<vmem>> -> memref<1x1x80xi32, #tpu.memory_space<vmem>>
    %dma_start3A_232 = tpu.memref_squeeze %dma_start3A_231 : memref<1x1x80xi32, #tpu.memory_space<vmem>> -> memref<80xi32, #tpu.memory_space<vmem>>
    %dma_start3A_233 = arith.constant 0 : i32
    %dma_start3A_234 = arith.constant 0 : i32
    %dma_start3A_235 = tpu.memref_slice %arg3[%dma_start3A_233, %dma_start3A_234] : memref<1001x32xf32, #tpu.memory_space<hbm>> -> memref<1001x32xf32, #tpu.memory_space<hbm>>
    tpu.enqueue_indirect_dma source(%dma_start3A_235 : memref<1001x32xf32, #tpu.memory_space<hbm>>) target(%dma_start3A_229 : memref<80x32xf32, #tpu.memory_space<vmem>>) offsets(%dma_start3A_232 : memref<80xi32, #tpu.memory_space<vmem>>) semaphore(%arg9 : memref<!tpu.dma_semaphore, #tpu.memory_space<semaphore_mem>>)
    %dma_start3A_236 = arith.constant 0 : i32
    %dma_start3A_237 = arith.constant 18 : i32
    %dma_start3A_238 = arith.constant 0 : i32
    %dma_start3A_239 = arith.constant 1440 : i32
    %dma_start3A_240 = arith.constant 0 : i32
    %dma_start3A_241 = tpu.memref_slice %arg8[%dma_start3A_238, %dma_start3A_239, %dma_start3A_240] : memref<2x1600x32xf32, #tpu.memory_space<vmem>> -> memref<1x80x32xf32, #tpu.memory_space<vmem>>
    %dma_start3A_242 = tpu.memref_squeeze %dma_start3A_241 : memref<1x80x32xf32, #tpu.memory_space<vmem>> -> memref<80x32xf32, #tpu.memory_space<vmem>>
    %dma_start3A_243 = arith.constant 0 : i32
    %dma_start3A_244 = tpu.memref_slice %arg7[%dma_start3A_236, %dma_start3A_237, %dma_start3A_243] : memref<3x20x80xi32, #tpu.memory_space<vmem>> -> memref<1x1x80xi32, #tpu.memory_space<vmem>>
    %dma_start3A_245 = tpu.memref_squeeze %dma_start3A_244 : memref<1x1x80xi32, #tpu.memory_space<vmem>> -> memref<80xi32, #tpu.memory_space<vmem>>
    %dma_start3A_246 = arith.constant 0 : i32
    %dma_start3A_247 = arith.constant 0 : i32
    %dma_start3A_248 = tpu.memref_slice %arg3[%dma_start3A_246, %dma_start3A_247] : memref<1001x32xf32, #tpu.memory_space<hbm>> -> memref<1001x32xf32, #tpu.memory_space<hbm>>
    tpu.enqueue_indirect_dma source(%dma_start3A_248 : memref<1001x32xf32, #tpu.memory_space<hbm>>) target(%dma_start3A_242 : memref<80x32xf32, #tpu.memory_space<vmem>>) offsets(%dma_start3A_245 : memref<80xi32, #tpu.memory_space<vmem>>) semaphore(%arg9 : memref<!tpu.dma_semaphore, #tpu.memory_space<semaphore_mem>>)
    %dma_start3A_249 = arith.constant 0 : i32
    %dma_start3A_250 = arith.constant 19 : i32
    %dma_start3A_251 = arith.constant 0 : i32
    %dma_start3A_252 = arith.constant 1520 : i32
    %dma_start3A_253 = arith.constant 0 : i32
    %dma_start3A_254 = tpu.memref_slice %arg8[%dma_start3A_251, %dma_start3A_252, %dma_start3A_253] : memref<2x1600x32xf32, #tpu.memory_space<vmem>> -> memref<1x80x32xf32, #tpu.memory_space<vmem>>
    %dma_start3A_255 = tpu.memref_squeeze %dma_start3A_254 : memref<1x80x32xf32, #tpu.memory_space<vmem>> -> memref<80x32xf32, #tpu.memory_space<vmem>>
    %dma_start3A_256 = arith.constant 0 : i32
    %dma_start3A_257 = tpu.memref_slice %arg7[%dma_start3A_249, %dma_start3A_250, %dma_start3A_256] : memref<3x20x80xi32, #tpu.memory_space<vmem>> -> memref<1x1x80xi32, #tpu.memory_space<vmem>>
    %dma_start3A_258 = tpu.memref_squeeze %dma_start3A_257 : memref<1x1x80xi32, #tpu.memory_space<vmem>> -> memref<80xi32, #tpu.memory_space<vmem>>
    %dma_start3A_259 = arith.constant 0 : i32
    %dma_start3A_260 = arith.constant 0 : i32
    %dma_start3A_261 = tpu.memref_slice %arg3[%dma_start3A_259, %dma_start3A_260] : memref<1001x32xf32, #tpu.memory_space<hbm>> -> memref<1001x32xf32, #tpu.memory_space<hbm>>
    tpu.enqueue_indirect_dma source(%dma_start3A_261 : memref<1001x32xf32, #tpu.memory_space<hbm>>) target(%dma_start3A_255 : memref<80x32xf32, #tpu.memory_space<vmem>>) offsets(%dma_start3A_258 : memref<80xi32, #tpu.memory_space<vmem>>) semaphore(%arg9 : memref<!tpu.dma_semaphore, #tpu.memory_space<semaphore_mem>>)
    %dma_start3A_262 = arith.constant 1 : i32
    %dma_start3A_263 = arith.constant 0 : i32
    %dma_start3A_264 = arith.constant 1 : i32
    %dma_start3A_265 = arith.constant 0 : i32
    %dma_start3A_266 = arith.constant 0 : i32
    %dma_start3A_267 = tpu.memref_slice %arg8[%dma_start3A_264, %dma_start3A_265, %dma_start3A_266] : memref<2x1600x32xf32, #tpu.memory_space<vmem>> -> memref<1x80x32xf32, #tpu.memory_space<vmem>>
    %dma_start3A_268 = tpu.memref_squeeze %dma_start3A_267 : memref<1x80x32xf32, #tpu.memory_space<vmem>> -> memref<80x32xf32, #tpu.memory_space<vmem>>
    %dma_start3A_269 = arith.constant 0 : i32
    %dma_start3A_270 = tpu.memref_slice %arg7[%dma_start3A_262, %dma_start3A_263, %dma_start3A_269] : memref<3x20x80xi32, #tpu.memory_space<vmem>> -> memref<1x1x80xi32, #tpu.memory_space<vmem>>
    %dma_start3A_271 = tpu.memref_squeeze %dma_start3A_270 : memref<1x1x80xi32, #tpu.memory_space<vmem>> -> memref<80xi32, #tpu.memory_space<vmem>>
    %dma_start3A_272 = arith.constant 0 : i32
    %dma_start3A_273 = arith.constant 0 : i32
    %dma_start3A_274 = tpu.memref_slice %arg4[%dma_start3A_272, %dma_start3A_273] : memref<100001x32xf32, #tpu.memory_space<hbm>> -> memref<100001x32xf32, #tpu.memory_space<hbm>>
    tpu.enqueue_indirect_dma source(%dma_start3A_274 : memref<100001x32xf32, #tpu.memory_space<hbm>>) target(%dma_start3A_268 : memref<80x32xf32, #tpu.memory_space<vmem>>) offsets(%dma_start3A_271 : memref<80xi32, #tpu.memory_space<vmem>>) semaphore(%arg9 : memref<!tpu.dma_semaphore, #tpu.memory_space<semaphore_mem>>)
    %dma_start3A_275 = arith.constant 1 : i32
    %dma_start3A_276 = arith.constant 1 : i32
    %dma_start3A_277 = arith.constant 1 : i32
    %dma_start3A_278 = arith.constant 80 : i32
    %dma_start3A_279 = arith.constant 0 : i32
    %dma_start3A_280 = tpu.memref_slice %arg8[%dma_start3A_277, %dma_start3A_278, %dma_start3A_279] : memref<2x1600x32xf32, #tpu.memory_space<vmem>> -> memref<1x80x32xf32, #tpu.memory_space<vmem>>
    %dma_start3A_281 = tpu.memref_squeeze %dma_start3A_280 : memref<1x80x32xf32, #tpu.memory_space<vmem>> -> memref<80x32xf32, #tpu.memory_space<vmem>>
    %dma_start3A_282 = arith.constant 0 : i32
    %dma_start3A_283 = tpu.memref_slice %arg7[%dma_start3A_275, %dma_start3A_276, %dma_start3A_282] : memref<3x20x80xi32, #tpu.memory_space<vmem>> -> memref<1x1x80xi32, #tpu.memory_space<vmem>>
    %dma_start3A_284 = tpu.memref_squeeze %dma_start3A_283 : memref<1x1x80xi32, #tpu.memory_space<vmem>> -> memref<80xi32, #tpu.memory_space<vmem>>
    %dma_start3A_285 = arith.constant 0 : i32
    %dma_start3A_286 = arith.constant 0 : i32
    %dma_start3A_287 = tpu.memref_slice %arg4[%dma_start3A_285, %dma_start3A_286] : memref<100001x32xf32, #tpu.memory_space<hbm>> -> memref<100001x32xf32, #tpu.memory_space<hbm>>
    tpu.enqueue_indirect_dma source(%dma_start3A_287 : memref<100001x32xf32, #tpu.memory_space<hbm>>) target(%dma_start3A_281 : memref<80x32xf32, #tpu.memory_space<vmem>>) offsets(%dma_start3A_284 : memref<80xi32, #tpu.memory_space<vmem>>) semaphore(%arg9 : memref<!tpu.dma_semaphore, #tpu.memory_space<semaphore_mem>>)
    %dma_start3A_288 = arith.constant 1 : i32
    %dma_start3A_289 = arith.constant 2 : i32
    %dma_start3A_290 = arith.constant 1 : i32
    %dma_start3A_291 = arith.constant 160 : i32
    %dma_start3A_292 = arith.constant 0 : i32
    %dma_start3A_293 = tpu.memref_slice %arg8[%dma_start3A_290, %dma_start3A_291, %dma_start3A_292] : memref<2x1600x32xf32, #tpu.memory_space<vmem>> -> memref<1x80x32xf32, #tpu.memory_space<vmem>>
    %dma_start3A_294 = tpu.memref_squeeze %dma_start3A_293 : memref<1x80x32xf32, #tpu.memory_space<vmem>> -> memref<80x32xf32, #tpu.memory_space<vmem>>
    %dma_start3A_295 = arith.constant 0 : i32
    %dma_start3A_296 = tpu.memref_slice %arg7[%dma_start3A_288, %dma_start3A_289, %dma_start3A_295] : memref<3x20x80xi32, #tpu.memory_space<vmem>> -> memref<1x1x80xi32, #tpu.memory_space<vmem>>
    %dma_start3A_297 = tpu.memref_squeeze %dma_start3A_296 : memref<1x1x80xi32, #tpu.memory_space<vmem>> -> memref<80xi32, #tpu.memory_space<vmem>>
    %dma_start3A_298 = arith.constant 0 : i32
    %dma_start3A_299 = arith.constant 0 : i32
    %dma_start3A_300 = tpu.memref_slice %arg4[%dma_start3A_298, %dma_start3A_299] : memref<100001x32xf32, #tpu.memory_space<hbm>> -> memref<100001x32xf32, #tpu.memory_space<hbm>>
    tpu.enqueue_indirect_dma source(%dma_start3A_300 : memref<100001x32xf32, #tpu.memory_space<hbm>>) target(%dma_start3A_294 : memref<80x32xf32, #tpu.memory_space<vmem>>) offsets(%dma_start3A_297 : memref<80xi32, #tpu.memory_space<vmem>>) semaphore(%arg9 : memref<!tpu.dma_semaphore, #tpu.memory_space<semaphore_mem>>)
    %dma_start3A_301 = arith.constant 1 : i32
    %dma_start3A_302 = arith.constant 3 : i32
    %dma_start3A_303 = arith.constant 1 : i32
    %dma_start3A_304 = arith.constant 240 : i32
    %dma_start3A_305 = arith.constant 0 : i32
    %dma_start3A_306 = tpu.memref_slice %arg8[%dma_start3A_303, %dma_start3A_304, %dma_start3A_305] : memref<2x1600x32xf32, #tpu.memory_space<vmem>> -> memref<1x80x32xf32, #tpu.memory_space<vmem>>
    %dma_start3A_307 = tpu.memref_squeeze %dma_start3A_306 : memref<1x80x32xf32, #tpu.memory_space<vmem>> -> memref<80x32xf32, #tpu.memory_space<vmem>>
    %dma_start3A_308 = arith.constant 0 : i32
    %dma_start3A_309 = tpu.memref_slice %arg7[%dma_start3A_301, %dma_start3A_302, %dma_start3A_308] : memref<3x20x80xi32, #tpu.memory_space<vmem>> -> memref<1x1x80xi32, #tpu.memory_space<vmem>>
    %dma_start3A_310 = tpu.memref_squeeze %dma_start3A_309 : memref<1x1x80xi32, #tpu.memory_space<vmem>> -> memref<80xi32, #tpu.memory_space<vmem>>
    %dma_start3A_311 = arith.constant 0 : i32
    %dma_start3A_312 = arith.constant 0 : i32
    %dma_start3A_313 = tpu.memref_slice %arg4[%dma_start3A_311, %dma_start3A_312] : memref<100001x32xf32, #tpu.memory_space<hbm>> -> memref<100001x32xf32, #tpu.memory_space<hbm>>
    tpu.enqueue_indirect_dma source(%dma_start3A_313 : memref<100001x32xf32, #tpu.memory_space<hbm>>) target(%dma_start3A_307 : memref<80x32xf32, #tpu.memory_space<vmem>>) offsets(%dma_start3A_310 : memref<80xi32, #tpu.memory_space<vmem>>) semaphore(%arg9 : memref<!tpu.dma_semaphore, #tpu.memory_space<semaphore_mem>>)
    %dma_start3A_314 = arith.constant 1 : i32
    %dma_start3A_315 = arith.constant 4 : i32
    %dma_start3A_316 = arith.constant 1 : i32
    %dma_start3A_317 = arith.constant 320 : i32
    %dma_start3A_318 = arith.constant 0 : i32
    %dma_start3A_319 = tpu.memref_slice %arg8[%dma_start3A_316, %dma_start3A_317, %dma_start3A_318] : memref<2x1600x32xf32, #tpu.memory_space<vmem>> -> memref<1x80x32xf32, #tpu.memory_space<vmem>>
    %dma_start3A_320 = tpu.memref_squeeze %dma_start3A_319 : memref<1x80x32xf32, #tpu.memory_space<vmem>> -> memref<80x32xf32, #tpu.memory_space<vmem>>
    %dma_start3A_321 = arith.constant 0 : i32
    %dma_start3A_322 = tpu.memref_slice %arg7[%dma_start3A_314, %dma_start3A_315, %dma_start3A_321] : memref<3x20x80xi32, #tpu.memory_space<vmem>> -> memref<1x1x80xi32, #tpu.memory_space<vmem>>
    %dma_start3A_323 = tpu.memref_squeeze %dma_start3A_322 : memref<1x1x80xi32, #tpu.memory_space<vmem>> -> memref<80xi32, #tpu.memory_space<vmem>>
    %dma_start3A_324 = arith.constant 0 : i32
    %dma_start3A_325 = arith.constant 0 : i32
    %dma_start3A_326 = tpu.memref_slice %arg4[%dma_start3A_324, %dma_start3A_325] : memref<100001x32xf32, #tpu.memory_space<hbm>> -> memref<100001x32xf32, #tpu.memory_space<hbm>>
    tpu.enqueue_indirect_dma source(%dma_start3A_326 : memref<100001x32xf32, #tpu.memory_space<hbm>>) target(%dma_start3A_320 : memref<80x32xf32, #tpu.memory_space<vmem>>) offsets(%dma_start3A_323 : memref<80xi32, #tpu.memory_space<vmem>>) semaphore(%arg9 : memref<!tpu.dma_semaphore, #tpu.memory_space<semaphore_mem>>)
    %dma_start3A_327 = arith.constant 1 : i32
    %dma_start3A_328 = arith.constant 5 : i32
    %dma_start3A_329 = arith.constant 1 : i32
    %dma_start3A_330 = arith.constant 400 : i32
    %dma_start3A_331 = arith.constant 0 : i32
    %dma_start3A_332 = tpu.memref_slice %arg8[%dma_start3A_329, %dma_start3A_330, %dma_start3A_331] : memref<2x1600x32xf32, #tpu.memory_space<vmem>> -> memref<1x80x32xf32, #tpu.memory_space<vmem>>
    %dma_start3A_333 = tpu.memref_squeeze %dma_start3A_332 : memref<1x80x32xf32, #tpu.memory_space<vmem>> -> memref<80x32xf32, #tpu.memory_space<vmem>>
    %dma_start3A_334 = arith.constant 0 : i32
    %dma_start3A_335 = tpu.memref_slice %arg7[%dma_start3A_327, %dma_start3A_328, %dma_start3A_334] : memref<3x20x80xi32, #tpu.memory_space<vmem>> -> memref<1x1x80xi32, #tpu.memory_space<vmem>>
    %dma_start3A_336 = tpu.memref_squeeze %dma_start3A_335 : memref<1x1x80xi32, #tpu.memory_space<vmem>> -> memref<80xi32, #tpu.memory_space<vmem>>
    %dma_start3A_337 = arith.constant 0 : i32
    %dma_start3A_338 = arith.constant 0 : i32
    %dma_start3A_339 = tpu.memref_slice %arg4[%dma_start3A_337, %dma_start3A_338] : memref<100001x32xf32, #tpu.memory_space<hbm>> -> memref<100001x32xf32, #tpu.memory_space<hbm>>
    tpu.enqueue_indirect_dma source(%dma_start3A_339 : memref<100001x32xf32, #tpu.memory_space<hbm>>) target(%dma_start3A_333 : memref<80x32xf32, #tpu.memory_space<vmem>>) offsets(%dma_start3A_336 : memref<80xi32, #tpu.memory_space<vmem>>) semaphore(%arg9 : memref<!tpu.dma_semaphore, #tpu.memory_space<semaphore_mem>>)
    %dma_start3A_340 = arith.constant 1 : i32
    %dma_start3A_341 = arith.constant 6 : i32
    %dma_start3A_342 = arith.constant 1 : i32
    %dma_start3A_343 = arith.constant 480 : i32
    %dma_start3A_344 = arith.constant 0 : i32
    %dma_start3A_345 = tpu.memref_slice %arg8[%dma_start3A_342, %dma_start3A_343, %dma_start3A_344] : memref<2x1600x32xf32, #tpu.memory_space<vmem>> -> memref<1x80x32xf32, #tpu.memory_space<vmem>>
    %dma_start3A_346 = tpu.memref_squeeze %dma_start3A_345 : memref<1x80x32xf32, #tpu.memory_space<vmem>> -> memref<80x32xf32, #tpu.memory_space<vmem>>
    %dma_start3A_347 = arith.constant 0 : i32
    %dma_start3A_348 = tpu.memref_slice %arg7[%dma_start3A_340, %dma_start3A_341, %dma_start3A_347] : memref<3x20x80xi32, #tpu.memory_space<vmem>> -> memref<1x1x80xi32, #tpu.memory_space<vmem>>
    %dma_start3A_349 = tpu.memref_squeeze %dma_start3A_348 : memref<1x1x80xi32, #tpu.memory_space<vmem>> -> memref<80xi32, #tpu.memory_space<vmem>>
    %dma_start3A_350 = arith.constant 0 : i32
    %dma_start3A_351 = arith.constant 0 : i32
    %dma_start3A_352 = tpu.memref_slice %arg4[%dma_start3A_350, %dma_start3A_351] : memref<100001x32xf32, #tpu.memory_space<hbm>> -> memref<100001x32xf32, #tpu.memory_space<hbm>>
    tpu.enqueue_indirect_dma source(%dma_start3A_352 : memref<100001x32xf32, #tpu.memory_space<hbm>>) target(%dma_start3A_346 : memref<80x32xf32, #tpu.memory_space<vmem>>) offsets(%dma_start3A_349 : memref<80xi32, #tpu.memory_space<vmem>>) semaphore(%arg9 : memref<!tpu.dma_semaphore, #tpu.memory_space<semaphore_mem>>)
    %dma_start3A_353 = arith.constant 1 : i32
    %dma_start3A_354 = arith.constant 7 : i32
    %dma_start3A_355 = arith.constant 1 : i32
    %dma_start3A_356 = arith.constant 560 : i32
    %dma_start3A_357 = arith.constant 0 : i32
    %dma_start3A_358 = tpu.memref_slice %arg8[%dma_start3A_355, %dma_start3A_356, %dma_start3A_357] : memref<2x1600x32xf32, #tpu.memory_space<vmem>> -> memref<1x80x32xf32, #tpu.memory_space<vmem>>
    %dma_start3A_359 = tpu.memref_squeeze %dma_start3A_358 : memref<1x80x32xf32, #tpu.memory_space<vmem>> -> memref<80x32xf32, #tpu.memory_space<vmem>>
    %dma_start3A_360 = arith.constant 0 : i32
    %dma_start3A_361 = tpu.memref_slice %arg7[%dma_start3A_353, %dma_start3A_354, %dma_start3A_360] : memref<3x20x80xi32, #tpu.memory_space<vmem>> -> memref<1x1x80xi32, #tpu.memory_space<vmem>>
    %dma_start3A_362 = tpu.memref_squeeze %dma_start3A_361 : memref<1x1x80xi32, #tpu.memory_space<vmem>> -> memref<80xi32, #tpu.memory_space<vmem>>
    %dma_start3A_363 = arith.constant 0 : i32
    %dma_start3A_364 = arith.constant 0 : i32
    %dma_start3A_365 = tpu.memref_slice %arg4[%dma_start3A_363, %dma_start3A_364] : memref<100001x32xf32, #tpu.memory_space<hbm>> -> memref<100001x32xf32, #tpu.memory_space<hbm>>
    tpu.enqueue_indirect_dma source(%dma_start3A_365 : memref<100001x32xf32, #tpu.memory_space<hbm>>) target(%dma_start3A_359 : memref<80x32xf32, #tpu.memory_space<vmem>>) offsets(%dma_start3A_362 : memref<80xi32, #tpu.memory_space<vmem>>) semaphore(%arg9 : memref<!tpu.dma_semaphore, #tpu.memory_space<semaphore_mem>>)
    %dma_start3A_366 = arith.constant 1 : i32
    %dma_start3A_367 = arith.constant 8 : i32
    %dma_start3A_368 = arith.constant 1 : i32
    %dma_start3A_369 = arith.constant 640 : i32
    %dma_start3A_370 = arith.constant 0 : i32
    %dma_start3A_371 = tpu.memref_slice %arg8[%dma_start3A_368, %dma_start3A_369, %dma_start3A_370] : memref<2x1600x32xf32, #tpu.memory_space<vmem>> -> memref<1x80x32xf32, #tpu.memory_space<vmem>>
    %dma_start3A_372 = tpu.memref_squeeze %dma_start3A_371 : memref<1x80x32xf32, #tpu.memory_space<vmem>> -> memref<80x32xf32, #tpu.memory_space<vmem>>
    %dma_start3A_373 = arith.constant 0 : i32
    %dma_start3A_374 = tpu.memref_slice %arg7[%dma_start3A_366, %dma_start3A_367, %dma_start3A_373] : memref<3x20x80xi32, #tpu.memory_space<vmem>> -> memref<1x1x80xi32, #tpu.memory_space<vmem>>
    %dma_start3A_375 = tpu.memref_squeeze %dma_start3A_374 : memref<1x1x80xi32, #tpu.memory_space<vmem>> -> memref<80xi32, #tpu.memory_space<vmem>>
    %dma_start3A_376 = arith.constant 0 : i32
    %dma_start3A_377 = arith.constant 0 : i32
    %dma_start3A_378 = tpu.memref_slice %arg4[%dma_start3A_376, %dma_start3A_377] : memref<100001x32xf32, #tpu.memory_space<hbm>> -> memref<100001x32xf32, #tpu.memory_space<hbm>>
    tpu.enqueue_indirect_dma source(%dma_start3A_378 : memref<100001x32xf32, #tpu.memory_space<hbm>>) target(%dma_start3A_372 : memref<80x32xf32, #tpu.memory_space<vmem>>) offsets(%dma_start3A_375 : memref<80xi32, #tpu.memory_space<vmem>>) semaphore(%arg9 : memref<!tpu.dma_semaphore, #tpu.memory_space<semaphore_mem>>)
    %dma_start3A_379 = arith.constant 1 : i32
    %dma_start3A_380 = arith.constant 9 : i32
    %dma_start3A_381 = arith.constant 1 : i32
    %dma_start3A_382 = arith.constant 720 : i32
    %dma_start3A_383 = arith.constant 0 : i32
    %dma_start3A_384 = tpu.memref_slice %arg8[%dma_start3A_381, %dma_start3A_382, %dma_start3A_383] : memref<2x1600x32xf32, #tpu.memory_space<vmem>> -> memref<1x80x32xf32, #tpu.memory_space<vmem>>
    %dma_start3A_385 = tpu.memref_squeeze %dma_start3A_384 : memref<1x80x32xf32, #tpu.memory_space<vmem>> -> memref<80x32xf32, #tpu.memory_space<vmem>>
    %dma_start3A_386 = arith.constant 0 : i32
    %dma_start3A_387 = tpu.memref_slice %arg7[%dma_start3A_379, %dma_start3A_380, %dma_start3A_386] : memref<3x20x80xi32, #tpu.memory_space<vmem>> -> memref<1x1x80xi32, #tpu.memory_space<vmem>>
    %dma_start3A_388 = tpu.memref_squeeze %dma_start3A_387 : memref<1x1x80xi32, #tpu.memory_space<vmem>> -> memref<80xi32, #tpu.memory_space<vmem>>
    %dma_start3A_389 = arith.constant 0 : i32
    %dma_start3A_390 = arith.constant 0 : i32
    %dma_start3A_391 = tpu.memref_slice %arg4[%dma_start3A_389, %dma_start3A_390] : memref<100001x32xf32, #tpu.memory_space<hbm>> -> memref<100001x32xf32, #tpu.memory_space<hbm>>
    tpu.enqueue_indirect_dma source(%dma_start3A_391 : memref<100001x32xf32, #tpu.memory_space<hbm>>) target(%dma_start3A_385 : memref<80x32xf32, #tpu.memory_space<vmem>>) offsets(%dma_start3A_388 : memref<80xi32, #tpu.memory_space<vmem>>) semaphore(%arg9 : memref<!tpu.dma_semaphore, #tpu.memory_space<semaphore_mem>>)
    %dma_start3A_392 = arith.constant 1 : i32
    %dma_start3A_393 = arith.constant 10 : i32
    %dma_start3A_394 = arith.constant 1 : i32
    %dma_start3A_395 = arith.constant 800 : i32
    %dma_start3A_396 = arith.constant 0 : i32
    %dma_start3A_397 = tpu.memref_slice %arg8[%dma_start3A_394, %dma_start3A_395, %dma_start3A_396] : memref<2x1600x32xf32, #tpu.memory_space<vmem>> -> memref<1x80x32xf32, #tpu.memory_space<vmem>>
    %dma_start3A_398 = tpu.memref_squeeze %dma_start3A_397 : memref<1x80x32xf32, #tpu.memory_space<vmem>> -> memref<80x32xf32, #tpu.memory_space<vmem>>
    %dma_start3A_399 = arith.constant 0 : i32
    %dma_start3A_400 = tpu.memref_slice %arg7[%dma_start3A_392, %dma_start3A_393, %dma_start3A_399] : memref<3x20x80xi32, #tpu.memory_space<vmem>> -> memref<1x1x80xi32, #tpu.memory_space<vmem>>
    %dma_start3A_401 = tpu.memref_squeeze %dma_start3A_400 : memref<1x1x80xi32, #tpu.memory_space<vmem>> -> memref<80xi32, #tpu.memory_space<vmem>>
    %dma_start3A_402 = arith.constant 0 : i32
    %dma_start3A_403 = arith.constant 0 : i32
    %dma_start3A_404 = tpu.memref_slice %arg4[%dma_start3A_402, %dma_start3A_403] : memref<100001x32xf32, #tpu.memory_space<hbm>> -> memref<100001x32xf32, #tpu.memory_space<hbm>>
    tpu.enqueue_indirect_dma source(%dma_start3A_404 : memref<100001x32xf32, #tpu.memory_space<hbm>>) target(%dma_start3A_398 : memref<80x32xf32, #tpu.memory_space<vmem>>) offsets(%dma_start3A_401 : memref<80xi32, #tpu.memory_space<vmem>>) semaphore(%arg9 : memref<!tpu.dma_semaphore, #tpu.memory_space<semaphore_mem>>)
    %dma_start3A_405 = arith.constant 1 : i32
    %dma_start3A_406 = arith.constant 11 : i32
    %dma_start3A_407 = arith.constant 1 : i32
    %dma_start3A_408 = arith.constant 880 : i32
    %dma_start3A_409 = arith.constant 0 : i32
    %dma_start3A_410 = tpu.memref_slice %arg8[%dma_start3A_407, %dma_start3A_408, %dma_start3A_409] : memref<2x1600x32xf32, #tpu.memory_space<vmem>> -> memref<1x80x32xf32, #tpu.memory_space<vmem>>
    %dma_start3A_411 = tpu.memref_squeeze %dma_start3A_410 : memref<1x80x32xf32, #tpu.memory_space<vmem>> -> memref<80x32xf32, #tpu.memory_space<vmem>>
    %dma_start3A_412 = arith.constant 0 : i32
    %dma_start3A_413 = tpu.memref_slice %arg7[%dma_start3A_405, %dma_start3A_406, %dma_start3A_412] : memref<3x20x80xi32, #tpu.memory_space<vmem>> -> memref<1x1x80xi32, #tpu.memory_space<vmem>>
    %dma_start3A_414 = tpu.memref_squeeze %dma_start3A_413 : memref<1x1x80xi32, #tpu.memory_space<vmem>> -> memref<80xi32, #tpu.memory_space<vmem>>
    %dma_start3A_415 = arith.constant 0 : i32
    %dma_start3A_416 = arith.constant 0 : i32
    %dma_start3A_417 = tpu.memref_slice %arg4[%dma_start3A_415, %dma_start3A_416] : memref<100001x32xf32, #tpu.memory_space<hbm>> -> memref<100001x32xf32, #tpu.memory_space<hbm>>
    tpu.enqueue_indirect_dma source(%dma_start3A_417 : memref<100001x32xf32, #tpu.memory_space<hbm>>) target(%dma_start3A_411 : memref<80x32xf32, #tpu.memory_space<vmem>>) offsets(%dma_start3A_414 : memref<80xi32, #tpu.memory_space<vmem>>) semaphore(%arg9 : memref<!tpu.dma_semaphore, #tpu.memory_space<semaphore_mem>>)
    %dma_start3A_418 = arith.constant 1 : i32
    %dma_start3A_419 = arith.constant 12 : i32
    %dma_start3A_420 = arith.constant 1 : i32
    %dma_start3A_421 = arith.constant 960 : i32
    %dma_start3A_422 = arith.constant 0 : i32
    %dma_start3A_423 = tpu.memref_slice %arg8[%dma_start3A_420, %dma_start3A_421, %dma_start3A_422] : memref<2x1600x32xf32, #tpu.memory_space<vmem>> -> memref<1x80x32xf32, #tpu.memory_space<vmem>>
    %dma_start3A_424 = tpu.memref_squeeze %dma_start3A_423 : memref<1x80x32xf32, #tpu.memory_space<vmem>> -> memref<80x32xf32, #tpu.memory_space<vmem>>
    %dma_start3A_425 = arith.constant 0 : i32
    %dma_start3A_426 = tpu.memref_slice %arg7[%dma_start3A_418, %dma_start3A_419, %dma_start3A_425] : memref<3x20x80xi32, #tpu.memory_space<vmem>> -> memref<1x1x80xi32, #tpu.memory_space<vmem>>
    %dma_start3A_427 = tpu.memref_squeeze %dma_start3A_426 : memref<1x1x80xi32, #tpu.memory_space<vmem>> -> memref<80xi32, #tpu.memory_space<vmem>>
    %dma_start3A_428 = arith.constant 0 : i32
    %dma_start3A_429 = arith.constant 0 : i32
    %dma_start3A_430 = tpu.memref_slice %arg4[%dma_start3A_428, %dma_start3A_429] : memref<100001x32xf32, #tpu.memory_space<hbm>> -> memref<100001x32xf32, #tpu.memory_space<hbm>>
    tpu.enqueue_indirect_dma source(%dma_start3A_430 : memref<100001x32xf32, #tpu.memory_space<hbm>>) target(%dma_start3A_424 : memref<80x32xf32, #tpu.memory_space<vmem>>) offsets(%dma_start3A_427 : memref<80xi32, #tpu.memory_space<vmem>>) semaphore(%arg9 : memref<!tpu.dma_semaphore, #tpu.memory_space<semaphore_mem>>)
    %dma_start3A_431 = arith.constant 1 : i32
    %dma_start3A_432 = arith.constant 13 : i32
    %dma_start3A_433 = arith.constant 1 : i32
    %dma_start3A_434 = arith.constant 1040 : i32
    %dma_start3A_435 = arith.constant 0 : i32
    %dma_start3A_436 = tpu.memref_slice %arg8[%dma_start3A_433, %dma_start3A_434, %dma_start3A_435] : memref<2x1600x32xf32, #tpu.memory_space<vmem>> -> memref<1x80x32xf32, #tpu.memory_space<vmem>>
    %dma_start3A_437 = tpu.memref_squeeze %dma_start3A_436 : memref<1x80x32xf32, #tpu.memory_space<vmem>> -> memref<80x32xf32, #tpu.memory_space<vmem>>
    %dma_start3A_438 = arith.constant 0 : i32
    %dma_start3A_439 = tpu.memref_slice %arg7[%dma_start3A_431, %dma_start3A_432, %dma_start3A_438] : memref<3x20x80xi32, #tpu.memory_space<vmem>> -> memref<1x1x80xi32, #tpu.memory_space<vmem>>
    %dma_start3A_440 = tpu.memref_squeeze %dma_start3A_439 : memref<1x1x80xi32, #tpu.memory_space<vmem>> -> memref<80xi32, #tpu.memory_space<vmem>>
    %dma_start3A_441 = arith.constant 0 : i32
    %dma_start3A_442 = arith.constant 0 : i32
    %dma_start3A_443 = tpu.memref_slice %arg4[%dma_start3A_441, %dma_start3A_442] : memref<100001x32xf32, #tpu.memory_space<hbm>> -> memref<100001x32xf32, #tpu.memory_space<hbm>>
    tpu.enqueue_indirect_dma source(%dma_start3A_443 : memref<100001x32xf32, #tpu.memory_space<hbm>>) target(%dma_start3A_437 : memref<80x32xf32, #tpu.memory_space<vmem>>) offsets(%dma_start3A_440 : memref<80xi32, #tpu.memory_space<vmem>>) semaphore(%arg9 : memref<!tpu.dma_semaphore, #tpu.memory_space<semaphore_mem>>)
    %dma_start3A_444 = arith.constant 1 : i32
    %dma_start3A_445 = arith.constant 14 : i32
    %dma_start3A_446 = arith.constant 1 : i32
    %dma_start3A_447 = arith.constant 1120 : i32
    %dma_start3A_448 = arith.constant 0 : i32
    %dma_start3A_449 = tpu.memref_slice %arg8[%dma_start3A_446, %dma_start3A_447, %dma_start3A_448] : memref<2x1600x32xf32, #tpu.memory_space<vmem>> -> memref<1x80x32xf32, #tpu.memory_space<vmem>>
    %dma_start3A_450 = tpu.memref_squeeze %dma_start3A_449 : memref<1x80x32xf32, #tpu.memory_space<vmem>> -> memref<80x32xf32, #tpu.memory_space<vmem>>
    %dma_start3A_451 = arith.constant 0 : i32
    %dma_start3A_452 = tpu.memref_slice %arg7[%dma_start3A_444, %dma_start3A_445, %dma_start3A_451] : memref<3x20x80xi32, #tpu.memory_space<vmem>> -> memref<1x1x80xi32, #tpu.memory_space<vmem>>
    %dma_start3A_453 = tpu.memref_squeeze %dma_start3A_452 : memref<1x1x80xi32, #tpu.memory_space<vmem>> -> memref<80xi32, #tpu.memory_space<vmem>>
    %dma_start3A_454 = arith.constant 0 : i32
    %dma_start3A_455 = arith.constant 0 : i32
    %dma_start3A_456 = tpu.memref_slice %arg4[%dma_start3A_454, %dma_start3A_455] : memref<100001x32xf32, #tpu.memory_space<hbm>> -> memref<100001x32xf32, #tpu.memory_space<hbm>>
    tpu.enqueue_indirect_dma source(%dma_start3A_456 : memref<100001x32xf32, #tpu.memory_space<hbm>>) target(%dma_start3A_450 : memref<80x32xf32, #tpu.memory_space<vmem>>) offsets(%dma_start3A_453 : memref<80xi32, #tpu.memory_space<vmem>>) semaphore(%arg9 : memref<!tpu.dma_semaphore, #tpu.memory_space<semaphore_mem>>)
    %dma_start3A_457 = arith.constant 1 : i32
    %dma_start3A_458 = arith.constant 15 : i32
    %dma_start3A_459 = arith.constant 1 : i32
    %dma_start3A_460 = arith.constant 1200 : i32
    %dma_start3A_461 = arith.constant 0 : i32
    %dma_start3A_462 = tpu.memref_slice %arg8[%dma_start3A_459, %dma_start3A_460, %dma_start3A_461] : memref<2x1600x32xf32, #tpu.memory_space<vmem>> -> memref<1x80x32xf32, #tpu.memory_space<vmem>>
    %dma_start3A_463 = tpu.memref_squeeze %dma_start3A_462 : memref<1x80x32xf32, #tpu.memory_space<vmem>> -> memref<80x32xf32, #tpu.memory_space<vmem>>
    %dma_start3A_464 = arith.constant 0 : i32
    %dma_start3A_465 = tpu.memref_slice %arg7[%dma_start3A_457, %dma_start3A_458, %dma_start3A_464] : memref<3x20x80xi32, #tpu.memory_space<vmem>> -> memref<1x1x80xi32, #tpu.memory_space<vmem>>
    %dma_start3A_466 = tpu.memref_squeeze %dma_start3A_465 : memref<1x1x80xi32, #tpu.memory_space<vmem>> -> memref<80xi32, #tpu.memory_space<vmem>>
    %dma_start3A_467 = arith.constant 0 : i32
    %dma_start3A_468 = arith.constant 0 : i32
    %dma_start3A_469 = tpu.memref_slice %arg4[%dma_start3A_467, %dma_start3A_468] : memref<100001x32xf32, #tpu.memory_space<hbm>> -> memref<100001x32xf32, #tpu.memory_space<hbm>>
    tpu.enqueue_indirect_dma source(%dma_start3A_469 : memref<100001x32xf32, #tpu.memory_space<hbm>>) target(%dma_start3A_463 : memref<80x32xf32, #tpu.memory_space<vmem>>) offsets(%dma_start3A_466 : memref<80xi32, #tpu.memory_space<vmem>>) semaphore(%arg9 : memref<!tpu.dma_semaphore, #tpu.memory_space<semaphore_mem>>)
    %dma_start3A_470 = arith.constant 1 : i32
    %dma_start3A_471 = arith.constant 16 : i32
    %dma_start3A_472 = arith.constant 1 : i32
    %dma_start3A_473 = arith.constant 1280 : i32
    %dma_start3A_474 = arith.constant 0 : i32
    %dma_start3A_475 = tpu.memref_slice %arg8[%dma_start3A_472, %dma_start3A_473, %dma_start3A_474] : memref<2x1600x32xf32, #tpu.memory_space<vmem>> -> memref<1x80x32xf32, #tpu.memory_space<vmem>>
    %dma_start3A_476 = tpu.memref_squeeze %dma_start3A_475 : memref<1x80x32xf32, #tpu.memory_space<vmem>> -> memref<80x32xf32, #tpu.memory_space<vmem>>
    %dma_start3A_477 = arith.constant 0 : i32
    %dma_start3A_478 = tpu.memref_slice %arg7[%dma_start3A_470, %dma_start3A_471, %dma_start3A_477] : memref<3x20x80xi32, #tpu.memory_space<vmem>> -> memref<1x1x80xi32, #tpu.memory_space<vmem>>
    %dma_start3A_479 = tpu.memref_squeeze %dma_start3A_478 : memref<1x1x80xi32, #tpu.memory_space<vmem>> -> memref<80xi32, #tpu.memory_space<vmem>>
    %dma_start3A_480 = arith.constant 0 : i32
    %dma_start3A_481 = arith.constant 0 : i32
    %dma_start3A_482 = tpu.memref_slice %arg4[%dma_start3A_480, %dma_start3A_481] : memref<100001x32xf32, #tpu.memory_space<hbm>> -> memref<100001x32xf32, #tpu.memory_space<hbm>>
    tpu.enqueue_indirect_dma source(%dma_start3A_482 : memref<100001x32xf32, #tpu.memory_space<hbm>>) target(%dma_start3A_476 : memref<80x32xf32, #tpu.memory_space<vmem>>) offsets(%dma_start3A_479 : memref<80xi32, #tpu.memory_space<vmem>>) semaphore(%arg9 : memref<!tpu.dma_semaphore, #tpu.memory_space<semaphore_mem>>)
    %dma_start3A_483 = arith.constant 1 : i32
    %dma_start3A_484 = arith.constant 17 : i32
    %dma_start3A_485 = arith.constant 1 : i32
    %dma_start3A_486 = arith.constant 1360 : i32
    %dma_start3A_487 = arith.constant 0 : i32
    %dma_start3A_488 = tpu.memref_slice %arg8[%dma_start3A_485, %dma_start3A_486, %dma_start3A_487] : memref<2x1600x32xf32, #tpu.memory_space<vmem>> -> memref<1x80x32xf32, #tpu.memory_space<vmem>>
    %dma_start3A_489 = tpu.memref_squeeze %dma_start3A_488 : memref<1x80x32xf32, #tpu.memory_space<vmem>> -> memref<80x32xf32, #tpu.memory_space<vmem>>
    %dma_start3A_490 = arith.constant 0 : i32
    %dma_start3A_491 = tpu.memref_slice %arg7[%dma_start3A_483, %dma_start3A_484, %dma_start3A_490] : memref<3x20x80xi32, #tpu.memory_space<vmem>> -> memref<1x1x80xi32, #tpu.memory_space<vmem>>
    %dma_start3A_492 = tpu.memref_squeeze %dma_start3A_491 : memref<1x1x80xi32, #tpu.memory_space<vmem>> -> memref<80xi32, #tpu.memory_space<vmem>>
    %dma_start3A_493 = arith.constant 0 : i32
    %dma_start3A_494 = arith.constant 0 : i32
    %dma_start3A_495 = tpu.memref_slice %arg4[%dma_start3A_493, %dma_start3A_494] : memref<100001x32xf32, #tpu.memory_space<hbm>> -> memref<100001x32xf32, #tpu.memory_space<hbm>>
    tpu.enqueue_indirect_dma source(%dma_start3A_495 : memref<100001x32xf32, #tpu.memory_space<hbm>>) target(%dma_start3A_489 : memref<80x32xf32, #tpu.memory_space<vmem>>) offsets(%dma_start3A_492 : memref<80xi32, #tpu.memory_space<vmem>>) semaphore(%arg9 : memref<!tpu.dma_semaphore, #tpu.memory_space<semaphore_mem>>)
    %dma_start3A_496 = arith.constant 1 : i32
    %dma_start3A_497 = arith.constant 18 : i32
    %dma_start3A_498 = arith.constant 1 : i32
    %dma_start3A_499 = arith.constant 1440 : i32
    %dma_start3A_500 = arith.constant 0 : i32
    %dma_start3A_501 = tpu.memref_slice %arg8[%dma_start3A_498, %dma_start3A_499, %dma_start3A_500] : memref<2x1600x32xf32, #tpu.memory_space<vmem>> -> memref<1x80x32xf32, #tpu.memory_space<vmem>>
    %dma_start3A_502 = tpu.memref_squeeze %dma_start3A_501 : memref<1x80x32xf32, #tpu.memory_space<vmem>> -> memref<80x32xf32, #tpu.memory_space<vmem>>
    %dma_start3A_503 = arith.constant 0 : i32
    %dma_start3A_504 = tpu.memref_slice %arg7[%dma_start3A_496, %dma_start3A_497, %dma_start3A_503] : memref<3x20x80xi32, #tpu.memory_space<vmem>> -> memref<1x1x80xi32, #tpu.memory_space<vmem>>
    %dma_start3A_505 = tpu.memref_squeeze %dma_start3A_504 : memref<1x1x80xi32, #tpu.memory_space<vmem>> -> memref<80xi32, #tpu.memory_space<vmem>>
    %dma_start3A_506 = arith.constant 0 : i32
    %dma_start3A_507 = arith.constant 0 : i32
    %dma_start3A_508 = tpu.memref_slice %arg4[%dma_start3A_506, %dma_start3A_507] : memref<100001x32xf32, #tpu.memory_space<hbm>> -> memref<100001x32xf32, #tpu.memory_space<hbm>>
    tpu.enqueue_indirect_dma source(%dma_start3A_508 : memref<100001x32xf32, #tpu.memory_space<hbm>>) target(%dma_start3A_502 : memref<80x32xf32, #tpu.memory_space<vmem>>) offsets(%dma_start3A_505 : memref<80xi32, #tpu.memory_space<vmem>>) semaphore(%arg9 : memref<!tpu.dma_semaphore, #tpu.memory_space<semaphore_mem>>)
    %dma_start3A_509 = arith.constant 1 : i32
    %dma_start3A_510 = arith.constant 19 : i32
    %dma_start3A_511 = arith.constant 1 : i32
    %dma_start3A_512 = arith.constant 1520 : i32
    %dma_start3A_513 = arith.constant 0 : i32
    %dma_start3A_514 = tpu.memref_slice %arg8[%dma_start3A_511, %dma_start3A_512, %dma_start3A_513] : memref<2x1600x32xf32, #tpu.memory_space<vmem>> -> memref<1x80x32xf32, #tpu.memory_space<vmem>>
    %dma_start3A_515 = tpu.memref_squeeze %dma_start3A_514 : memref<1x80x32xf32, #tpu.memory_space<vmem>> -> memref<80x32xf32, #tpu.memory_space<vmem>>
    %dma_start3A_516 = arith.constant 0 : i32
    %dma_start3A_517 = tpu.memref_slice %arg7[%dma_start3A_509, %dma_start3A_510, %dma_start3A_516] : memref<3x20x80xi32, #tpu.memory_space<vmem>> -> memref<1x1x80xi32, #tpu.memory_space<vmem>>
    %dma_start3A_518 = tpu.memref_squeeze %dma_start3A_517 : memref<1x1x80xi32, #tpu.memory_space<vmem>> -> memref<80xi32, #tpu.memory_space<vmem>>
    %dma_start3A_519 = arith.constant 0 : i32
    %dma_start3A_520 = arith.constant 0 : i32
    %dma_start3A_521 = tpu.memref_slice %arg4[%dma_start3A_519, %dma_start3A_520] : memref<100001x32xf32, #tpu.memory_space<hbm>> -> memref<100001x32xf32, #tpu.memory_space<hbm>>
    tpu.enqueue_indirect_dma source(%dma_start3A_521 : memref<100001x32xf32, #tpu.memory_space<hbm>>) target(%dma_start3A_515 : memref<80x32xf32, #tpu.memory_space<vmem>>) offsets(%dma_start3A_518 : memref<80xi32, #tpu.memory_space<vmem>>) semaphore(%arg9 : memref<!tpu.dma_semaphore, #tpu.memory_space<semaphore_mem>>)
    %dma_wait3A = arith.constant 0 : i32
    %dma_wait3A_522 = arith.constant 0 : i32
    %dma_wait3A_523 = arith.constant 0 : i32
    %dma_wait3A_524 = arith.constant 0 : i32
    %dma_wait3A_525 = arith.constant 0 : i32
    %dma_wait3A_526 = tpu.memref_slice %arg8[%dma_wait3A_523, %dma_wait3A_524, %dma_wait3A_525] : memref<2x1600x32xf32, #tpu.memory_space<vmem>> -> memref<1x80x32xf32, #tpu.memory_space<vmem>>
    %dma_wait3A_527 = tpu.memref_squeeze %dma_wait3A_526 : memref<1x80x32xf32, #tpu.memory_space<vmem>> -> memref<80x32xf32, #tpu.memory_space<vmem>>
    %dma_wait3A_528 = arith.constant 0 : i32
    %dma_wait3A_529 = tpu.memref_slice %arg7[%dma_wait3A, %dma_wait3A_522, %dma_wait3A_528] : memref<3x20x80xi32, #tpu.memory_space<vmem>> -> memref<1x1x80xi32, #tpu.memory_space<vmem>>
    %dma_wait3A_530 = tpu.memref_squeeze %dma_wait3A_529 : memref<1x1x80xi32, #tpu.memory_space<vmem>> -> memref<80xi32, #tpu.memory_space<vmem>>
    %dma_wait3A_531 = arith.constant 0 : i32
    %dma_wait3A_532 = arith.constant 0 : i32
    %dma_wait3A_533 = tpu.memref_slice %arg3[%dma_wait3A_531, %dma_wait3A_532] : memref<1001x32xf32, #tpu.memory_space<hbm>> -> memref<1001x32xf32, #tpu.memory_space<hbm>>
    tpu.wait_indirect_dma semaphore(%arg9 : memref<!tpu.dma_semaphore, #tpu.memory_space<semaphore_mem>>) src(%dma_wait3A_533 : memref<1001x32xf32, #tpu.memory_space<hbm>>) dst(%dma_wait3A_527 : memref<80x32xf32, #tpu.memory_space<vmem>>)
    %dma_wait3A_534 = arith.constant 0 : i32
    %dma_wait3A_535 = arith.constant 1 : i32
    %dma_wait3A_536 = arith.constant 0 : i32
    %dma_wait3A_537 = arith.constant 80 : i32
    %dma_wait3A_538 = arith.constant 0 : i32
    %dma_wait3A_539 = tpu.memref_slice %arg8[%dma_wait3A_536, %dma_wait3A_537, %dma_wait3A_538] : memref<2x1600x32xf32, #tpu.memory_space<vmem>> -> memref<1x80x32xf32, #tpu.memory_space<vmem>>
    %dma_wait3A_540 = tpu.memref_squeeze %dma_wait3A_539 : memref<1x80x32xf32, #tpu.memory_space<vmem>> -> memref<80x32xf32, #tpu.memory_space<vmem>>
    %dma_wait3A_541 = arith.constant 0 : i32
    %dma_wait3A_542 = tpu.memref_slice %arg7[%dma_wait3A_534, %dma_wait3A_535, %dma_wait3A_541] : memref<3x20x80xi32, #tpu.memory_space<vmem>> -> memref<1x1x80xi32, #tpu.memory_space<vmem>>
    %dma_wait3A_543 = tpu.memref_squeeze %dma_wait3A_542 : memref<1x1x80xi32, #tpu.memory_space<vmem>> -> memref<80xi32, #tpu.memory_space<vmem>>
    %dma_wait3A_544 = arith.constant 0 : i32
    %dma_wait3A_545 = arith.constant 0 : i32
    %dma_wait3A_546 = tpu.memref_slice %arg3[%dma_wait3A_544, %dma_wait3A_545] : memref<1001x32xf32, #tpu.memory_space<hbm>> -> memref<1001x32xf32, #tpu.memory_space<hbm>>
    tpu.wait_indirect_dma semaphore(%arg9 : memref<!tpu.dma_semaphore, #tpu.memory_space<semaphore_mem>>) src(%dma_wait3A_546 : memref<1001x32xf32, #tpu.memory_space<hbm>>) dst(%dma_wait3A_540 : memref<80x32xf32, #tpu.memory_space<vmem>>)
    %dma_wait3A_547 = arith.constant 0 : i32
    %dma_wait3A_548 = arith.constant 2 : i32
    %dma_wait3A_549 = arith.constant 0 : i32
    %dma_wait3A_550 = arith.constant 160 : i32
    %dma_wait3A_551 = arith.constant 0 : i32
    %dma_wait3A_552 = tpu.memref_slice %arg8[%dma_wait3A_549, %dma_wait3A_550, %dma_wait3A_551] : memref<2x1600x32xf32, #tpu.memory_space<vmem>> -> memref<1x80x32xf32, #tpu.memory_space<vmem>>
    %dma_wait3A_553 = tpu.memref_squeeze %dma_wait3A_552 : memref<1x80x32xf32, #tpu.memory_space<vmem>> -> memref<80x32xf32, #tpu.memory_space<vmem>>
    %dma_wait3A_554 = arith.constant 0 : i32
    %dma_wait3A_555 = tpu.memref_slice %arg7[%dma_wait3A_547, %dma_wait3A_548, %dma_wait3A_554] : memref<3x20x80xi32, #tpu.memory_space<vmem>> -> memref<1x1x80xi32, #tpu.memory_space<vmem>>
    %dma_wait3A_556 = tpu.memref_squeeze %dma_wait3A_555 : memref<1x1x80xi32, #tpu.memory_space<vmem>> -> memref<80xi32, #tpu.memory_space<vmem>>
    %dma_wait3A_557 = arith.constant 0 : i32
    %dma_wait3A_558 = arith.constant 0 : i32
    %dma_wait3A_559 = tpu.memref_slice %arg3[%dma_wait3A_557, %dma_wait3A_558] : memref<1001x32xf32, #tpu.memory_space<hbm>> -> memref<1001x32xf32, #tpu.memory_space<hbm>>
    tpu.wait_indirect_dma semaphore(%arg9 : memref<!tpu.dma_semaphore, #tpu.memory_space<semaphore_mem>>) src(%dma_wait3A_559 : memref<1001x32xf32, #tpu.memory_space<hbm>>) dst(%dma_wait3A_553 : memref<80x32xf32, #tpu.memory_space<vmem>>)
    %dma_wait3A_560 = arith.constant 0 : i32
    %dma_wait3A_561 = arith.constant 3 : i32
    %dma_wait3A_562 = arith.constant 0 : i32
    %dma_wait3A_563 = arith.constant 240 : i32
    %dma_wait3A_564 = arith.constant 0 : i32
    %dma_wait3A_565 = tpu.memref_slice %arg8[%dma_wait3A_562, %dma_wait3A_563, %dma_wait3A_564] : memref<2x1600x32xf32, #tpu.memory_space<vmem>> -> memref<1x80x32xf32, #tpu.memory_space<vmem>>
    %dma_wait3A_566 = tpu.memref_squeeze %dma_wait3A_565 : memref<1x80x32xf32, #tpu.memory_space<vmem>> -> memref<80x32xf32, #tpu.memory_space<vmem>>
    %dma_wait3A_567 = arith.constant 0 : i32
    %dma_wait3A_568 = tpu.memref_slice %arg7[%dma_wait3A_560, %dma_wait3A_561, %dma_wait3A_567] : memref<3x20x80xi32, #tpu.memory_space<vmem>> -> memref<1x1x80xi32, #tpu.memory_space<vmem>>
    %dma_wait3A_569 = tpu.memref_squeeze %dma_wait3A_568 : memref<1x1x80xi32, #tpu.memory_space<vmem>> -> memref<80xi32, #tpu.memory_space<vmem>>
    %dma_wait3A_570 = arith.constant 0 : i32
    %dma_wait3A_571 = arith.constant 0 : i32
    %dma_wait3A_572 = tpu.memref_slice %arg3[%dma_wait3A_570, %dma_wait3A_571] : memref<1001x32xf32, #tpu.memory_space<hbm>> -> memref<1001x32xf32, #tpu.memory_space<hbm>>
    tpu.wait_indirect_dma semaphore(%arg9 : memref<!tpu.dma_semaphore, #tpu.memory_space<semaphore_mem>>) src(%dma_wait3A_572 : memref<1001x32xf32, #tpu.memory_space<hbm>>) dst(%dma_wait3A_566 : memref<80x32xf32, #tpu.memory_space<vmem>>)
    %dma_wait3A_573 = arith.constant 0 : i32
    %dma_wait3A_574 = arith.constant 4 : i32
    %dma_wait3A_575 = arith.constant 0 : i32
    %dma_wait3A_576 = arith.constant 320 : i32
    %dma_wait3A_577 = arith.constant 0 : i32
    %dma_wait3A_578 = tpu.memref_slice %arg8[%dma_wait3A_575, %dma_wait3A_576, %dma_wait3A_577] : memref<2x1600x32xf32, #tpu.memory_space<vmem>> -> memref<1x80x32xf32, #tpu.memory_space<vmem>>
    %dma_wait3A_579 = tpu.memref_squeeze %dma_wait3A_578 : memref<1x80x32xf32, #tpu.memory_space<vmem>> -> memref<80x32xf32, #tpu.memory_space<vmem>>
    %dma_wait3A_580 = arith.constant 0 : i32
    %dma_wait3A_581 = tpu.memref_slice %arg7[%dma_wait3A_573, %dma_wait3A_574, %dma_wait3A_580] : memref<3x20x80xi32, #tpu.memory_space<vmem>> -> memref<1x1x80xi32, #tpu.memory_space<vmem>>
    %dma_wait3A_582 = tpu.memref_squeeze %dma_wait3A_581 : memref<1x1x80xi32, #tpu.memory_space<vmem>> -> memref<80xi32, #tpu.memory_space<vmem>>
    %dma_wait3A_583 = arith.constant 0 : i32
    %dma_wait3A_584 = arith.constant 0 : i32
    %dma_wait3A_585 = tpu.memref_slice %arg3[%dma_wait3A_583, %dma_wait3A_584] : memref<1001x32xf32, #tpu.memory_space<hbm>> -> memref<1001x32xf32, #tpu.memory_space<hbm>>
    tpu.wait_indirect_dma semaphore(%arg9 : memref<!tpu.dma_semaphore, #tpu.memory_space<semaphore_mem>>) src(%dma_wait3A_585 : memref<1001x32xf32, #tpu.memory_space<hbm>>) dst(%dma_wait3A_579 : memref<80x32xf32, #tpu.memory_space<vmem>>)
    %dma_wait3A_586 = arith.constant 0 : i32
    %dma_wait3A_587 = arith.constant 5 : i32
    %dma_wait3A_588 = arith.constant 0 : i32
    %dma_wait3A_589 = arith.constant 400 : i32
    %dma_wait3A_590 = arith.constant 0 : i32
    %dma_wait3A_591 = tpu.memref_slice %arg8[%dma_wait3A_588, %dma_wait3A_589, %dma_wait3A_590] : memref<2x1600x32xf32, #tpu.memory_space<vmem>> -> memref<1x80x32xf32, #tpu.memory_space<vmem>>
    %dma_wait3A_592 = tpu.memref_squeeze %dma_wait3A_591 : memref<1x80x32xf32, #tpu.memory_space<vmem>> -> memref<80x32xf32, #tpu.memory_space<vmem>>
    %dma_wait3A_593 = arith.constant 0 : i32
    %dma_wait3A_594 = tpu.memref_slice %arg7[%dma_wait3A_586, %dma_wait3A_587, %dma_wait3A_593] : memref<3x20x80xi32, #tpu.memory_space<vmem>> -> memref<1x1x80xi32, #tpu.memory_space<vmem>>
    %dma_wait3A_595 = tpu.memref_squeeze %dma_wait3A_594 : memref<1x1x80xi32, #tpu.memory_space<vmem>> -> memref<80xi32, #tpu.memory_space<vmem>>
    %dma_wait3A_596 = arith.constant 0 : i32
    %dma_wait3A_597 = arith.constant 0 : i32
    %dma_wait3A_598 = tpu.memref_slice %arg3[%dma_wait3A_596, %dma_wait3A_597] : memref<1001x32xf32, #tpu.memory_space<hbm>> -> memref<1001x32xf32, #tpu.memory_space<hbm>>
    tpu.wait_indirect_dma semaphore(%arg9 : memref<!tpu.dma_semaphore, #tpu.memory_space<semaphore_mem>>) src(%dma_wait3A_598 : memref<1001x32xf32, #tpu.memory_space<hbm>>) dst(%dma_wait3A_592 : memref<80x32xf32, #tpu.memory_space<vmem>>)
    %dma_wait3A_599 = arith.constant 0 : i32
    %dma_wait3A_600 = arith.constant 6 : i32
    %dma_wait3A_601 = arith.constant 0 : i32
    %dma_wait3A_602 = arith.constant 480 : i32
    %dma_wait3A_603 = arith.constant 0 : i32
    %dma_wait3A_604 = tpu.memref_slice %arg8[%dma_wait3A_601, %dma_wait3A_602, %dma_wait3A_603] : memref<2x1600x32xf32, #tpu.memory_space<vmem>> -> memref<1x80x32xf32, #tpu.memory_space<vmem>>
    %dma_wait3A_605 = tpu.memref_squeeze %dma_wait3A_604 : memref<1x80x32xf32, #tpu.memory_space<vmem>> -> memref<80x32xf32, #tpu.memory_space<vmem>>
    %dma_wait3A_606 = arith.constant 0 : i32
    %dma_wait3A_607 = tpu.memref_slice %arg7[%dma_wait3A_599, %dma_wait3A_600, %dma_wait3A_606] : memref<3x20x80xi32, #tpu.memory_space<vmem>> -> memref<1x1x80xi32, #tpu.memory_space<vmem>>
    %dma_wait3A_608 = tpu.memref_squeeze %dma_wait3A_607 : memref<1x1x80xi32, #tpu.memory_space<vmem>> -> memref<80xi32, #tpu.memory_space<vmem>>
    %dma_wait3A_609 = arith.constant 0 : i32
    %dma_wait3A_610 = arith.constant 0 : i32
    %dma_wait3A_611 = tpu.memref_slice %arg3[%dma_wait3A_609, %dma_wait3A_610] : memref<1001x32xf32, #tpu.memory_space<hbm>> -> memref<1001x32xf32, #tpu.memory_space<hbm>>
    tpu.wait_indirect_dma semaphore(%arg9 : memref<!tpu.dma_semaphore, #tpu.memory_space<semaphore_mem>>) src(%dma_wait3A_611 : memref<1001x32xf32, #tpu.memory_space<hbm>>) dst(%dma_wait3A_605 : memref<80x32xf32, #tpu.memory_space<vmem>>)
    %dma_wait3A_612 = arith.constant 0 : i32
    %dma_wait3A_613 = arith.constant 7 : i32
    %dma_wait3A_614 = arith.constant 0 : i32
    %dma_wait3A_615 = arith.constant 560 : i32
    %dma_wait3A_616 = arith.constant 0 : i32
    %dma_wait3A_617 = tpu.memref_slice %arg8[%dma_wait3A_614, %dma_wait3A_615, %dma_wait3A_616] : memref<2x1600x32xf32, #tpu.memory_space<vmem>> -> memref<1x80x32xf32, #tpu.memory_space<vmem>>
    %dma_wait3A_618 = tpu.memref_squeeze %dma_wait3A_617 : memref<1x80x32xf32, #tpu.memory_space<vmem>> -> memref<80x32xf32, #tpu.memory_space<vmem>>
    %dma_wait3A_619 = arith.constant 0 : i32
    %dma_wait3A_620 = tpu.memref_slice %arg7[%dma_wait3A_612, %dma_wait3A_613, %dma_wait3A_619] : memref<3x20x80xi32, #tpu.memory_space<vmem>> -> memref<1x1x80xi32, #tpu.memory_space<vmem>>
    %dma_wait3A_621 = tpu.memref_squeeze %dma_wait3A_620 : memref<1x1x80xi32, #tpu.memory_space<vmem>> -> memref<80xi32, #tpu.memory_space<vmem>>
    %dma_wait3A_622 = arith.constant 0 : i32
    %dma_wait3A_623 = arith.constant 0 : i32
    %dma_wait3A_624 = tpu.memref_slice %arg3[%dma_wait3A_622, %dma_wait3A_623] : memref<1001x32xf32, #tpu.memory_space<hbm>> -> memref<1001x32xf32, #tpu.memory_space<hbm>>
    tpu.wait_indirect_dma semaphore(%arg9 : memref<!tpu.dma_semaphore, #tpu.memory_space<semaphore_mem>>) src(%dma_wait3A_624 : memref<1001x32xf32, #tpu.memory_space<hbm>>) dst(%dma_wait3A_618 : memref<80x32xf32, #tpu.memory_space<vmem>>)
    %dma_wait3A_625 = arith.constant 0 : i32
    %dma_wait3A_626 = arith.constant 8 : i32
    %dma_wait3A_627 = arith.constant 0 : i32
    %dma_wait3A_628 = arith.constant 640 : i32
    %dma_wait3A_629 = arith.constant 0 : i32
    %dma_wait3A_630 = tpu.memref_slice %arg8[%dma_wait3A_627, %dma_wait3A_628, %dma_wait3A_629] : memref<2x1600x32xf32, #tpu.memory_space<vmem>> -> memref<1x80x32xf32, #tpu.memory_space<vmem>>
    %dma_wait3A_631 = tpu.memref_squeeze %dma_wait3A_630 : memref<1x80x32xf32, #tpu.memory_space<vmem>> -> memref<80x32xf32, #tpu.memory_space<vmem>>
    %dma_wait3A_632 = arith.constant 0 : i32
    %dma_wait3A_633 = tpu.memref_slice %arg7[%dma_wait3A_625, %dma_wait3A_626, %dma_wait3A_632] : memref<3x20x80xi32, #tpu.memory_space<vmem>> -> memref<1x1x80xi32, #tpu.memory_space<vmem>>
    %dma_wait3A_634 = tpu.memref_squeeze %dma_wait3A_633 : memref<1x1x80xi32, #tpu.memory_space<vmem>> -> memref<80xi32, #tpu.memory_space<vmem>>
    %dma_wait3A_635 = arith.constant 0 : i32
    %dma_wait3A_636 = arith.constant 0 : i32
    %dma_wait3A_637 = tpu.memref_slice %arg3[%dma_wait3A_635, %dma_wait3A_636] : memref<1001x32xf32, #tpu.memory_space<hbm>> -> memref<1001x32xf32, #tpu.memory_space<hbm>>
    tpu.wait_indirect_dma semaphore(%arg9 : memref<!tpu.dma_semaphore, #tpu.memory_space<semaphore_mem>>) src(%dma_wait3A_637 : memref<1001x32xf32, #tpu.memory_space<hbm>>) dst(%dma_wait3A_631 : memref<80x32xf32, #tpu.memory_space<vmem>>)
    %dma_wait3A_638 = arith.constant 0 : i32
    %dma_wait3A_639 = arith.constant 9 : i32
    %dma_wait3A_640 = arith.constant 0 : i32
    %dma_wait3A_641 = arith.constant 720 : i32
    %dma_wait3A_642 = arith.constant 0 : i32
    %dma_wait3A_643 = tpu.memref_slice %arg8[%dma_wait3A_640, %dma_wait3A_641, %dma_wait3A_642] : memref<2x1600x32xf32, #tpu.memory_space<vmem>> -> memref<1x80x32xf32, #tpu.memory_space<vmem>>
    %dma_wait3A_644 = tpu.memref_squeeze %dma_wait3A_643 : memref<1x80x32xf32, #tpu.memory_space<vmem>> -> memref<80x32xf32, #tpu.memory_space<vmem>>
    %dma_wait3A_645 = arith.constant 0 : i32
    %dma_wait3A_646 = tpu.memref_slice %arg7[%dma_wait3A_638, %dma_wait3A_639, %dma_wait3A_645] : memref<3x20x80xi32, #tpu.memory_space<vmem>> -> memref<1x1x80xi32, #tpu.memory_space<vmem>>
    %dma_wait3A_647 = tpu.memref_squeeze %dma_wait3A_646 : memref<1x1x80xi32, #tpu.memory_space<vmem>> -> memref<80xi32, #tpu.memory_space<vmem>>
    %dma_wait3A_648 = arith.constant 0 : i32
    %dma_wait3A_649 = arith.constant 0 : i32
    %dma_wait3A_650 = tpu.memref_slice %arg3[%dma_wait3A_648, %dma_wait3A_649] : memref<1001x32xf32, #tpu.memory_space<hbm>> -> memref<1001x32xf32, #tpu.memory_space<hbm>>
    tpu.wait_indirect_dma semaphore(%arg9 : memref<!tpu.dma_semaphore, #tpu.memory_space<semaphore_mem>>) src(%dma_wait3A_650 : memref<1001x32xf32, #tpu.memory_space<hbm>>) dst(%dma_wait3A_644 : memref<80x32xf32, #tpu.memory_space<vmem>>)
    %dma_wait3A_651 = arith.constant 0 : i32
    %dma_wait3A_652 = arith.constant 10 : i32
    %dma_wait3A_653 = arith.constant 0 : i32
    %dma_wait3A_654 = arith.constant 800 : i32
    %dma_wait3A_655 = arith.constant 0 : i32
    %dma_wait3A_656 = tpu.memref_slice %arg8[%dma_wait3A_653, %dma_wait3A_654, %dma_wait3A_655] : memref<2x1600x32xf32, #tpu.memory_space<vmem>> -> memref<1x80x32xf32, #tpu.memory_space<vmem>>
    %dma_wait3A_657 = tpu.memref_squeeze %dma_wait3A_656 : memref<1x80x32xf32, #tpu.memory_space<vmem>> -> memref<80x32xf32, #tpu.memory_space<vmem>>
    %dma_wait3A_658 = arith.constant 0 : i32
    %dma_wait3A_659 = tpu.memref_slice %arg7[%dma_wait3A_651, %dma_wait3A_652, %dma_wait3A_658] : memref<3x20x80xi32, #tpu.memory_space<vmem>> -> memref<1x1x80xi32, #tpu.memory_space<vmem>>
    %dma_wait3A_660 = tpu.memref_squeeze %dma_wait3A_659 : memref<1x1x80xi32, #tpu.memory_space<vmem>> -> memref<80xi32, #tpu.memory_space<vmem>>
    %dma_wait3A_661 = arith.constant 0 : i32
    %dma_wait3A_662 = arith.constant 0 : i32
    %dma_wait3A_663 = tpu.memref_slice %arg3[%dma_wait3A_661, %dma_wait3A_662] : memref<1001x32xf32, #tpu.memory_space<hbm>> -> memref<1001x32xf32, #tpu.memory_space<hbm>>
    tpu.wait_indirect_dma semaphore(%arg9 : memref<!tpu.dma_semaphore, #tpu.memory_space<semaphore_mem>>) src(%dma_wait3A_663 : memref<1001x32xf32, #tpu.memory_space<hbm>>) dst(%dma_wait3A_657 : memref<80x32xf32, #tpu.memory_space<vmem>>)
    %dma_wait3A_664 = arith.constant 0 : i32
    %dma_wait3A_665 = arith.constant 11 : i32
    %dma_wait3A_666 = arith.constant 0 : i32
    %dma_wait3A_667 = arith.constant 880 : i32
    %dma_wait3A_668 = arith.constant 0 : i32
    %dma_wait3A_669 = tpu.memref_slice %arg8[%dma_wait3A_666, %dma_wait3A_667, %dma_wait3A_668] : memref<2x1600x32xf32, #tpu.memory_space<vmem>> -> memref<1x80x32xf32, #tpu.memory_space<vmem>>
    %dma_wait3A_670 = tpu.memref_squeeze %dma_wait3A_669 : memref<1x80x32xf32, #tpu.memory_space<vmem>> -> memref<80x32xf32, #tpu.memory_space<vmem>>
    %dma_wait3A_671 = arith.constant 0 : i32
    %dma_wait3A_672 = tpu.memref_slice %arg7[%dma_wait3A_664, %dma_wait3A_665, %dma_wait3A_671] : memref<3x20x80xi32, #tpu.memory_space<vmem>> -> memref<1x1x80xi32, #tpu.memory_space<vmem>>
    %dma_wait3A_673 = tpu.memref_squeeze %dma_wait3A_672 : memref<1x1x80xi32, #tpu.memory_space<vmem>> -> memref<80xi32, #tpu.memory_space<vmem>>
    %dma_wait3A_674 = arith.constant 0 : i32
    %dma_wait3A_675 = arith.constant 0 : i32
    %dma_wait3A_676 = tpu.memref_slice %arg3[%dma_wait3A_674, %dma_wait3A_675] : memref<1001x32xf32, #tpu.memory_space<hbm>> -> memref<1001x32xf32, #tpu.memory_space<hbm>>
    tpu.wait_indirect_dma semaphore(%arg9 : memref<!tpu.dma_semaphore, #tpu.memory_space<semaphore_mem>>) src(%dma_wait3A_676 : memref<1001x32xf32, #tpu.memory_space<hbm>>) dst(%dma_wait3A_670 : memref<80x32xf32, #tpu.memory_space<vmem>>)
    %dma_wait3A_677 = arith.constant 0 : i32
    %dma_wait3A_678 = arith.constant 12 : i32
    %dma_wait3A_679 = arith.constant 0 : i32
    %dma_wait3A_680 = arith.constant 960 : i32
    %dma_wait3A_681 = arith.constant 0 : i32
    %dma_wait3A_682 = tpu.memref_slice %arg8[%dma_wait3A_679, %dma_wait3A_680, %dma_wait3A_681] : memref<2x1600x32xf32, #tpu.memory_space<vmem>> -> memref<1x80x32xf32, #tpu.memory_space<vmem>>
    %dma_wait3A_683 = tpu.memref_squeeze %dma_wait3A_682 : memref<1x80x32xf32, #tpu.memory_space<vmem>> -> memref<80x32xf32, #tpu.memory_space<vmem>>
    %dma_wait3A_684 = arith.constant 0 : i32
    %dma_wait3A_685 = tpu.memref_slice %arg7[%dma_wait3A_677, %dma_wait3A_678, %dma_wait3A_684] : memref<3x20x80xi32, #tpu.memory_space<vmem>> -> memref<1x1x80xi32, #tpu.memory_space<vmem>>
    %dma_wait3A_686 = tpu.memref_squeeze %dma_wait3A_685 : memref<1x1x80xi32, #tpu.memory_space<vmem>> -> memref<80xi32, #tpu.memory_space<vmem>>
    %dma_wait3A_687 = arith.constant 0 : i32
    %dma_wait3A_688 = arith.constant 0 : i32
    %dma_wait3A_689 = tpu.memref_slice %arg3[%dma_wait3A_687, %dma_wait3A_688] : memref<1001x32xf32, #tpu.memory_space<hbm>> -> memref<1001x32xf32, #tpu.memory_space<hbm>>
    tpu.wait_indirect_dma semaphore(%arg9 : memref<!tpu.dma_semaphore, #tpu.memory_space<semaphore_mem>>) src(%dma_wait3A_689 : memref<1001x32xf32, #tpu.memory_space<hbm>>) dst(%dma_wait3A_683 : memref<80x32xf32, #tpu.memory_space<vmem>>)
    %dma_wait3A_690 = arith.constant 0 : i32
    %dma_wait3A_691 = arith.constant 13 : i32
    %dma_wait3A_692 = arith.constant 0 : i32
    %dma_wait3A_693 = arith.constant 1040 : i32
    %dma_wait3A_694 = arith.constant 0 : i32
    %dma_wait3A_695 = tpu.memref_slice %arg8[%dma_wait3A_692, %dma_wait3A_693, %dma_wait3A_694] : memref<2x1600x32xf32, #tpu.memory_space<vmem>> -> memref<1x80x32xf32, #tpu.memory_space<vmem>>
    %dma_wait3A_696 = tpu.memref_squeeze %dma_wait3A_695 : memref<1x80x32xf32, #tpu.memory_space<vmem>> -> memref<80x32xf32, #tpu.memory_space<vmem>>
    %dma_wait3A_697 = arith.constant 0 : i32
    %dma_wait3A_698 = tpu.memref_slice %arg7[%dma_wait3A_690, %dma_wait3A_691, %dma_wait3A_697] : memref<3x20x80xi32, #tpu.memory_space<vmem>> -> memref<1x1x80xi32, #tpu.memory_space<vmem>>
    %dma_wait3A_699 = tpu.memref_squeeze %dma_wait3A_698 : memref<1x1x80xi32, #tpu.memory_space<vmem>> -> memref<80xi32, #tpu.memory_space<vmem>>
    %dma_wait3A_700 = arith.constant 0 : i32
    %dma_wait3A_701 = arith.constant 0 : i32
    %dma_wait3A_702 = tpu.memref_slice %arg3[%dma_wait3A_700, %dma_wait3A_701] : memref<1001x32xf32, #tpu.memory_space<hbm>> -> memref<1001x32xf32, #tpu.memory_space<hbm>>
    tpu.wait_indirect_dma semaphore(%arg9 : memref<!tpu.dma_semaphore, #tpu.memory_space<semaphore_mem>>) src(%dma_wait3A_702 : memref<1001x32xf32, #tpu.memory_space<hbm>>) dst(%dma_wait3A_696 : memref<80x32xf32, #tpu.memory_space<vmem>>)
    %dma_wait3A_703 = arith.constant 0 : i32
    %dma_wait3A_704 = arith.constant 14 : i32
    %dma_wait3A_705 = arith.constant 0 : i32
    %dma_wait3A_706 = arith.constant 1120 : i32
    %dma_wait3A_707 = arith.constant 0 : i32
    %dma_wait3A_708 = tpu.memref_slice %arg8[%dma_wait3A_705, %dma_wait3A_706, %dma_wait3A_707] : memref<2x1600x32xf32, #tpu.memory_space<vmem>> -> memref<1x80x32xf32, #tpu.memory_space<vmem>>
    %dma_wait3A_709 = tpu.memref_squeeze %dma_wait3A_708 : memref<1x80x32xf32, #tpu.memory_space<vmem>> -> memref<80x32xf32, #tpu.memory_space<vmem>>
    %dma_wait3A_710 = arith.constant 0 : i32
    %dma_wait3A_711 = tpu.memref_slice %arg7[%dma_wait3A_703, %dma_wait3A_704, %dma_wait3A_710] : memref<3x20x80xi32, #tpu.memory_space<vmem>> -> memref<1x1x80xi32, #tpu.memory_space<vmem>>
    %dma_wait3A_712 = tpu.memref_squeeze %dma_wait3A_711 : memref<1x1x80xi32, #tpu.memory_space<vmem>> -> memref<80xi32, #tpu.memory_space<vmem>>
    %dma_wait3A_713 = arith.constant 0 : i32
    %dma_wait3A_714 = arith.constant 0 : i32
    %dma_wait3A_715 = tpu.memref_slice %arg3[%dma_wait3A_713, %dma_wait3A_714] : memref<1001x32xf32, #tpu.memory_space<hbm>> -> memref<1001x32xf32, #tpu.memory_space<hbm>>
    tpu.wait_indirect_dma semaphore(%arg9 : memref<!tpu.dma_semaphore, #tpu.memory_space<semaphore_mem>>) src(%dma_wait3A_715 : memref<1001x32xf32, #tpu.memory_space<hbm>>) dst(%dma_wait3A_709 : memref<80x32xf32, #tpu.memory_space<vmem>>)
    %dma_wait3A_716 = arith.constant 0 : i32
    %dma_wait3A_717 = arith.constant 15 : i32
    %dma_wait3A_718 = arith.constant 0 : i32
    %dma_wait3A_719 = arith.constant 1200 : i32
    %dma_wait3A_720 = arith.constant 0 : i32
    %dma_wait3A_721 = tpu.memref_slice %arg8[%dma_wait3A_718, %dma_wait3A_719, %dma_wait3A_720] : memref<2x1600x32xf32, #tpu.memory_space<vmem>> -> memref<1x80x32xf32, #tpu.memory_space<vmem>>
    %dma_wait3A_722 = tpu.memref_squeeze %dma_wait3A_721 : memref<1x80x32xf32, #tpu.memory_space<vmem>> -> memref<80x32xf32, #tpu.memory_space<vmem>>
    %dma_wait3A_723 = arith.constant 0 : i32
    %dma_wait3A_724 = tpu.memref_slice %arg7[%dma_wait3A_716, %dma_wait3A_717, %dma_wait3A_723] : memref<3x20x80xi32, #tpu.memory_space<vmem>> -> memref<1x1x80xi32, #tpu.memory_space<vmem>>
    %dma_wait3A_725 = tpu.memref_squeeze %dma_wait3A_724 : memref<1x1x80xi32, #tpu.memory_space<vmem>> -> memref<80xi32, #tpu.memory_space<vmem>>
    %dma_wait3A_726 = arith.constant 0 : i32
    %dma_wait3A_727 = arith.constant 0 : i32
    %dma_wait3A_728 = tpu.memref_slice %arg3[%dma_wait3A_726, %dma_wait3A_727] : memref<1001x32xf32, #tpu.memory_space<hbm>> -> memref<1001x32xf32, #tpu.memory_space<hbm>>
    tpu.wait_indirect_dma semaphore(%arg9 : memref<!tpu.dma_semaphore, #tpu.memory_space<semaphore_mem>>) src(%dma_wait3A_728 : memref<1001x32xf32, #tpu.memory_space<hbm>>) dst(%dma_wait3A_722 : memref<80x32xf32, #tpu.memory_space<vmem>>)
    %dma_wait3A_729 = arith.constant 0 : i32
    %dma_wait3A_730 = arith.constant 16 : i32
    %dma_wait3A_731 = arith.constant 0 : i32
    %dma_wait3A_732 = arith.constant 1280 : i32
    %dma_wait3A_733 = arith.constant 0 : i32
    %dma_wait3A_734 = tpu.memref_slice %arg8[%dma_wait3A_731, %dma_wait3A_732, %dma_wait3A_733] : memref<2x1600x32xf32, #tpu.memory_space<vmem>> -> memref<1x80x32xf32, #tpu.memory_space<vmem>>
    %dma_wait3A_735 = tpu.memref_squeeze %dma_wait3A_734 : memref<1x80x32xf32, #tpu.memory_space<vmem>> -> memref<80x32xf32, #tpu.memory_space<vmem>>
    %dma_wait3A_736 = arith.constant 0 : i32
    %dma_wait3A_737 = tpu.memref_slice %arg7[%dma_wait3A_729, %dma_wait3A_730, %dma_wait3A_736] : memref<3x20x80xi32, #tpu.memory_space<vmem>> -> memref<1x1x80xi32, #tpu.memory_space<vmem>>
    %dma_wait3A_738 = tpu.memref_squeeze %dma_wait3A_737 : memref<1x1x80xi32, #tpu.memory_space<vmem>> -> memref<80xi32, #tpu.memory_space<vmem>>
    %dma_wait3A_739 = arith.constant 0 : i32
    %dma_wait3A_740 = arith.constant 0 : i32
    %dma_wait3A_741 = tpu.memref_slice %arg3[%dma_wait3A_739, %dma_wait3A_740] : memref<1001x32xf32, #tpu.memory_space<hbm>> -> memref<1001x32xf32, #tpu.memory_space<hbm>>
    tpu.wait_indirect_dma semaphore(%arg9 : memref<!tpu.dma_semaphore, #tpu.memory_space<semaphore_mem>>) src(%dma_wait3A_741 : memref<1001x32xf32, #tpu.memory_space<hbm>>) dst(%dma_wait3A_735 : memref<80x32xf32, #tpu.memory_space<vmem>>)
    %dma_wait3A_742 = arith.constant 0 : i32
    %dma_wait3A_743 = arith.constant 17 : i32
    %dma_wait3A_744 = arith.constant 0 : i32
    %dma_wait3A_745 = arith.constant 1360 : i32
    %dma_wait3A_746 = arith.constant 0 : i32
    %dma_wait3A_747 = tpu.memref_slice %arg8[%dma_wait3A_744, %dma_wait3A_745, %dma_wait3A_746] : memref<2x1600x32xf32, #tpu.memory_space<vmem>> -> memref<1x80x32xf32, #tpu.memory_space<vmem>>
    %dma_wait3A_748 = tpu.memref_squeeze %dma_wait3A_747 : memref<1x80x32xf32, #tpu.memory_space<vmem>> -> memref<80x32xf32, #tpu.memory_space<vmem>>
    %dma_wait3A_749 = arith.constant 0 : i32
    %dma_wait3A_750 = tpu.memref_slice %arg7[%dma_wait3A_742, %dma_wait3A_743, %dma_wait3A_749] : memref<3x20x80xi32, #tpu.memory_space<vmem>> -> memref<1x1x80xi32, #tpu.memory_space<vmem>>
    %dma_wait3A_751 = tpu.memref_squeeze %dma_wait3A_750 : memref<1x1x80xi32, #tpu.memory_space<vmem>> -> memref<80xi32, #tpu.memory_space<vmem>>
    %dma_wait3A_752 = arith.constant 0 : i32
    %dma_wait3A_753 = arith.constant 0 : i32
    %dma_wait3A_754 = tpu.memref_slice %arg3[%dma_wait3A_752, %dma_wait3A_753] : memref<1001x32xf32, #tpu.memory_space<hbm>> -> memref<1001x32xf32, #tpu.memory_space<hbm>>
    tpu.wait_indirect_dma semaphore(%arg9 : memref<!tpu.dma_semaphore, #tpu.memory_space<semaphore_mem>>) src(%dma_wait3A_754 : memref<1001x32xf32, #tpu.memory_space<hbm>>) dst(%dma_wait3A_748 : memref<80x32xf32, #tpu.memory_space<vmem>>)
    %dma_wait3A_755 = arith.constant 0 : i32
    %dma_wait3A_756 = arith.constant 18 : i32
    %dma_wait3A_757 = arith.constant 0 : i32
    %dma_wait3A_758 = arith.constant 1440 : i32
    %dma_wait3A_759 = arith.constant 0 : i32
    %dma_wait3A_760 = tpu.memref_slice %arg8[%dma_wait3A_757, %dma_wait3A_758, %dma_wait3A_759] : memref<2x1600x32xf32, #tpu.memory_space<vmem>> -> memref<1x80x32xf32, #tpu.memory_space<vmem>>
    %dma_wait3A_761 = tpu.memref_squeeze %dma_wait3A_760 : memref<1x80x32xf32, #tpu.memory_space<vmem>> -> memref<80x32xf32, #tpu.memory_space<vmem>>
    %dma_wait3A_762 = arith.constant 0 : i32
    %dma_wait3A_763 = tpu.memref_slice %arg7[%dma_wait3A_755, %dma_wait3A_756, %dma_wait3A_762] : memref<3x20x80xi32, #tpu.memory_space<vmem>> -> memref<1x1x80xi32, #tpu.memory_space<vmem>>
    %dma_wait3A_764 = tpu.memref_squeeze %dma_wait3A_763 : memref<1x1x80xi32, #tpu.memory_space<vmem>> -> memref<80xi32, #tpu.memory_space<vmem>>
    %dma_wait3A_765 = arith.constant 0 : i32
    %dma_wait3A_766 = arith.constant 0 : i32
    %dma_wait3A_767 = tpu.memref_slice %arg3[%dma_wait3A_765, %dma_wait3A_766] : memref<1001x32xf32, #tpu.memory_space<hbm>> -> memref<1001x32xf32, #tpu.memory_space<hbm>>
    tpu.wait_indirect_dma semaphore(%arg9 : memref<!tpu.dma_semaphore, #tpu.memory_space<semaphore_mem>>) src(%dma_wait3A_767 : memref<1001x32xf32, #tpu.memory_space<hbm>>) dst(%dma_wait3A_761 : memref<80x32xf32, #tpu.memory_space<vmem>>)
    %dma_wait3A_768 = arith.constant 0 : i32
    %dma_wait3A_769 = arith.constant 19 : i32
    %dma_wait3A_770 = arith.constant 0 : i32
    %dma_wait3A_771 = arith.constant 1520 : i32
    %dma_wait3A_772 = arith.constant 0 : i32
    %dma_wait3A_773 = tpu.memref_slice %arg8[%dma_wait3A_770, %dma_wait3A_771, %dma_wait3A_772] : memref<2x1600x32xf32, #tpu.memory_space<vmem>> -> memref<1x80x32xf32, #tpu.memory_space<vmem>>
    %dma_wait3A_774 = tpu.memref_squeeze %dma_wait3A_773 : memref<1x80x32xf32, #tpu.memory_space<vmem>> -> memref<80x32xf32, #tpu.memory_space<vmem>>
    %dma_wait3A_775 = arith.constant 0 : i32
    %dma_wait3A_776 = tpu.memref_slice %arg7[%dma_wait3A_768, %dma_wait3A_769, %dma_wait3A_775] : memref<3x20x80xi32, #tpu.memory_space<vmem>> -> memref<1x1x80xi32, #tpu.memory_space<vmem>>
    %dma_wait3A_777 = tpu.memref_squeeze %dma_wait3A_776 : memref<1x1x80xi32, #tpu.memory_space<vmem>> -> memref<80xi32, #tpu.memory_space<vmem>>
    %dma_wait3A_778 = arith.constant 0 : i32
    %dma_wait3A_779 = arith.constant 0 : i32
    %dma_wait3A_780 = tpu.memref_slice %arg3[%dma_wait3A_778, %dma_wait3A_779] : memref<1001x32xf32, #tpu.memory_space<hbm>> -> memref<1001x32xf32, #tpu.memory_space<hbm>>
    tpu.wait_indirect_dma semaphore(%arg9 : memref<!tpu.dma_semaphore, #tpu.memory_space<semaphore_mem>>) src(%dma_wait3A_780 : memref<1001x32xf32, #tpu.memory_space<hbm>>) dst(%dma_wait3A_774 : memref<80x32xf32, #tpu.memory_space<vmem>>)
    %dma_start3A_781 = arith.constant 0 : i32
    %dma_start3A_782 = arith.constant 0 : i32
    %dma_start3A_783 = arith.constant 0 : i32
    %dma_start3A_784 = arith.constant 0 : i32
    %dma_start3A_785 = tpu.memref_slice %arg8[%dma_start3A_781, %dma_start3A_783, %dma_start3A_784] : memref<2x1600x32xf32, #tpu.memory_space<vmem>> -> memref<1x1600x32xf32, #tpu.memory_space<vmem>>
    %dma_start3A_786 = tpu.memref_squeeze %dma_start3A_785 : memref<1x1600x32xf32, #tpu.memory_space<vmem>> -> memref<1600x32xf32, #tpu.memory_space<vmem>>
    %dma_start3A_787 = arith.constant 0 : i32
    %dma_start3A_788 = tpu.memref_slice %arg6[%dma_start3A_782, %mul3A_2, %dma_start3A_787] : memref<3x51200x32xf32, #tpu.memory_space<hbm>> -> memref<1x1600x32xf32, #tpu.memory_space<hbm>>
    %dma_start3A_789 = tpu.memref_squeeze %dma_start3A_788 : memref<1x1600x32xf32, #tpu.memory_space<hbm>> -> memref<1600x32xf32, #tpu.memory_space<hbm>>
    %dma_start3A_790 = arith.constant 0 : i32
    %dma_start3A_791 = tpu.memref_slice %arg6[%dma_start3A_782, %mul3A_2, %dma_start3A_790] : memref<3x51200x32xf32, #tpu.memory_space<hbm>> -> memref<1x1600x32xf32, #tpu.memory_space<hbm>>
    %dma_start3A_792 = tpu.memref_squeeze %dma_start3A_791 : memref<1x1600x32xf32, #tpu.memory_space<hbm>> -> memref<1600x32xf32, #tpu.memory_space<hbm>>
    %dma_start3A_793 = arith.constant 0 : i32
    %dma_start3A_794 = arith.constant 0 : i32
    %dma_start3A_795 = tpu.memref_slice %arg8[%dma_start3A_781, %dma_start3A_793, %dma_start3A_794] : memref<2x1600x32xf32, #tpu.memory_space<vmem>> -> memref<1x1600x32xf32, #tpu.memory_space<vmem>>
    %dma_start3A_796 = tpu.memref_squeeze %dma_start3A_795 : memref<1x1600x32xf32, #tpu.memory_space<vmem>> -> memref<1600x32xf32, #tpu.memory_space<vmem>>
    tpu.enqueue_dma source(%dma_start3A_796 : memref<1600x32xf32, #tpu.memory_space<vmem>>) target(%dma_start3A_792 : memref<1600x32xf32, #tpu.memory_space<hbm>>) target_semaphore(%arg10 : memref<!tpu.dma_semaphore, #tpu.memory_space<semaphore_mem>>)
    %dma_wait3A_797 = arith.constant 0 : i32
    %dma_wait3A_798 = arith.constant 0 : i32
    %dma_wait3A_799 = arith.constant 0 : i32
    %dma_wait3A_800 = arith.constant 0 : i32
    %dma_wait3A_801 = tpu.memref_slice %arg8[%dma_wait3A_797, %dma_wait3A_799, %dma_wait3A_800] : memref<2x1600x32xf32, #tpu.memory_space<vmem>> -> memref<1x1600x32xf32, #tpu.memory_space<vmem>>
    %dma_wait3A_802 = tpu.memref_squeeze %dma_wait3A_801 : memref<1x1600x32xf32, #tpu.memory_space<vmem>> -> memref<1600x32xf32, #tpu.memory_space<vmem>>
    %dma_wait3A_803 = arith.constant 0 : i32
    %dma_wait3A_804 = tpu.memref_slice %arg6[%dma_wait3A_798, %mul3A_2, %dma_wait3A_803] : memref<3x51200x32xf32, #tpu.memory_space<hbm>> -> memref<1x1600x32xf32, #tpu.memory_space<hbm>>
    %dma_wait3A_805 = tpu.memref_squeeze %dma_wait3A_804 : memref<1x1600x32xf32, #tpu.memory_space<hbm>> -> memref<1600x32xf32, #tpu.memory_space<hbm>>
    %dma_wait3A_806 = arith.constant 0 : i32
    %dma_wait3A_807 = tpu.memref_slice %arg6[%dma_wait3A_798, %mul3A_2, %dma_wait3A_806] : memref<3x51200x32xf32, #tpu.memory_space<hbm>> -> memref<1x1600x32xf32, #tpu.memory_space<hbm>>
    %dma_wait3A_808 = tpu.memref_squeeze %dma_wait3A_807 : memref<1x1600x32xf32, #tpu.memory_space<hbm>> -> memref<1600x32xf32, #tpu.memory_space<hbm>>
    %dma_wait3A_809 = arith.constant 0 : i32
    %dma_wait3A_810 = arith.constant 0 : i32
    %dma_wait3A_811 = tpu.memref_slice %arg8[%dma_wait3A_797, %dma_wait3A_809, %dma_wait3A_810] : memref<2x1600x32xf32, #tpu.memory_space<vmem>> -> memref<1x1600x32xf32, #tpu.memory_space<vmem>>
    %dma_wait3A_812 = tpu.memref_squeeze %dma_wait3A_811 : memref<1x1600x32xf32, #tpu.memory_space<vmem>> -> memref<1600x32xf32, #tpu.memory_space<vmem>>
    tpu.wait_dma2 semaphore(%arg10 : memref<!tpu.dma_semaphore, #tpu.memory_space<semaphore_mem>>) src(%dma_wait3A_812 : memref<1600x32xf32, #tpu.memory_space<vmem>>) dst(%dma_wait3A_808 : memref<1600x32xf32, #tpu.memory_space<hbm>>)
    %dma_start3A_813 = arith.constant 2 : i32
    %dma_start3A_814 = arith.constant 0 : i32
    %dma_start3A_815 = arith.constant 0 : i32
    %dma_start3A_816 = arith.constant 0 : i32
    %dma_start3A_817 = arith.constant 0 : i32
    %dma_start3A_818 = tpu.memref_slice %arg8[%dma_start3A_815, %dma_start3A_816, %dma_start3A_817] : memref<2x1600x32xf32, #tpu.memory_space<vmem>> -> memref<1x80x32xf32, #tpu.memory_space<vmem>>
    %dma_start3A_819 = tpu.memref_squeeze %dma_start3A_818 : memref<1x80x32xf32, #tpu.memory_space<vmem>> -> memref<80x32xf32, #tpu.memory_space<vmem>>
    %dma_start3A_820 = arith.constant 0 : i32
    %dma_start3A_821 = tpu.memref_slice %arg7[%dma_start3A_813, %dma_start3A_814, %dma_start3A_820] : memref<3x20x80xi32, #tpu.memory_space<vmem>> -> memref<1x1x80xi32, #tpu.memory_space<vmem>>
    %dma_start3A_822 = tpu.memref_squeeze %dma_start3A_821 : memref<1x1x80xi32, #tpu.memory_space<vmem>> -> memref<80xi32, #tpu.memory_space<vmem>>
    %dma_start3A_823 = arith.constant 0 : i32
    %dma_start3A_824 = arith.constant 0 : i32
    %dma_start3A_825 = tpu.memref_slice %arg5[%dma_start3A_823, %dma_start3A_824] : memref<1001x32xf32, #tpu.memory_space<hbm>> -> memref<1001x32xf32, #tpu.memory_space<hbm>>
    tpu.enqueue_indirect_dma source(%dma_start3A_825 : memref<1001x32xf32, #tpu.memory_space<hbm>>) target(%dma_start3A_819 : memref<80x32xf32, #tpu.memory_space<vmem>>) offsets(%dma_start3A_822 : memref<80xi32, #tpu.memory_space<vmem>>) semaphore(%arg9 : memref<!tpu.dma_semaphore, #tpu.memory_space<semaphore_mem>>)
    %dma_start3A_826 = arith.constant 2 : i32
    %dma_start3A_827 = arith.constant 1 : i32
    %dma_start3A_828 = arith.constant 0 : i32
    %dma_start3A_829 = arith.constant 80 : i32
    %dma_start3A_830 = arith.constant 0 : i32
    %dma_start3A_831 = tpu.memref_slice %arg8[%dma_start3A_828, %dma_start3A_829, %dma_start3A_830] : memref<2x1600x32xf32, #tpu.memory_space<vmem>> -> memref<1x80x32xf32, #tpu.memory_space<vmem>>
    %dma_start3A_832 = tpu.memref_squeeze %dma_start3A_831 : memref<1x80x32xf32, #tpu.memory_space<vmem>> -> memref<80x32xf32, #tpu.memory_space<vmem>>
    %dma_start3A_833 = arith.constant 0 : i32
    %dma_start3A_834 = tpu.memref_slice %arg7[%dma_start3A_826, %dma_start3A_827, %dma_start3A_833] : memref<3x20x80xi32, #tpu.memory_space<vmem>> -> memref<1x1x80xi32, #tpu.memory_space<vmem>>
    %dma_start3A_835 = tpu.memref_squeeze %dma_start3A_834 : memref<1x1x80xi32, #tpu.memory_space<vmem>> -> memref<80xi32, #tpu.memory_space<vmem>>
    %dma_start3A_836 = arith.constant 0 : i32
    %dma_start3A_837 = arith.constant 0 : i32
    %dma_start3A_838 = tpu.memref_slice %arg5[%dma_start3A_836, %dma_start3A_837] : memref<1001x32xf32, #tpu.memory_space<hbm>> -> memref<1001x32xf32, #tpu.memory_space<hbm>>
    tpu.enqueue_indirect_dma source(%dma_start3A_838 : memref<1001x32xf32, #tpu.memory_space<hbm>>) target(%dma_start3A_832 : memref<80x32xf32, #tpu.memory_space<vmem>>) offsets(%dma_start3A_835 : memref<80xi32, #tpu.memory_space<vmem>>) semaphore(%arg9 : memref<!tpu.dma_semaphore, #tpu.memory_space<semaphore_mem>>)
    %dma_start3A_839 = arith.constant 2 : i32
    %dma_start3A_840 = arith.constant 2 : i32
    %dma_start3A_841 = arith.constant 0 : i32
    %dma_start3A_842 = arith.constant 160 : i32
    %dma_start3A_843 = arith.constant 0 : i32
    %dma_start3A_844 = tpu.memref_slice %arg8[%dma_start3A_841, %dma_start3A_842, %dma_start3A_843] : memref<2x1600x32xf32, #tpu.memory_space<vmem>> -> memref<1x80x32xf32, #tpu.memory_space<vmem>>
    %dma_start3A_845 = tpu.memref_squeeze %dma_start3A_844 : memref<1x80x32xf32, #tpu.memory_space<vmem>> -> memref<80x32xf32, #tpu.memory_space<vmem>>
    %dma_start3A_846 = arith.constant 0 : i32
    %dma_start3A_847 = tpu.memref_slice %arg7[%dma_start3A_839, %dma_start3A_840, %dma_start3A_846] : memref<3x20x80xi32, #tpu.memory_space<vmem>> -> memref<1x1x80xi32, #tpu.memory_space<vmem>>
    %dma_start3A_848 = tpu.memref_squeeze %dma_start3A_847 : memref<1x1x80xi32, #tpu.memory_space<vmem>> -> memref<80xi32, #tpu.memory_space<vmem>>
    %dma_start3A_849 = arith.constant 0 : i32
    %dma_start3A_850 = arith.constant 0 : i32
    %dma_start3A_851 = tpu.memref_slice %arg5[%dma_start3A_849, %dma_start3A_850] : memref<1001x32xf32, #tpu.memory_space<hbm>> -> memref<1001x32xf32, #tpu.memory_space<hbm>>
    tpu.enqueue_indirect_dma source(%dma_start3A_851 : memref<1001x32xf32, #tpu.memory_space<hbm>>) target(%dma_start3A_845 : memref<80x32xf32, #tpu.memory_space<vmem>>) offsets(%dma_start3A_848 : memref<80xi32, #tpu.memory_space<vmem>>) semaphore(%arg9 : memref<!tpu.dma_semaphore, #tpu.memory_space<semaphore_mem>>)
    %dma_start3A_852 = arith.constant 2 : i32
    %dma_start3A_853 = arith.constant 3 : i32
    %dma_start3A_854 = arith.constant 0 : i32
    %dma_start3A_855 = arith.constant 240 : i32
    %dma_start3A_856 = arith.constant 0 : i32
    %dma_start3A_857 = tpu.memref_slice %arg8[%dma_start3A_854, %dma_start3A_855, %dma_start3A_856] : memref<2x1600x32xf32, #tpu.memory_space<vmem>> -> memref<1x80x32xf32, #tpu.memory_space<vmem>>
    %dma_start3A_858 = tpu.memref_squeeze %dma_start3A_857 : memref<1x80x32xf32, #tpu.memory_space<vmem>> -> memref<80x32xf32, #tpu.memory_space<vmem>>
    %dma_start3A_859 = arith.constant 0 : i32
    %dma_start3A_860 = tpu.memref_slice %arg7[%dma_start3A_852, %dma_start3A_853, %dma_start3A_859] : memref<3x20x80xi32, #tpu.memory_space<vmem>> -> memref<1x1x80xi32, #tpu.memory_space<vmem>>
    %dma_start3A_861 = tpu.memref_squeeze %dma_start3A_860 : memref<1x1x80xi32, #tpu.memory_space<vmem>> -> memref<80xi32, #tpu.memory_space<vmem>>
    %dma_start3A_862 = arith.constant 0 : i32
    %dma_start3A_863 = arith.constant 0 : i32
    %dma_start3A_864 = tpu.memref_slice %arg5[%dma_start3A_862, %dma_start3A_863] : memref<1001x32xf32, #tpu.memory_space<hbm>> -> memref<1001x32xf32, #tpu.memory_space<hbm>>
    tpu.enqueue_indirect_dma source(%dma_start3A_864 : memref<1001x32xf32, #tpu.memory_space<hbm>>) target(%dma_start3A_858 : memref<80x32xf32, #tpu.memory_space<vmem>>) offsets(%dma_start3A_861 : memref<80xi32, #tpu.memory_space<vmem>>) semaphore(%arg9 : memref<!tpu.dma_semaphore, #tpu.memory_space<semaphore_mem>>)
    %dma_start3A_865 = arith.constant 2 : i32
    %dma_start3A_866 = arith.constant 4 : i32
    %dma_start3A_867 = arith.constant 0 : i32
    %dma_start3A_868 = arith.constant 320 : i32
    %dma_start3A_869 = arith.constant 0 : i32
    %dma_start3A_870 = tpu.memref_slice %arg8[%dma_start3A_867, %dma_start3A_868, %dma_start3A_869] : memref<2x1600x32xf32, #tpu.memory_space<vmem>> -> memref<1x80x32xf32, #tpu.memory_space<vmem>>
    %dma_start3A_871 = tpu.memref_squeeze %dma_start3A_870 : memref<1x80x32xf32, #tpu.memory_space<vmem>> -> memref<80x32xf32, #tpu.memory_space<vmem>>
    %dma_start3A_872 = arith.constant 0 : i32
    %dma_start3A_873 = tpu.memref_slice %arg7[%dma_start3A_865, %dma_start3A_866, %dma_start3A_872] : memref<3x20x80xi32, #tpu.memory_space<vmem>> -> memref<1x1x80xi32, #tpu.memory_space<vmem>>
    %dma_start3A_874 = tpu.memref_squeeze %dma_start3A_873 : memref<1x1x80xi32, #tpu.memory_space<vmem>> -> memref<80xi32, #tpu.memory_space<vmem>>
    %dma_start3A_875 = arith.constant 0 : i32
    %dma_start3A_876 = arith.constant 0 : i32
    %dma_start3A_877 = tpu.memref_slice %arg5[%dma_start3A_875, %dma_start3A_876] : memref<1001x32xf32, #tpu.memory_space<hbm>> -> memref<1001x32xf32, #tpu.memory_space<hbm>>
    tpu.enqueue_indirect_dma source(%dma_start3A_877 : memref<1001x32xf32, #tpu.memory_space<hbm>>) target(%dma_start3A_871 : memref<80x32xf32, #tpu.memory_space<vmem>>) offsets(%dma_start3A_874 : memref<80xi32, #tpu.memory_space<vmem>>) semaphore(%arg9 : memref<!tpu.dma_semaphore, #tpu.memory_space<semaphore_mem>>)
    %dma_start3A_878 = arith.constant 2 : i32
    %dma_start3A_879 = arith.constant 5 : i32
    %dma_start3A_880 = arith.constant 0 : i32
    %dma_start3A_881 = arith.constant 400 : i32
    %dma_start3A_882 = arith.constant 0 : i32
    %dma_start3A_883 = tpu.memref_slice %arg8[%dma_start3A_880, %dma_start3A_881, %dma_start3A_882] : memref<2x1600x32xf32, #tpu.memory_space<vmem>> -> memref<1x80x32xf32, #tpu.memory_space<vmem>>
    %dma_start3A_884 = tpu.memref_squeeze %dma_start3A_883 : memref<1x80x32xf32, #tpu.memory_space<vmem>> -> memref<80x32xf32, #tpu.memory_space<vmem>>
    %dma_start3A_885 = arith.constant 0 : i32
    %dma_start3A_886 = tpu.memref_slice %arg7[%dma_start3A_878, %dma_start3A_879, %dma_start3A_885] : memref<3x20x80xi32, #tpu.memory_space<vmem>> -> memref<1x1x80xi32, #tpu.memory_space<vmem>>
    %dma_start3A_887 = tpu.memref_squeeze %dma_start3A_886 : memref<1x1x80xi32, #tpu.memory_space<vmem>> -> memref<80xi32, #tpu.memory_space<vmem>>
    %dma_start3A_888 = arith.constant 0 : i32
    %dma_start3A_889 = arith.constant 0 : i32
    %dma_start3A_890 = tpu.memref_slice %arg5[%dma_start3A_888, %dma_start3A_889] : memref<1001x32xf32, #tpu.memory_space<hbm>> -> memref<1001x32xf32, #tpu.memory_space<hbm>>
    tpu.enqueue_indirect_dma source(%dma_start3A_890 : memref<1001x32xf32, #tpu.memory_space<hbm>>) target(%dma_start3A_884 : memref<80x32xf32, #tpu.memory_space<vmem>>) offsets(%dma_start3A_887 : memref<80xi32, #tpu.memory_space<vmem>>) semaphore(%arg9 : memref<!tpu.dma_semaphore, #tpu.memory_space<semaphore_mem>>)
    %dma_start3A_891 = arith.constant 2 : i32
    %dma_start3A_892 = arith.constant 6 : i32
    %dma_start3A_893 = arith.constant 0 : i32
    %dma_start3A_894 = arith.constant 480 : i32
    %dma_start3A_895 = arith.constant 0 : i32
    %dma_start3A_896 = tpu.memref_slice %arg8[%dma_start3A_893, %dma_start3A_894, %dma_start3A_895] : memref<2x1600x32xf32, #tpu.memory_space<vmem>> -> memref<1x80x32xf32, #tpu.memory_space<vmem>>
    %dma_start3A_897 = tpu.memref_squeeze %dma_start3A_896 : memref<1x80x32xf32, #tpu.memory_space<vmem>> -> memref<80x32xf32, #tpu.memory_space<vmem>>
    %dma_start3A_898 = arith.constant 0 : i32
    %dma_start3A_899 = tpu.memref_slice %arg7[%dma_start3A_891, %dma_start3A_892, %dma_start3A_898] : memref<3x20x80xi32, #tpu.memory_space<vmem>> -> memref<1x1x80xi32, #tpu.memory_space<vmem>>
    %dma_start3A_900 = tpu.memref_squeeze %dma_start3A_899 : memref<1x1x80xi32, #tpu.memory_space<vmem>> -> memref<80xi32, #tpu.memory_space<vmem>>
    %dma_start3A_901 = arith.constant 0 : i32
    %dma_start3A_902 = arith.constant 0 : i32
    %dma_start3A_903 = tpu.memref_slice %arg5[%dma_start3A_901, %dma_start3A_902] : memref<1001x32xf32, #tpu.memory_space<hbm>> -> memref<1001x32xf32, #tpu.memory_space<hbm>>
    tpu.enqueue_indirect_dma source(%dma_start3A_903 : memref<1001x32xf32, #tpu.memory_space<hbm>>) target(%dma_start3A_897 : memref<80x32xf32, #tpu.memory_space<vmem>>) offsets(%dma_start3A_900 : memref<80xi32, #tpu.memory_space<vmem>>) semaphore(%arg9 : memref<!tpu.dma_semaphore, #tpu.memory_space<semaphore_mem>>)
    %dma_start3A_904 = arith.constant 2 : i32
    %dma_start3A_905 = arith.constant 7 : i32
    %dma_start3A_906 = arith.constant 0 : i32
    %dma_start3A_907 = arith.constant 560 : i32
    %dma_start3A_908 = arith.constant 0 : i32
    %dma_start3A_909 = tpu.memref_slice %arg8[%dma_start3A_906, %dma_start3A_907, %dma_start3A_908] : memref<2x1600x32xf32, #tpu.memory_space<vmem>> -> memref<1x80x32xf32, #tpu.memory_space<vmem>>
    %dma_start3A_910 = tpu.memref_squeeze %dma_start3A_909 : memref<1x80x32xf32, #tpu.memory_space<vmem>> -> memref<80x32xf32, #tpu.memory_space<vmem>>
    %dma_start3A_911 = arith.constant 0 : i32
    %dma_start3A_912 = tpu.memref_slice %arg7[%dma_start3A_904, %dma_start3A_905, %dma_start3A_911] : memref<3x20x80xi32, #tpu.memory_space<vmem>> -> memref<1x1x80xi32, #tpu.memory_space<vmem>>
    %dma_start3A_913 = tpu.memref_squeeze %dma_start3A_912 : memref<1x1x80xi32, #tpu.memory_space<vmem>> -> memref<80xi32, #tpu.memory_space<vmem>>
    %dma_start3A_914 = arith.constant 0 : i32
    %dma_start3A_915 = arith.constant 0 : i32
    %dma_start3A_916 = tpu.memref_slice %arg5[%dma_start3A_914, %dma_start3A_915] : memref<1001x32xf32, #tpu.memory_space<hbm>> -> memref<1001x32xf32, #tpu.memory_space<hbm>>
    tpu.enqueue_indirect_dma source(%dma_start3A_916 : memref<1001x32xf32, #tpu.memory_space<hbm>>) target(%dma_start3A_910 : memref<80x32xf32, #tpu.memory_space<vmem>>) offsets(%dma_start3A_913 : memref<80xi32, #tpu.memory_space<vmem>>) semaphore(%arg9 : memref<!tpu.dma_semaphore, #tpu.memory_space<semaphore_mem>>)
    %dma_start3A_917 = arith.constant 2 : i32
    %dma_start3A_918 = arith.constant 8 : i32
    %dma_start3A_919 = arith.constant 0 : i32
    %dma_start3A_920 = arith.constant 640 : i32
    %dma_start3A_921 = arith.constant 0 : i32
    %dma_start3A_922 = tpu.memref_slice %arg8[%dma_start3A_919, %dma_start3A_920, %dma_start3A_921] : memref<2x1600x32xf32, #tpu.memory_space<vmem>> -> memref<1x80x32xf32, #tpu.memory_space<vmem>>
    %dma_start3A_923 = tpu.memref_squeeze %dma_start3A_922 : memref<1x80x32xf32, #tpu.memory_space<vmem>> -> memref<80x32xf32, #tpu.memory_space<vmem>>
    %dma_start3A_924 = arith.constant 0 : i32
    %dma_start3A_925 = tpu.memref_slice %arg7[%dma_start3A_917, %dma_start3A_918, %dma_start3A_924] : memref<3x20x80xi32, #tpu.memory_space<vmem>> -> memref<1x1x80xi32, #tpu.memory_space<vmem>>
    %dma_start3A_926 = tpu.memref_squeeze %dma_start3A_925 : memref<1x1x80xi32, #tpu.memory_space<vmem>> -> memref<80xi32, #tpu.memory_space<vmem>>
    %dma_start3A_927 = arith.constant 0 : i32
    %dma_start3A_928 = arith.constant 0 : i32
    %dma_start3A_929 = tpu.memref_slice %arg5[%dma_start3A_927, %dma_start3A_928] : memref<1001x32xf32, #tpu.memory_space<hbm>> -> memref<1001x32xf32, #tpu.memory_space<hbm>>
    tpu.enqueue_indirect_dma source(%dma_start3A_929 : memref<1001x32xf32, #tpu.memory_space<hbm>>) target(%dma_start3A_923 : memref<80x32xf32, #tpu.memory_space<vmem>>) offsets(%dma_start3A_926 : memref<80xi32, #tpu.memory_space<vmem>>) semaphore(%arg9 : memref<!tpu.dma_semaphore, #tpu.memory_space<semaphore_mem>>)
    %dma_start3A_930 = arith.constant 2 : i32
    %dma_start3A_931 = arith.constant 9 : i32
    %dma_start3A_932 = arith.constant 0 : i32
    %dma_start3A_933 = arith.constant 720 : i32
    %dma_start3A_934 = arith.constant 0 : i32
    %dma_start3A_935 = tpu.memref_slice %arg8[%dma_start3A_932, %dma_start3A_933, %dma_start3A_934] : memref<2x1600x32xf32, #tpu.memory_space<vmem>> -> memref<1x80x32xf32, #tpu.memory_space<vmem>>
    %dma_start3A_936 = tpu.memref_squeeze %dma_start3A_935 : memref<1x80x32xf32, #tpu.memory_space<vmem>> -> memref<80x32xf32, #tpu.memory_space<vmem>>
    %dma_start3A_937 = arith.constant 0 : i32
    %dma_start3A_938 = tpu.memref_slice %arg7[%dma_start3A_930, %dma_start3A_931, %dma_start3A_937] : memref<3x20x80xi32, #tpu.memory_space<vmem>> -> memref<1x1x80xi32, #tpu.memory_space<vmem>>
    %dma_start3A_939 = tpu.memref_squeeze %dma_start3A_938 : memref<1x1x80xi32, #tpu.memory_space<vmem>> -> memref<80xi32, #tpu.memory_space<vmem>>
    %dma_start3A_940 = arith.constant 0 : i32
    %dma_start3A_941 = arith.constant 0 : i32
    %dma_start3A_942 = tpu.memref_slice %arg5[%dma_start3A_940, %dma_start3A_941] : memref<1001x32xf32, #tpu.memory_space<hbm>> -> memref<1001x32xf32, #tpu.memory_space<hbm>>
    tpu.enqueue_indirect_dma source(%dma_start3A_942 : memref<1001x32xf32, #tpu.memory_space<hbm>>) target(%dma_start3A_936 : memref<80x32xf32, #tpu.memory_space<vmem>>) offsets(%dma_start3A_939 : memref<80xi32, #tpu.memory_space<vmem>>) semaphore(%arg9 : memref<!tpu.dma_semaphore, #tpu.memory_space<semaphore_mem>>)
    %dma_start3A_943 = arith.constant 2 : i32
    %dma_start3A_944 = arith.constant 10 : i32
    %dma_start3A_945 = arith.constant 0 : i32
    %dma_start3A_946 = arith.constant 800 : i32
    %dma_start3A_947 = arith.constant 0 : i32
    %dma_start3A_948 = tpu.memref_slice %arg8[%dma_start3A_945, %dma_start3A_946, %dma_start3A_947] : memref<2x1600x32xf32, #tpu.memory_space<vmem>> -> memref<1x80x32xf32, #tpu.memory_space<vmem>>
    %dma_start3A_949 = tpu.memref_squeeze %dma_start3A_948 : memref<1x80x32xf32, #tpu.memory_space<vmem>> -> memref<80x32xf32, #tpu.memory_space<vmem>>
    %dma_start3A_950 = arith.constant 0 : i32
    %dma_start3A_951 = tpu.memref_slice %arg7[%dma_start3A_943, %dma_start3A_944, %dma_start3A_950] : memref<3x20x80xi32, #tpu.memory_space<vmem>> -> memref<1x1x80xi32, #tpu.memory_space<vmem>>
    %dma_start3A_952 = tpu.memref_squeeze %dma_start3A_951 : memref<1x1x80xi32, #tpu.memory_space<vmem>> -> memref<80xi32, #tpu.memory_space<vmem>>
    %dma_start3A_953 = arith.constant 0 : i32
    %dma_start3A_954 = arith.constant 0 : i32
    %dma_start3A_955 = tpu.memref_slice %arg5[%dma_start3A_953, %dma_start3A_954] : memref<1001x32xf32, #tpu.memory_space<hbm>> -> memref<1001x32xf32, #tpu.memory_space<hbm>>
    tpu.enqueue_indirect_dma source(%dma_start3A_955 : memref<1001x32xf32, #tpu.memory_space<hbm>>) target(%dma_start3A_949 : memref<80x32xf32, #tpu.memory_space<vmem>>) offsets(%dma_start3A_952 : memref<80xi32, #tpu.memory_space<vmem>>) semaphore(%arg9 : memref<!tpu.dma_semaphore, #tpu.memory_space<semaphore_mem>>)
    %dma_start3A_956 = arith.constant 2 : i32
    %dma_start3A_957 = arith.constant 11 : i32
    %dma_start3A_958 = arith.constant 0 : i32
    %dma_start3A_959 = arith.constant 880 : i32
    %dma_start3A_960 = arith.constant 0 : i32
    %dma_start3A_961 = tpu.memref_slice %arg8[%dma_start3A_958, %dma_start3A_959, %dma_start3A_960] : memref<2x1600x32xf32, #tpu.memory_space<vmem>> -> memref<1x80x32xf32, #tpu.memory_space<vmem>>
    %dma_start3A_962 = tpu.memref_squeeze %dma_start3A_961 : memref<1x80x32xf32, #tpu.memory_space<vmem>> -> memref<80x32xf32, #tpu.memory_space<vmem>>
    %dma_start3A_963 = arith.constant 0 : i32
    %dma_start3A_964 = tpu.memref_slice %arg7[%dma_start3A_956, %dma_start3A_957, %dma_start3A_963] : memref<3x20x80xi32, #tpu.memory_space<vmem>> -> memref<1x1x80xi32, #tpu.memory_space<vmem>>
    %dma_start3A_965 = tpu.memref_squeeze %dma_start3A_964 : memref<1x1x80xi32, #tpu.memory_space<vmem>> -> memref<80xi32, #tpu.memory_space<vmem>>
    %dma_start3A_966 = arith.constant 0 : i32
    %dma_start3A_967 = arith.constant 0 : i32
    %dma_start3A_968 = tpu.memref_slice %arg5[%dma_start3A_966, %dma_start3A_967] : memref<1001x32xf32, #tpu.memory_space<hbm>> -> memref<1001x32xf32, #tpu.memory_space<hbm>>
    tpu.enqueue_indirect_dma source(%dma_start3A_968 : memref<1001x32xf32, #tpu.memory_space<hbm>>) target(%dma_start3A_962 : memref<80x32xf32, #tpu.memory_space<vmem>>) offsets(%dma_start3A_965 : memref<80xi32, #tpu.memory_space<vmem>>) semaphore(%arg9 : memref<!tpu.dma_semaphore, #tpu.memory_space<semaphore_mem>>)
    %dma_start3A_969 = arith.constant 2 : i32
    %dma_start3A_970 = arith.constant 12 : i32
    %dma_start3A_971 = arith.constant 0 : i32
    %dma_start3A_972 = arith.constant 960 : i32
    %dma_start3A_973 = arith.constant 0 : i32
    %dma_start3A_974 = tpu.memref_slice %arg8[%dma_start3A_971, %dma_start3A_972, %dma_start3A_973] : memref<2x1600x32xf32, #tpu.memory_space<vmem>> -> memref<1x80x32xf32, #tpu.memory_space<vmem>>
    %dma_start3A_975 = tpu.memref_squeeze %dma_start3A_974 : memref<1x80x32xf32, #tpu.memory_space<vmem>> -> memref<80x32xf32, #tpu.memory_space<vmem>>
    %dma_start3A_976 = arith.constant 0 : i32
    %dma_start3A_977 = tpu.memref_slice %arg7[%dma_start3A_969, %dma_start3A_970, %dma_start3A_976] : memref<3x20x80xi32, #tpu.memory_space<vmem>> -> memref<1x1x80xi32, #tpu.memory_space<vmem>>
    %dma_start3A_978 = tpu.memref_squeeze %dma_start3A_977 : memref<1x1x80xi32, #tpu.memory_space<vmem>> -> memref<80xi32, #tpu.memory_space<vmem>>
    %dma_start3A_979 = arith.constant 0 : i32
    %dma_start3A_980 = arith.constant 0 : i32
    %dma_start3A_981 = tpu.memref_slice %arg5[%dma_start3A_979, %dma_start3A_980] : memref<1001x32xf32, #tpu.memory_space<hbm>> -> memref<1001x32xf32, #tpu.memory_space<hbm>>
    tpu.enqueue_indirect_dma source(%dma_start3A_981 : memref<1001x32xf32, #tpu.memory_space<hbm>>) target(%dma_start3A_975 : memref<80x32xf32, #tpu.memory_space<vmem>>) offsets(%dma_start3A_978 : memref<80xi32, #tpu.memory_space<vmem>>) semaphore(%arg9 : memref<!tpu.dma_semaphore, #tpu.memory_space<semaphore_mem>>)
    %dma_start3A_982 = arith.constant 2 : i32
    %dma_start3A_983 = arith.constant 13 : i32
    %dma_start3A_984 = arith.constant 0 : i32
    %dma_start3A_985 = arith.constant 1040 : i32
    %dma_start3A_986 = arith.constant 0 : i32
    %dma_start3A_987 = tpu.memref_slice %arg8[%dma_start3A_984, %dma_start3A_985, %dma_start3A_986] : memref<2x1600x32xf32, #tpu.memory_space<vmem>> -> memref<1x80x32xf32, #tpu.memory_space<vmem>>
    %dma_start3A_988 = tpu.memref_squeeze %dma_start3A_987 : memref<1x80x32xf32, #tpu.memory_space<vmem>> -> memref<80x32xf32, #tpu.memory_space<vmem>>
    %dma_start3A_989 = arith.constant 0 : i32
    %dma_start3A_990 = tpu.memref_slice %arg7[%dma_start3A_982, %dma_start3A_983, %dma_start3A_989] : memref<3x20x80xi32, #tpu.memory_space<vmem>> -> memref<1x1x80xi32, #tpu.memory_space<vmem>>
    %dma_start3A_991 = tpu.memref_squeeze %dma_start3A_990 : memref<1x1x80xi32, #tpu.memory_space<vmem>> -> memref<80xi32, #tpu.memory_space<vmem>>
    %dma_start3A_992 = arith.constant 0 : i32
    %dma_start3A_993 = arith.constant 0 : i32
    %dma_start3A_994 = tpu.memref_slice %arg5[%dma_start3A_992, %dma_start3A_993] : memref<1001x32xf32, #tpu.memory_space<hbm>> -> memref<1001x32xf32, #tpu.memory_space<hbm>>
    tpu.enqueue_indirect_dma source(%dma_start3A_994 : memref<1001x32xf32, #tpu.memory_space<hbm>>) target(%dma_start3A_988 : memref<80x32xf32, #tpu.memory_space<vmem>>) offsets(%dma_start3A_991 : memref<80xi32, #tpu.memory_space<vmem>>) semaphore(%arg9 : memref<!tpu.dma_semaphore, #tpu.memory_space<semaphore_mem>>)
    %dma_start3A_995 = arith.constant 2 : i32
    %dma_start3A_996 = arith.constant 14 : i32
    %dma_start3A_997 = arith.constant 0 : i32
    %dma_start3A_998 = arith.constant 1120 : i32
    %dma_start3A_999 = arith.constant 0 : i32
    %dma_start3A_1000 = tpu.memref_slice %arg8[%dma_start3A_997, %dma_start3A_998, %dma_start3A_999] : memref<2x1600x32xf32, #tpu.memory_space<vmem>> -> memref<1x80x32xf32, #tpu.memory_space<vmem>>
    %dma_start3A_1001 = tpu.memref_squeeze %dma_start3A_1000 : memref<1x80x32xf32, #tpu.memory_space<vmem>> -> memref<80x32xf32, #tpu.memory_space<vmem>>
    %dma_start3A_1002 = arith.constant 0 : i32
    %dma_start3A_1003 = tpu.memref_slice %arg7[%dma_start3A_995, %dma_start3A_996, %dma_start3A_1002] : memref<3x20x80xi32, #tpu.memory_space<vmem>> -> memref<1x1x80xi32, #tpu.memory_space<vmem>>
    %dma_start3A_1004 = tpu.memref_squeeze %dma_start3A_1003 : memref<1x1x80xi32, #tpu.memory_space<vmem>> -> memref<80xi32, #tpu.memory_space<vmem>>
    %dma_start3A_1005 = arith.constant 0 : i32
    %dma_start3A_1006 = arith.constant 0 : i32
    %dma_start3A_1007 = tpu.memref_slice %arg5[%dma_start3A_1005, %dma_start3A_1006] : memref<1001x32xf32, #tpu.memory_space<hbm>> -> memref<1001x32xf32, #tpu.memory_space<hbm>>
    tpu.enqueue_indirect_dma source(%dma_start3A_1007 : memref<1001x32xf32, #tpu.memory_space<hbm>>) target(%dma_start3A_1001 : memref<80x32xf32, #tpu.memory_space<vmem>>) offsets(%dma_start3A_1004 : memref<80xi32, #tpu.memory_space<vmem>>) semaphore(%arg9 : memref<!tpu.dma_semaphore, #tpu.memory_space<semaphore_mem>>)
    %dma_start3A_1008 = arith.constant 2 : i32
    %dma_start3A_1009 = arith.constant 15 : i32
    %dma_start3A_1010 = arith.constant 0 : i32
    %dma_start3A_1011 = arith.constant 1200 : i32
    %dma_start3A_1012 = arith.constant 0 : i32
    %dma_start3A_1013 = tpu.memref_slice %arg8[%dma_start3A_1010, %dma_start3A_1011, %dma_start3A_1012] : memref<2x1600x32xf32, #tpu.memory_space<vmem>> -> memref<1x80x32xf32, #tpu.memory_space<vmem>>
    %dma_start3A_1014 = tpu.memref_squeeze %dma_start3A_1013 : memref<1x80x32xf32, #tpu.memory_space<vmem>> -> memref<80x32xf32, #tpu.memory_space<vmem>>
    %dma_start3A_1015 = arith.constant 0 : i32
    %dma_start3A_1016 = tpu.memref_slice %arg7[%dma_start3A_1008, %dma_start3A_1009, %dma_start3A_1015] : memref<3x20x80xi32, #tpu.memory_space<vmem>> -> memref<1x1x80xi32, #tpu.memory_space<vmem>>
    %dma_start3A_1017 = tpu.memref_squeeze %dma_start3A_1016 : memref<1x1x80xi32, #tpu.memory_space<vmem>> -> memref<80xi32, #tpu.memory_space<vmem>>
    %dma_start3A_1018 = arith.constant 0 : i32
    %dma_start3A_1019 = arith.constant 0 : i32
    %dma_start3A_1020 = tpu.memref_slice %arg5[%dma_start3A_1018, %dma_start3A_1019] : memref<1001x32xf32, #tpu.memory_space<hbm>> -> memref<1001x32xf32, #tpu.memory_space<hbm>>
    tpu.enqueue_indirect_dma source(%dma_start3A_1020 : memref<1001x32xf32, #tpu.memory_space<hbm>>) target(%dma_start3A_1014 : memref<80x32xf32, #tpu.memory_space<vmem>>) offsets(%dma_start3A_1017 : memref<80xi32, #tpu.memory_space<vmem>>) semaphore(%arg9 : memref<!tpu.dma_semaphore, #tpu.memory_space<semaphore_mem>>)
    %dma_start3A_1021 = arith.constant 2 : i32
    %dma_start3A_1022 = arith.constant 16 : i32
    %dma_start3A_1023 = arith.constant 0 : i32
    %dma_start3A_1024 = arith.constant 1280 : i32
    %dma_start3A_1025 = arith.constant 0 : i32
    %dma_start3A_1026 = tpu.memref_slice %arg8[%dma_start3A_1023, %dma_start3A_1024, %dma_start3A_1025] : memref<2x1600x32xf32, #tpu.memory_space<vmem>> -> memref<1x80x32xf32, #tpu.memory_space<vmem>>
    %dma_start3A_1027 = tpu.memref_squeeze %dma_start3A_1026 : memref<1x80x32xf32, #tpu.memory_space<vmem>> -> memref<80x32xf32, #tpu.memory_space<vmem>>
    %dma_start3A_1028 = arith.constant 0 : i32
    %dma_start3A_1029 = tpu.memref_slice %arg7[%dma_start3A_1021, %dma_start3A_1022, %dma_start3A_1028] : memref<3x20x80xi32, #tpu.memory_space<vmem>> -> memref<1x1x80xi32, #tpu.memory_space<vmem>>
    %dma_start3A_1030 = tpu.memref_squeeze %dma_start3A_1029 : memref<1x1x80xi32, #tpu.memory_space<vmem>> -> memref<80xi32, #tpu.memory_space<vmem>>
    %dma_start3A_1031 = arith.constant 0 : i32
    %dma_start3A_1032 = arith.constant 0 : i32
    %dma_start3A_1033 = tpu.memref_slice %arg5[%dma_start3A_1031, %dma_start3A_1032] : memref<1001x32xf32, #tpu.memory_space<hbm>> -> memref<1001x32xf32, #tpu.memory_space<hbm>>
    tpu.enqueue_indirect_dma source(%dma_start3A_1033 : memref<1001x32xf32, #tpu.memory_space<hbm>>) target(%dma_start3A_1027 : memref<80x32xf32, #tpu.memory_space<vmem>>) offsets(%dma_start3A_1030 : memref<80xi32, #tpu.memory_space<vmem>>) semaphore(%arg9 : memref<!tpu.dma_semaphore, #tpu.memory_space<semaphore_mem>>)
    %dma_start3A_1034 = arith.constant 2 : i32
    %dma_start3A_1035 = arith.constant 17 : i32
    %dma_start3A_1036 = arith.constant 0 : i32
    %dma_start3A_1037 = arith.constant 1360 : i32
    %dma_start3A_1038 = arith.constant 0 : i32
    %dma_start3A_1039 = tpu.memref_slice %arg8[%dma_start3A_1036, %dma_start3A_1037, %dma_start3A_1038] : memref<2x1600x32xf32, #tpu.memory_space<vmem>> -> memref<1x80x32xf32, #tpu.memory_space<vmem>>
    %dma_start3A_1040 = tpu.memref_squeeze %dma_start3A_1039 : memref<1x80x32xf32, #tpu.memory_space<vmem>> -> memref<80x32xf32, #tpu.memory_space<vmem>>
    %dma_start3A_1041 = arith.constant 0 : i32
    %dma_start3A_1042 = tpu.memref_slice %arg7[%dma_start3A_1034, %dma_start3A_1035, %dma_start3A_1041] : memref<3x20x80xi32, #tpu.memory_space<vmem>> -> memref<1x1x80xi32, #tpu.memory_space<vmem>>
    %dma_start3A_1043 = tpu.memref_squeeze %dma_start3A_1042 : memref<1x1x80xi32, #tpu.memory_space<vmem>> -> memref<80xi32, #tpu.memory_space<vmem>>
    %dma_start3A_1044 = arith.constant 0 : i32
    %dma_start3A_1045 = arith.constant 0 : i32
    %dma_start3A_1046 = tpu.memref_slice %arg5[%dma_start3A_1044, %dma_start3A_1045] : memref<1001x32xf32, #tpu.memory_space<hbm>> -> memref<1001x32xf32, #tpu.memory_space<hbm>>
    tpu.enqueue_indirect_dma source(%dma_start3A_1046 : memref<1001x32xf32, #tpu.memory_space<hbm>>) target(%dma_start3A_1040 : memref<80x32xf32, #tpu.memory_space<vmem>>) offsets(%dma_start3A_1043 : memref<80xi32, #tpu.memory_space<vmem>>) semaphore(%arg9 : memref<!tpu.dma_semaphore, #tpu.memory_space<semaphore_mem>>)
    %dma_start3A_1047 = arith.constant 2 : i32
    %dma_start3A_1048 = arith.constant 18 : i32
    %dma_start3A_1049 = arith.constant 0 : i32
    %dma_start3A_1050 = arith.constant 1440 : i32
    %dma_start3A_1051 = arith.constant 0 : i32
    %dma_start3A_1052 = tpu.memref_slice %arg8[%dma_start3A_1049, %dma_start3A_1050, %dma_start3A_1051] : memref<2x1600x32xf32, #tpu.memory_space<vmem>> -> memref<1x80x32xf32, #tpu.memory_space<vmem>>
    %dma_start3A_1053 = tpu.memref_squeeze %dma_start3A_1052 : memref<1x80x32xf32, #tpu.memory_space<vmem>> -> memref<80x32xf32, #tpu.memory_space<vmem>>
    %dma_start3A_1054 = arith.constant 0 : i32
    %dma_start3A_1055 = tpu.memref_slice %arg7[%dma_start3A_1047, %dma_start3A_1048, %dma_start3A_1054] : memref<3x20x80xi32, #tpu.memory_space<vmem>> -> memref<1x1x80xi32, #tpu.memory_space<vmem>>
    %dma_start3A_1056 = tpu.memref_squeeze %dma_start3A_1055 : memref<1x1x80xi32, #tpu.memory_space<vmem>> -> memref<80xi32, #tpu.memory_space<vmem>>
    %dma_start3A_1057 = arith.constant 0 : i32
    %dma_start3A_1058 = arith.constant 0 : i32
    %dma_start3A_1059 = tpu.memref_slice %arg5[%dma_start3A_1057, %dma_start3A_1058] : memref<1001x32xf32, #tpu.memory_space<hbm>> -> memref<1001x32xf32, #tpu.memory_space<hbm>>
    tpu.enqueue_indirect_dma source(%dma_start3A_1059 : memref<1001x32xf32, #tpu.memory_space<hbm>>) target(%dma_start3A_1053 : memref<80x32xf32, #tpu.memory_space<vmem>>) offsets(%dma_start3A_1056 : memref<80xi32, #tpu.memory_space<vmem>>) semaphore(%arg9 : memref<!tpu.dma_semaphore, #tpu.memory_space<semaphore_mem>>)
    %dma_start3A_1060 = arith.constant 2 : i32
    %dma_start3A_1061 = arith.constant 19 : i32
    %dma_start3A_1062 = arith.constant 0 : i32
    %dma_start3A_1063 = arith.constant 1520 : i32
    %dma_start3A_1064 = arith.constant 0 : i32
    %dma_start3A_1065 = tpu.memref_slice %arg8[%dma_start3A_1062, %dma_start3A_1063, %dma_start3A_1064] : memref<2x1600x32xf32, #tpu.memory_space<vmem>> -> memref<1x80x32xf32, #tpu.memory_space<vmem>>
    %dma_start3A_1066 = tpu.memref_squeeze %dma_start3A_1065 : memref<1x80x32xf32, #tpu.memory_space<vmem>> -> memref<80x32xf32, #tpu.memory_space<vmem>>
    %dma_start3A_1067 = arith.constant 0 : i32
    %dma_start3A_1068 = tpu.memref_slice %arg7[%dma_start3A_1060, %dma_start3A_1061, %dma_start3A_1067] : memref<3x20x80xi32, #tpu.memory_space<vmem>> -> memref<1x1x80xi32, #tpu.memory_space<vmem>>
    %dma_start3A_1069 = tpu.memref_squeeze %dma_start3A_1068 : memref<1x1x80xi32, #tpu.memory_space<vmem>> -> memref<80xi32, #tpu.memory_space<vmem>>
    %dma_start3A_1070 = arith.constant 0 : i32
    %dma_start3A_1071 = arith.constant 0 : i32
    %dma_start3A_1072 = tpu.memref_slice %arg5[%dma_start3A_1070, %dma_start3A_1071] : memref<1001x32xf32, #tpu.memory_space<hbm>> -> memref<1001x32xf32, #tpu.memory_space<hbm>>
    tpu.enqueue_indirect_dma source(%dma_start3A_1072 : memref<1001x32xf32, #tpu.memory_space<hbm>>) target(%dma_start3A_1066 : memref<80x32xf32, #tpu.memory_space<vmem>>) offsets(%dma_start3A_1069 : memref<80xi32, #tpu.memory_space<vmem>>) semaphore(%arg9 : memref<!tpu.dma_semaphore, #tpu.memory_space<semaphore_mem>>)
    %dma_wait3A_1073 = arith.constant 1 : i32
    %dma_wait3A_1074 = arith.constant 0 : i32
    %dma_wait3A_1075 = arith.constant 1 : i32
    %dma_wait3A_1076 = arith.constant 0 : i32
    %dma_wait3A_1077 = arith.constant 0 : i32
    %dma_wait3A_1078 = tpu.memref_slice %arg8[%dma_wait3A_1075, %dma_wait3A_1076, %dma_wait3A_1077] : memref<2x1600x32xf32, #tpu.memory_space<vmem>> -> memref<1x80x32xf32, #tpu.memory_space<vmem>>
    %dma_wait3A_1079 = tpu.memref_squeeze %dma_wait3A_1078 : memref<1x80x32xf32, #tpu.memory_space<vmem>> -> memref<80x32xf32, #tpu.memory_space<vmem>>
    %dma_wait3A_1080 = arith.constant 0 : i32
    %dma_wait3A_1081 = tpu.memref_slice %arg7[%dma_wait3A_1073, %dma_wait3A_1074, %dma_wait3A_1080] : memref<3x20x80xi32, #tpu.memory_space<vmem>> -> memref<1x1x80xi32, #tpu.memory_space<vmem>>
    %dma_wait3A_1082 = tpu.memref_squeeze %dma_wait3A_1081 : memref<1x1x80xi32, #tpu.memory_space<vmem>> -> memref<80xi32, #tpu.memory_space<vmem>>
    %dma_wait3A_1083 = arith.constant 0 : i32
    %dma_wait3A_1084 = arith.constant 0 : i32
    %dma_wait3A_1085 = tpu.memref_slice %arg4[%dma_wait3A_1083, %dma_wait3A_1084] : memref<100001x32xf32, #tpu.memory_space<hbm>> -> memref<100001x32xf32, #tpu.memory_space<hbm>>
    tpu.wait_indirect_dma semaphore(%arg9 : memref<!tpu.dma_semaphore, #tpu.memory_space<semaphore_mem>>) src(%dma_wait3A_1085 : memref<100001x32xf32, #tpu.memory_space<hbm>>) dst(%dma_wait3A_1079 : memref<80x32xf32, #tpu.memory_space<vmem>>)
    %dma_wait3A_1086 = arith.constant 1 : i32
    %dma_wait3A_1087 = arith.constant 1 : i32
    %dma_wait3A_1088 = arith.constant 1 : i32
    %dma_wait3A_1089 = arith.constant 80 : i32
    %dma_wait3A_1090 = arith.constant 0 : i32
    %dma_wait3A_1091 = tpu.memref_slice %arg8[%dma_wait3A_1088, %dma_wait3A_1089, %dma_wait3A_1090] : memref<2x1600x32xf32, #tpu.memory_space<vmem>> -> memref<1x80x32xf32, #tpu.memory_space<vmem>>
    %dma_wait3A_1092 = tpu.memref_squeeze %dma_wait3A_1091 : memref<1x80x32xf32, #tpu.memory_space<vmem>> -> memref<80x32xf32, #tpu.memory_space<vmem>>
    %dma_wait3A_1093 = arith.constant 0 : i32
    %dma_wait3A_1094 = tpu.memref_slice %arg7[%dma_wait3A_1086, %dma_wait3A_1087, %dma_wait3A_1093] : memref<3x20x80xi32, #tpu.memory_space<vmem>> -> memref<1x1x80xi32, #tpu.memory_space<vmem>>
    %dma_wait3A_1095 = tpu.memref_squeeze %dma_wait3A_1094 : memref<1x1x80xi32, #tpu.memory_space<vmem>> -> memref<80xi32, #tpu.memory_space<vmem>>
    %dma_wait3A_1096 = arith.constant 0 : i32
    %dma_wait3A_1097 = arith.constant 0 : i32
    %dma_wait3A_1098 = tpu.memref_slice %arg4[%dma_wait3A_1096, %dma_wait3A_1097] : memref<100001x32xf32, #tpu.memory_space<hbm>> -> memref<100001x32xf32, #tpu.memory_space<hbm>>
    tpu.wait_indirect_dma semaphore(%arg9 : memref<!tpu.dma_semaphore, #tpu.memory_space<semaphore_mem>>) src(%dma_wait3A_1098 : memref<100001x32xf32, #tpu.memory_space<hbm>>) dst(%dma_wait3A_1092 : memref<80x32xf32, #tpu.memory_space<vmem>>)
    %dma_wait3A_1099 = arith.constant 1 : i32
    %dma_wait3A_1100 = arith.constant 2 : i32
    %dma_wait3A_1101 = arith.constant 1 : i32
    %dma_wait3A_1102 = arith.constant 160 : i32
    %dma_wait3A_1103 = arith.constant 0 : i32
    %dma_wait3A_1104 = tpu.memref_slice %arg8[%dma_wait3A_1101, %dma_wait3A_1102, %dma_wait3A_1103] : memref<2x1600x32xf32, #tpu.memory_space<vmem>> -> memref<1x80x32xf32, #tpu.memory_space<vmem>>
    %dma_wait3A_1105 = tpu.memref_squeeze %dma_wait3A_1104 : memref<1x80x32xf32, #tpu.memory_space<vmem>> -> memref<80x32xf32, #tpu.memory_space<vmem>>
    %dma_wait3A_1106 = arith.constant 0 : i32
    %dma_wait3A_1107 = tpu.memref_slice %arg7[%dma_wait3A_1099, %dma_wait3A_1100, %dma_wait3A_1106] : memref<3x20x80xi32, #tpu.memory_space<vmem>> -> memref<1x1x80xi32, #tpu.memory_space<vmem>>
    %dma_wait3A_1108 = tpu.memref_squeeze %dma_wait3A_1107 : memref<1x1x80xi32, #tpu.memory_space<vmem>> -> memref<80xi32, #tpu.memory_space<vmem>>
    %dma_wait3A_1109 = arith.constant 0 : i32
    %dma_wait3A_1110 = arith.constant 0 : i32
    %dma_wait3A_1111 = tpu.memref_slice %arg4[%dma_wait3A_1109, %dma_wait3A_1110] : memref<100001x32xf32, #tpu.memory_space<hbm>> -> memref<100001x32xf32, #tpu.memory_space<hbm>>
    tpu.wait_indirect_dma semaphore(%arg9 : memref<!tpu.dma_semaphore, #tpu.memory_space<semaphore_mem>>) src(%dma_wait3A_1111 : memref<100001x32xf32, #tpu.memory_space<hbm>>) dst(%dma_wait3A_1105 : memref<80x32xf32, #tpu.memory_space<vmem>>)
    %dma_wait3A_1112 = arith.constant 1 : i32
    %dma_wait3A_1113 = arith.constant 3 : i32
    %dma_wait3A_1114 = arith.constant 1 : i32
    %dma_wait3A_1115 = arith.constant 240 : i32
    %dma_wait3A_1116 = arith.constant 0 : i32
    %dma_wait3A_1117 = tpu.memref_slice %arg8[%dma_wait3A_1114, %dma_wait3A_1115, %dma_wait3A_1116] : memref<2x1600x32xf32, #tpu.memory_space<vmem>> -> memref<1x80x32xf32, #tpu.memory_space<vmem>>
    %dma_wait3A_1118 = tpu.memref_squeeze %dma_wait3A_1117 : memref<1x80x32xf32, #tpu.memory_space<vmem>> -> memref<80x32xf32, #tpu.memory_space<vmem>>
    %dma_wait3A_1119 = arith.constant 0 : i32
    %dma_wait3A_1120 = tpu.memref_slice %arg7[%dma_wait3A_1112, %dma_wait3A_1113, %dma_wait3A_1119] : memref<3x20x80xi32, #tpu.memory_space<vmem>> -> memref<1x1x80xi32, #tpu.memory_space<vmem>>
    %dma_wait3A_1121 = tpu.memref_squeeze %dma_wait3A_1120 : memref<1x1x80xi32, #tpu.memory_space<vmem>> -> memref<80xi32, #tpu.memory_space<vmem>>
    %dma_wait3A_1122 = arith.constant 0 : i32
    %dma_wait3A_1123 = arith.constant 0 : i32
    %dma_wait3A_1124 = tpu.memref_slice %arg4[%dma_wait3A_1122, %dma_wait3A_1123] : memref<100001x32xf32, #tpu.memory_space<hbm>> -> memref<100001x32xf32, #tpu.memory_space<hbm>>
    tpu.wait_indirect_dma semaphore(%arg9 : memref<!tpu.dma_semaphore, #tpu.memory_space<semaphore_mem>>) src(%dma_wait3A_1124 : memref<100001x32xf32, #tpu.memory_space<hbm>>) dst(%dma_wait3A_1118 : memref<80x32xf32, #tpu.memory_space<vmem>>)
    %dma_wait3A_1125 = arith.constant 1 : i32
    %dma_wait3A_1126 = arith.constant 4 : i32
    %dma_wait3A_1127 = arith.constant 1 : i32
    %dma_wait3A_1128 = arith.constant 320 : i32
    %dma_wait3A_1129 = arith.constant 0 : i32
    %dma_wait3A_1130 = tpu.memref_slice %arg8[%dma_wait3A_1127, %dma_wait3A_1128, %dma_wait3A_1129] : memref<2x1600x32xf32, #tpu.memory_space<vmem>> -> memref<1x80x32xf32, #tpu.memory_space<vmem>>
    %dma_wait3A_1131 = tpu.memref_squeeze %dma_wait3A_1130 : memref<1x80x32xf32, #tpu.memory_space<vmem>> -> memref<80x32xf32, #tpu.memory_space<vmem>>
    %dma_wait3A_1132 = arith.constant 0 : i32
    %dma_wait3A_1133 = tpu.memref_slice %arg7[%dma_wait3A_1125, %dma_wait3A_1126, %dma_wait3A_1132] : memref<3x20x80xi32, #tpu.memory_space<vmem>> -> memref<1x1x80xi32, #tpu.memory_space<vmem>>
    %dma_wait3A_1134 = tpu.memref_squeeze %dma_wait3A_1133 : memref<1x1x80xi32, #tpu.memory_space<vmem>> -> memref<80xi32, #tpu.memory_space<vmem>>
    %dma_wait3A_1135 = arith.constant 0 : i32
    %dma_wait3A_1136 = arith.constant 0 : i32
    %dma_wait3A_1137 = tpu.memref_slice %arg4[%dma_wait3A_1135, %dma_wait3A_1136] : memref<100001x32xf32, #tpu.memory_space<hbm>> -> memref<100001x32xf32, #tpu.memory_space<hbm>>
    tpu.wait_indirect_dma semaphore(%arg9 : memref<!tpu.dma_semaphore, #tpu.memory_space<semaphore_mem>>) src(%dma_wait3A_1137 : memref<100001x32xf32, #tpu.memory_space<hbm>>) dst(%dma_wait3A_1131 : memref<80x32xf32, #tpu.memory_space<vmem>>)
    %dma_wait3A_1138 = arith.constant 1 : i32
    %dma_wait3A_1139 = arith.constant 5 : i32
    %dma_wait3A_1140 = arith.constant 1 : i32
    %dma_wait3A_1141 = arith.constant 400 : i32
    %dma_wait3A_1142 = arith.constant 0 : i32
    %dma_wait3A_1143 = tpu.memref_slice %arg8[%dma_wait3A_1140, %dma_wait3A_1141, %dma_wait3A_1142] : memref<2x1600x32xf32, #tpu.memory_space<vmem>> -> memref<1x80x32xf32, #tpu.memory_space<vmem>>
    %dma_wait3A_1144 = tpu.memref_squeeze %dma_wait3A_1143 : memref<1x80x32xf32, #tpu.memory_space<vmem>> -> memref<80x32xf32, #tpu.memory_space<vmem>>
    %dma_wait3A_1145 = arith.constant 0 : i32
    %dma_wait3A_1146 = tpu.memref_slice %arg7[%dma_wait3A_1138, %dma_wait3A_1139, %dma_wait3A_1145] : memref<3x20x80xi32, #tpu.memory_space<vmem>> -> memref<1x1x80xi32, #tpu.memory_space<vmem>>
    %dma_wait3A_1147 = tpu.memref_squeeze %dma_wait3A_1146 : memref<1x1x80xi32, #tpu.memory_space<vmem>> -> memref<80xi32, #tpu.memory_space<vmem>>
    %dma_wait3A_1148 = arith.constant 0 : i32
    %dma_wait3A_1149 = arith.constant 0 : i32
    %dma_wait3A_1150 = tpu.memref_slice %arg4[%dma_wait3A_1148, %dma_wait3A_1149] : memref<100001x32xf32, #tpu.memory_space<hbm>> -> memref<100001x32xf32, #tpu.memory_space<hbm>>
    tpu.wait_indirect_dma semaphore(%arg9 : memref<!tpu.dma_semaphore, #tpu.memory_space<semaphore_mem>>) src(%dma_wait3A_1150 : memref<100001x32xf32, #tpu.memory_space<hbm>>) dst(%dma_wait3A_1144 : memref<80x32xf32, #tpu.memory_space<vmem>>)
    %dma_wait3A_1151 = arith.constant 1 : i32
    %dma_wait3A_1152 = arith.constant 6 : i32
    %dma_wait3A_1153 = arith.constant 1 : i32
    %dma_wait3A_1154 = arith.constant 480 : i32
    %dma_wait3A_1155 = arith.constant 0 : i32
    %dma_wait3A_1156 = tpu.memref_slice %arg8[%dma_wait3A_1153, %dma_wait3A_1154, %dma_wait3A_1155] : memref<2x1600x32xf32, #tpu.memory_space<vmem>> -> memref<1x80x32xf32, #tpu.memory_space<vmem>>
    %dma_wait3A_1157 = tpu.memref_squeeze %dma_wait3A_1156 : memref<1x80x32xf32, #tpu.memory_space<vmem>> -> memref<80x32xf32, #tpu.memory_space<vmem>>
    %dma_wait3A_1158 = arith.constant 0 : i32
    %dma_wait3A_1159 = tpu.memref_slice %arg7[%dma_wait3A_1151, %dma_wait3A_1152, %dma_wait3A_1158] : memref<3x20x80xi32, #tpu.memory_space<vmem>> -> memref<1x1x80xi32, #tpu.memory_space<vmem>>
    %dma_wait3A_1160 = tpu.memref_squeeze %dma_wait3A_1159 : memref<1x1x80xi32, #tpu.memory_space<vmem>> -> memref<80xi32, #tpu.memory_space<vmem>>
    %dma_wait3A_1161 = arith.constant 0 : i32
    %dma_wait3A_1162 = arith.constant 0 : i32
    %dma_wait3A_1163 = tpu.memref_slice %arg4[%dma_wait3A_1161, %dma_wait3A_1162] : memref<100001x32xf32, #tpu.memory_space<hbm>> -> memref<100001x32xf32, #tpu.memory_space<hbm>>
    tpu.wait_indirect_dma semaphore(%arg9 : memref<!tpu.dma_semaphore, #tpu.memory_space<semaphore_mem>>) src(%dma_wait3A_1163 : memref<100001x32xf32, #tpu.memory_space<hbm>>) dst(%dma_wait3A_1157 : memref<80x32xf32, #tpu.memory_space<vmem>>)
    %dma_wait3A_1164 = arith.constant 1 : i32
    %dma_wait3A_1165 = arith.constant 7 : i32
    %dma_wait3A_1166 = arith.constant 1 : i32
    %dma_wait3A_1167 = arith.constant 560 : i32
    %dma_wait3A_1168 = arith.constant 0 : i32
    %dma_wait3A_1169 = tpu.memref_slice %arg8[%dma_wait3A_1166, %dma_wait3A_1167, %dma_wait3A_1168] : memref<2x1600x32xf32, #tpu.memory_space<vmem>> -> memref<1x80x32xf32, #tpu.memory_space<vmem>>
    %dma_wait3A_1170 = tpu.memref_squeeze %dma_wait3A_1169 : memref<1x80x32xf32, #tpu.memory_space<vmem>> -> memref<80x32xf32, #tpu.memory_space<vmem>>
    %dma_wait3A_1171 = arith.constant 0 : i32
    %dma_wait3A_1172 = tpu.memref_slice %arg7[%dma_wait3A_1164, %dma_wait3A_1165, %dma_wait3A_1171] : memref<3x20x80xi32, #tpu.memory_space<vmem>> -> memref<1x1x80xi32, #tpu.memory_space<vmem>>
    %dma_wait3A_1173 = tpu.memref_squeeze %dma_wait3A_1172 : memref<1x1x80xi32, #tpu.memory_space<vmem>> -> memref<80xi32, #tpu.memory_space<vmem>>
    %dma_wait3A_1174 = arith.constant 0 : i32
    %dma_wait3A_1175 = arith.constant 0 : i32
    %dma_wait3A_1176 = tpu.memref_slice %arg4[%dma_wait3A_1174, %dma_wait3A_1175] : memref<100001x32xf32, #tpu.memory_space<hbm>> -> memref<100001x32xf32, #tpu.memory_space<hbm>>
    tpu.wait_indirect_dma semaphore(%arg9 : memref<!tpu.dma_semaphore, #tpu.memory_space<semaphore_mem>>) src(%dma_wait3A_1176 : memref<100001x32xf32, #tpu.memory_space<hbm>>) dst(%dma_wait3A_1170 : memref<80x32xf32, #tpu.memory_space<vmem>>)
    %dma_wait3A_1177 = arith.constant 1 : i32
    %dma_wait3A_1178 = arith.constant 8 : i32
    %dma_wait3A_1179 = arith.constant 1 : i32
    %dma_wait3A_1180 = arith.constant 640 : i32
    %dma_wait3A_1181 = arith.constant 0 : i32
    %dma_wait3A_1182 = tpu.memref_slice %arg8[%dma_wait3A_1179, %dma_wait3A_1180, %dma_wait3A_1181] : memref<2x1600x32xf32, #tpu.memory_space<vmem>> -> memref<1x80x32xf32, #tpu.memory_space<vmem>>
    %dma_wait3A_1183 = tpu.memref_squeeze %dma_wait3A_1182 : memref<1x80x32xf32, #tpu.memory_space<vmem>> -> memref<80x32xf32, #tpu.memory_space<vmem>>
    %dma_wait3A_1184 = arith.constant 0 : i32
    %dma_wait3A_1185 = tpu.memref_slice %arg7[%dma_wait3A_1177, %dma_wait3A_1178, %dma_wait3A_1184] : memref<3x20x80xi32, #tpu.memory_space<vmem>> -> memref<1x1x80xi32, #tpu.memory_space<vmem>>
    %dma_wait3A_1186 = tpu.memref_squeeze %dma_wait3A_1185 : memref<1x1x80xi32, #tpu.memory_space<vmem>> -> memref<80xi32, #tpu.memory_space<vmem>>
    %dma_wait3A_1187 = arith.constant 0 : i32
    %dma_wait3A_1188 = arith.constant 0 : i32
    %dma_wait3A_1189 = tpu.memref_slice %arg4[%dma_wait3A_1187, %dma_wait3A_1188] : memref<100001x32xf32, #tpu.memory_space<hbm>> -> memref<100001x32xf32, #tpu.memory_space<hbm>>
    tpu.wait_indirect_dma semaphore(%arg9 : memref<!tpu.dma_semaphore, #tpu.memory_space<semaphore_mem>>) src(%dma_wait3A_1189 : memref<100001x32xf32, #tpu.memory_space<hbm>>) dst(%dma_wait3A_1183 : memref<80x32xf32, #tpu.memory_space<vmem>>)
    %dma_wait3A_1190 = arith.constant 1 : i32
    %dma_wait3A_1191 = arith.constant 9 : i32
    %dma_wait3A_1192 = arith.constant 1 : i32
    %dma_wait3A_1193 = arith.constant 720 : i32
    %dma_wait3A_1194 = arith.constant 0 : i32
    %dma_wait3A_1195 = tpu.memref_slice %arg8[%dma_wait3A_1192, %dma_wait3A_1193, %dma_wait3A_1194] : memref<2x1600x32xf32, #tpu.memory_space<vmem>> -> memref<1x80x32xf32, #tpu.memory_space<vmem>>
    %dma_wait3A_1196 = tpu.memref_squeeze %dma_wait3A_1195 : memref<1x80x32xf32, #tpu.memory_space<vmem>> -> memref<80x32xf32, #tpu.memory_space<vmem>>
    %dma_wait3A_1197 = arith.constant 0 : i32
    %dma_wait3A_1198 = tpu.memref_slice %arg7[%dma_wait3A_1190, %dma_wait3A_1191, %dma_wait3A_1197] : memref<3x20x80xi32, #tpu.memory_space<vmem>> -> memref<1x1x80xi32, #tpu.memory_space<vmem>>
    %dma_wait3A_1199 = tpu.memref_squeeze %dma_wait3A_1198 : memref<1x1x80xi32, #tpu.memory_space<vmem>> -> memref<80xi32, #tpu.memory_space<vmem>>
    %dma_wait3A_1200 = arith.constant 0 : i32
    %dma_wait3A_1201 = arith.constant 0 : i32
    %dma_wait3A_1202 = tpu.memref_slice %arg4[%dma_wait3A_1200, %dma_wait3A_1201] : memref<100001x32xf32, #tpu.memory_space<hbm>> -> memref<100001x32xf32, #tpu.memory_space<hbm>>
    tpu.wait_indirect_dma semaphore(%arg9 : memref<!tpu.dma_semaphore, #tpu.memory_space<semaphore_mem>>) src(%dma_wait3A_1202 : memref<100001x32xf32, #tpu.memory_space<hbm>>) dst(%dma_wait3A_1196 : memref<80x32xf32, #tpu.memory_space<vmem>>)
    %dma_wait3A_1203 = arith.constant 1 : i32
    %dma_wait3A_1204 = arith.constant 10 : i32
    %dma_wait3A_1205 = arith.constant 1 : i32
    %dma_wait3A_1206 = arith.constant 800 : i32
    %dma_wait3A_1207 = arith.constant 0 : i32
    %dma_wait3A_1208 = tpu.memref_slice %arg8[%dma_wait3A_1205, %dma_wait3A_1206, %dma_wait3A_1207] : memref<2x1600x32xf32, #tpu.memory_space<vmem>> -> memref<1x80x32xf32, #tpu.memory_space<vmem>>
    %dma_wait3A_1209 = tpu.memref_squeeze %dma_wait3A_1208 : memref<1x80x32xf32, #tpu.memory_space<vmem>> -> memref<80x32xf32, #tpu.memory_space<vmem>>
    %dma_wait3A_1210 = arith.constant 0 : i32
    %dma_wait3A_1211 = tpu.memref_slice %arg7[%dma_wait3A_1203, %dma_wait3A_1204, %dma_wait3A_1210] : memref<3x20x80xi32, #tpu.memory_space<vmem>> -> memref<1x1x80xi32, #tpu.memory_space<vmem>>
    %dma_wait3A_1212 = tpu.memref_squeeze %dma_wait3A_1211 : memref<1x1x80xi32, #tpu.memory_space<vmem>> -> memref<80xi32, #tpu.memory_space<vmem>>
    %dma_wait3A_1213 = arith.constant 0 : i32
    %dma_wait3A_1214 = arith.constant 0 : i32
    %dma_wait3A_1215 = tpu.memref_slice %arg4[%dma_wait3A_1213, %dma_wait3A_1214] : memref<100001x32xf32, #tpu.memory_space<hbm>> -> memref<100001x32xf32, #tpu.memory_space<hbm>>
    tpu.wait_indirect_dma semaphore(%arg9 : memref<!tpu.dma_semaphore, #tpu.memory_space<semaphore_mem>>) src(%dma_wait3A_1215 : memref<100001x32xf32, #tpu.memory_space<hbm>>) dst(%dma_wait3A_1209 : memref<80x32xf32, #tpu.memory_space<vmem>>)
    %dma_wait3A_1216 = arith.constant 1 : i32
    %dma_wait3A_1217 = arith.constant 11 : i32
    %dma_wait3A_1218 = arith.constant 1 : i32
    %dma_wait3A_1219 = arith.constant 880 : i32
    %dma_wait3A_1220 = arith.constant 0 : i32
    %dma_wait3A_1221 = tpu.memref_slice %arg8[%dma_wait3A_1218, %dma_wait3A_1219, %dma_wait3A_1220] : memref<2x1600x32xf32, #tpu.memory_space<vmem>> -> memref<1x80x32xf32, #tpu.memory_space<vmem>>
    %dma_wait3A_1222 = tpu.memref_squeeze %dma_wait3A_1221 : memref<1x80x32xf32, #tpu.memory_space<vmem>> -> memref<80x32xf32, #tpu.memory_space<vmem>>
    %dma_wait3A_1223 = arith.constant 0 : i32
    %dma_wait3A_1224 = tpu.memref_slice %arg7[%dma_wait3A_1216, %dma_wait3A_1217, %dma_wait3A_1223] : memref<3x20x80xi32, #tpu.memory_space<vmem>> -> memref<1x1x80xi32, #tpu.memory_space<vmem>>
    %dma_wait3A_1225 = tpu.memref_squeeze %dma_wait3A_1224 : memref<1x1x80xi32, #tpu.memory_space<vmem>> -> memref<80xi32, #tpu.memory_space<vmem>>
    %dma_wait3A_1226 = arith.constant 0 : i32
    %dma_wait3A_1227 = arith.constant 0 : i32
    %dma_wait3A_1228 = tpu.memref_slice %arg4[%dma_wait3A_1226, %dma_wait3A_1227] : memref<100001x32xf32, #tpu.memory_space<hbm>> -> memref<100001x32xf32, #tpu.memory_space<hbm>>
    tpu.wait_indirect_dma semaphore(%arg9 : memref<!tpu.dma_semaphore, #tpu.memory_space<semaphore_mem>>) src(%dma_wait3A_1228 : memref<100001x32xf32, #tpu.memory_space<hbm>>) dst(%dma_wait3A_1222 : memref<80x32xf32, #tpu.memory_space<vmem>>)
    %dma_wait3A_1229 = arith.constant 1 : i32
    %dma_wait3A_1230 = arith.constant 12 : i32
    %dma_wait3A_1231 = arith.constant 1 : i32
    %dma_wait3A_1232 = arith.constant 960 : i32
    %dma_wait3A_1233 = arith.constant 0 : i32
    %dma_wait3A_1234 = tpu.memref_slice %arg8[%dma_wait3A_1231, %dma_wait3A_1232, %dma_wait3A_1233] : memref<2x1600x32xf32, #tpu.memory_space<vmem>> -> memref<1x80x32xf32, #tpu.memory_space<vmem>>
    %dma_wait3A_1235 = tpu.memref_squeeze %dma_wait3A_1234 : memref<1x80x32xf32, #tpu.memory_space<vmem>> -> memref<80x32xf32, #tpu.memory_space<vmem>>
    %dma_wait3A_1236 = arith.constant 0 : i32
    %dma_wait3A_1237 = tpu.memref_slice %arg7[%dma_wait3A_1229, %dma_wait3A_1230, %dma_wait3A_1236] : memref<3x20x80xi32, #tpu.memory_space<vmem>> -> memref<1x1x80xi32, #tpu.memory_space<vmem>>
    %dma_wait3A_1238 = tpu.memref_squeeze %dma_wait3A_1237 : memref<1x1x80xi32, #tpu.memory_space<vmem>> -> memref<80xi32, #tpu.memory_space<vmem>>
    %dma_wait3A_1239 = arith.constant 0 : i32
    %dma_wait3A_1240 = arith.constant 0 : i32
    %dma_wait3A_1241 = tpu.memref_slice %arg4[%dma_wait3A_1239, %dma_wait3A_1240] : memref<100001x32xf32, #tpu.memory_space<hbm>> -> memref<100001x32xf32, #tpu.memory_space<hbm>>
    tpu.wait_indirect_dma semaphore(%arg9 : memref<!tpu.dma_semaphore, #tpu.memory_space<semaphore_mem>>) src(%dma_wait3A_1241 : memref<100001x32xf32, #tpu.memory_space<hbm>>) dst(%dma_wait3A_1235 : memref<80x32xf32, #tpu.memory_space<vmem>>)
    %dma_wait3A_1242 = arith.constant 1 : i32
    %dma_wait3A_1243 = arith.constant 13 : i32
    %dma_wait3A_1244 = arith.constant 1 : i32
    %dma_wait3A_1245 = arith.constant 1040 : i32
    %dma_wait3A_1246 = arith.constant 0 : i32
    %dma_wait3A_1247 = tpu.memref_slice %arg8[%dma_wait3A_1244, %dma_wait3A_1245, %dma_wait3A_1246] : memref<2x1600x32xf32, #tpu.memory_space<vmem>> -> memref<1x80x32xf32, #tpu.memory_space<vmem>>
    %dma_wait3A_1248 = tpu.memref_squeeze %dma_wait3A_1247 : memref<1x80x32xf32, #tpu.memory_space<vmem>> -> memref<80x32xf32, #tpu.memory_space<vmem>>
    %dma_wait3A_1249 = arith.constant 0 : i32
    %dma_wait3A_1250 = tpu.memref_slice %arg7[%dma_wait3A_1242, %dma_wait3A_1243, %dma_wait3A_1249] : memref<3x20x80xi32, #tpu.memory_space<vmem>> -> memref<1x1x80xi32, #tpu.memory_space<vmem>>
    %dma_wait3A_1251 = tpu.memref_squeeze %dma_wait3A_1250 : memref<1x1x80xi32, #tpu.memory_space<vmem>> -> memref<80xi32, #tpu.memory_space<vmem>>
    %dma_wait3A_1252 = arith.constant 0 : i32
    %dma_wait3A_1253 = arith.constant 0 : i32
    %dma_wait3A_1254 = tpu.memref_slice %arg4[%dma_wait3A_1252, %dma_wait3A_1253] : memref<100001x32xf32, #tpu.memory_space<hbm>> -> memref<100001x32xf32, #tpu.memory_space<hbm>>
    tpu.wait_indirect_dma semaphore(%arg9 : memref<!tpu.dma_semaphore, #tpu.memory_space<semaphore_mem>>) src(%dma_wait3A_1254 : memref<100001x32xf32, #tpu.memory_space<hbm>>) dst(%dma_wait3A_1248 : memref<80x32xf32, #tpu.memory_space<vmem>>)
    %dma_wait3A_1255 = arith.constant 1 : i32
    %dma_wait3A_1256 = arith.constant 14 : i32
    %dma_wait3A_1257 = arith.constant 1 : i32
    %dma_wait3A_1258 = arith.constant 1120 : i32
    %dma_wait3A_1259 = arith.constant 0 : i32
    %dma_wait3A_1260 = tpu.memref_slice %arg8[%dma_wait3A_1257, %dma_wait3A_1258, %dma_wait3A_1259] : memref<2x1600x32xf32, #tpu.memory_space<vmem>> -> memref<1x80x32xf32, #tpu.memory_space<vmem>>
    %dma_wait3A_1261 = tpu.memref_squeeze %dma_wait3A_1260 : memref<1x80x32xf32, #tpu.memory_space<vmem>> -> memref<80x32xf32, #tpu.memory_space<vmem>>
    %dma_wait3A_1262 = arith.constant 0 : i32
    %dma_wait3A_1263 = tpu.memref_slice %arg7[%dma_wait3A_1255, %dma_wait3A_1256, %dma_wait3A_1262] : memref<3x20x80xi32, #tpu.memory_space<vmem>> -> memref<1x1x80xi32, #tpu.memory_space<vmem>>
    %dma_wait3A_1264 = tpu.memref_squeeze %dma_wait3A_1263 : memref<1x1x80xi32, #tpu.memory_space<vmem>> -> memref<80xi32, #tpu.memory_space<vmem>>
    %dma_wait3A_1265 = arith.constant 0 : i32
    %dma_wait3A_1266 = arith.constant 0 : i32
    %dma_wait3A_1267 = tpu.memref_slice %arg4[%dma_wait3A_1265, %dma_wait3A_1266] : memref<100001x32xf32, #tpu.memory_space<hbm>> -> memref<100001x32xf32, #tpu.memory_space<hbm>>
    tpu.wait_indirect_dma semaphore(%arg9 : memref<!tpu.dma_semaphore, #tpu.memory_space<semaphore_mem>>) src(%dma_wait3A_1267 : memref<100001x32xf32, #tpu.memory_space<hbm>>) dst(%dma_wait3A_1261 : memref<80x32xf32, #tpu.memory_space<vmem>>)
    %dma_wait3A_1268 = arith.constant 1 : i32
    %dma_wait3A_1269 = arith.constant 15 : i32
    %dma_wait3A_1270 = arith.constant 1 : i32
    %dma_wait3A_1271 = arith.constant 1200 : i32
    %dma_wait3A_1272 = arith.constant 0 : i32
    %dma_wait3A_1273 = tpu.memref_slice %arg8[%dma_wait3A_1270, %dma_wait3A_1271, %dma_wait3A_1272] : memref<2x1600x32xf32, #tpu.memory_space<vmem>> -> memref<1x80x32xf32, #tpu.memory_space<vmem>>
    %dma_wait3A_1274 = tpu.memref_squeeze %dma_wait3A_1273 : memref<1x80x32xf32, #tpu.memory_space<vmem>> -> memref<80x32xf32, #tpu.memory_space<vmem>>
    %dma_wait3A_1275 = arith.constant 0 : i32
    %dma_wait3A_1276 = tpu.memref_slice %arg7[%dma_wait3A_1268, %dma_wait3A_1269, %dma_wait3A_1275] : memref<3x20x80xi32, #tpu.memory_space<vmem>> -> memref<1x1x80xi32, #tpu.memory_space<vmem>>
    %dma_wait3A_1277 = tpu.memref_squeeze %dma_wait3A_1276 : memref<1x1x80xi32, #tpu.memory_space<vmem>> -> memref<80xi32, #tpu.memory_space<vmem>>
    %dma_wait3A_1278 = arith.constant 0 : i32
    %dma_wait3A_1279 = arith.constant 0 : i32
    %dma_wait3A_1280 = tpu.memref_slice %arg4[%dma_wait3A_1278, %dma_wait3A_1279] : memref<100001x32xf32, #tpu.memory_space<hbm>> -> memref<100001x32xf32, #tpu.memory_space<hbm>>
    tpu.wait_indirect_dma semaphore(%arg9 : memref<!tpu.dma_semaphore, #tpu.memory_space<semaphore_mem>>) src(%dma_wait3A_1280 : memref<100001x32xf32, #tpu.memory_space<hbm>>) dst(%dma_wait3A_1274 : memref<80x32xf32, #tpu.memory_space<vmem>>)
    %dma_wait3A_1281 = arith.constant 1 : i32
    %dma_wait3A_1282 = arith.constant 16 : i32
    %dma_wait3A_1283 = arith.constant 1 : i32
    %dma_wait3A_1284 = arith.constant 1280 : i32
    %dma_wait3A_1285 = arith.constant 0 : i32
    %dma_wait3A_1286 = tpu.memref_slice %arg8[%dma_wait3A_1283, %dma_wait3A_1284, %dma_wait3A_1285] : memref<2x1600x32xf32, #tpu.memory_space<vmem>> -> memref<1x80x32xf32, #tpu.memory_space<vmem>>
    %dma_wait3A_1287 = tpu.memref_squeeze %dma_wait3A_1286 : memref<1x80x32xf32, #tpu.memory_space<vmem>> -> memref<80x32xf32, #tpu.memory_space<vmem>>
    %dma_wait3A_1288 = arith.constant 0 : i32
    %dma_wait3A_1289 = tpu.memref_slice %arg7[%dma_wait3A_1281, %dma_wait3A_1282, %dma_wait3A_1288] : memref<3x20x80xi32, #tpu.memory_space<vmem>> -> memref<1x1x80xi32, #tpu.memory_space<vmem>>
    %dma_wait3A_1290 = tpu.memref_squeeze %dma_wait3A_1289 : memref<1x1x80xi32, #tpu.memory_space<vmem>> -> memref<80xi32, #tpu.memory_space<vmem>>
    %dma_wait3A_1291 = arith.constant 0 : i32
    %dma_wait3A_1292 = arith.constant 0 : i32
    %dma_wait3A_1293 = tpu.memref_slice %arg4[%dma_wait3A_1291, %dma_wait3A_1292] : memref<100001x32xf32, #tpu.memory_space<hbm>> -> memref<100001x32xf32, #tpu.memory_space<hbm>>
    tpu.wait_indirect_dma semaphore(%arg9 : memref<!tpu.dma_semaphore, #tpu.memory_space<semaphore_mem>>) src(%dma_wait3A_1293 : memref<100001x32xf32, #tpu.memory_space<hbm>>) dst(%dma_wait3A_1287 : memref<80x32xf32, #tpu.memory_space<vmem>>)
    %dma_wait3A_1294 = arith.constant 1 : i32
    %dma_wait3A_1295 = arith.constant 17 : i32
    %dma_wait3A_1296 = arith.constant 1 : i32
    %dma_wait3A_1297 = arith.constant 1360 : i32
    %dma_wait3A_1298 = arith.constant 0 : i32
    %dma_wait3A_1299 = tpu.memref_slice %arg8[%dma_wait3A_1296, %dma_wait3A_1297, %dma_wait3A_1298] : memref<2x1600x32xf32, #tpu.memory_space<vmem>> -> memref<1x80x32xf32, #tpu.memory_space<vmem>>
    %dma_wait3A_1300 = tpu.memref_squeeze %dma_wait3A_1299 : memref<1x80x32xf32, #tpu.memory_space<vmem>> -> memref<80x32xf32, #tpu.memory_space<vmem>>
    %dma_wait3A_1301 = arith.constant 0 : i32
    %dma_wait3A_1302 = tpu.memref_slice %arg7[%dma_wait3A_1294, %dma_wait3A_1295, %dma_wait3A_1301] : memref<3x20x80xi32, #tpu.memory_space<vmem>> -> memref<1x1x80xi32, #tpu.memory_space<vmem>>
    %dma_wait3A_1303 = tpu.memref_squeeze %dma_wait3A_1302 : memref<1x1x80xi32, #tpu.memory_space<vmem>> -> memref<80xi32, #tpu.memory_space<vmem>>
    %dma_wait3A_1304 = arith.constant 0 : i32
    %dma_wait3A_1305 = arith.constant 0 : i32
    %dma_wait3A_1306 = tpu.memref_slice %arg4[%dma_wait3A_1304, %dma_wait3A_1305] : memref<100001x32xf32, #tpu.memory_space<hbm>> -> memref<100001x32xf32, #tpu.memory_space<hbm>>
    tpu.wait_indirect_dma semaphore(%arg9 : memref<!tpu.dma_semaphore, #tpu.memory_space<semaphore_mem>>) src(%dma_wait3A_1306 : memref<100001x32xf32, #tpu.memory_space<hbm>>) dst(%dma_wait3A_1300 : memref<80x32xf32, #tpu.memory_space<vmem>>)
    %dma_wait3A_1307 = arith.constant 1 : i32
    %dma_wait3A_1308 = arith.constant 18 : i32
    %dma_wait3A_1309 = arith.constant 1 : i32
    %dma_wait3A_1310 = arith.constant 1440 : i32
    %dma_wait3A_1311 = arith.constant 0 : i32
    %dma_wait3A_1312 = tpu.memref_slice %arg8[%dma_wait3A_1309, %dma_wait3A_1310, %dma_wait3A_1311] : memref<2x1600x32xf32, #tpu.memory_space<vmem>> -> memref<1x80x32xf32, #tpu.memory_space<vmem>>
    %dma_wait3A_1313 = tpu.memref_squeeze %dma_wait3A_1312 : memref<1x80x32xf32, #tpu.memory_space<vmem>> -> memref<80x32xf32, #tpu.memory_space<vmem>>
    %dma_wait3A_1314 = arith.constant 0 : i32
    %dma_wait3A_1315 = tpu.memref_slice %arg7[%dma_wait3A_1307, %dma_wait3A_1308, %dma_wait3A_1314] : memref<3x20x80xi32, #tpu.memory_space<vmem>> -> memref<1x1x80xi32, #tpu.memory_space<vmem>>
    %dma_wait3A_1316 = tpu.memref_squeeze %dma_wait3A_1315 : memref<1x1x80xi32, #tpu.memory_space<vmem>> -> memref<80xi32, #tpu.memory_space<vmem>>
    %dma_wait3A_1317 = arith.constant 0 : i32
    %dma_wait3A_1318 = arith.constant 0 : i32
    %dma_wait3A_1319 = tpu.memref_slice %arg4[%dma_wait3A_1317, %dma_wait3A_1318] : memref<100001x32xf32, #tpu.memory_space<hbm>> -> memref<100001x32xf32, #tpu.memory_space<hbm>>
    tpu.wait_indirect_dma semaphore(%arg9 : memref<!tpu.dma_semaphore, #tpu.memory_space<semaphore_mem>>) src(%dma_wait3A_1319 : memref<100001x32xf32, #tpu.memory_space<hbm>>) dst(%dma_wait3A_1313 : memref<80x32xf32, #tpu.memory_space<vmem>>)
    %dma_wait3A_1320 = arith.constant 1 : i32
    %dma_wait3A_1321 = arith.constant 19 : i32
    %dma_wait3A_1322 = arith.constant 1 : i32
    %dma_wait3A_1323 = arith.constant 1520 : i32
    %dma_wait3A_1324 = arith.constant 0 : i32
    %dma_wait3A_1325 = tpu.memref_slice %arg8[%dma_wait3A_1322, %dma_wait3A_1323, %dma_wait3A_1324] : memref<2x1600x32xf32, #tpu.memory_space<vmem>> -> memref<1x80x32xf32, #tpu.memory_space<vmem>>
    %dma_wait3A_1326 = tpu.memref_squeeze %dma_wait3A_1325 : memref<1x80x32xf32, #tpu.memory_space<vmem>> -> memref<80x32xf32, #tpu.memory_space<vmem>>
    %dma_wait3A_1327 = arith.constant 0 : i32
    %dma_wait3A_1328 = tpu.memref_slice %arg7[%dma_wait3A_1320, %dma_wait3A_1321, %dma_wait3A_1327] : memref<3x20x80xi32, #tpu.memory_space<vmem>> -> memref<1x1x80xi32, #tpu.memory_space<vmem>>
    %dma_wait3A_1329 = tpu.memref_squeeze %dma_wait3A_1328 : memref<1x1x80xi32, #tpu.memory_space<vmem>> -> memref<80xi32, #tpu.memory_space<vmem>>
    %dma_wait3A_1330 = arith.constant 0 : i32
    %dma_wait3A_1331 = arith.constant 0 : i32
    %dma_wait3A_1332 = tpu.memref_slice %arg4[%dma_wait3A_1330, %dma_wait3A_1331] : memref<100001x32xf32, #tpu.memory_space<hbm>> -> memref<100001x32xf32, #tpu.memory_space<hbm>>
    tpu.wait_indirect_dma semaphore(%arg9 : memref<!tpu.dma_semaphore, #tpu.memory_space<semaphore_mem>>) src(%dma_wait3A_1332 : memref<100001x32xf32, #tpu.memory_space<hbm>>) dst(%dma_wait3A_1326 : memref<80x32xf32, #tpu.memory_space<vmem>>)
    %dma_start3A_1333 = arith.constant 1 : i32
    %dma_start3A_1334 = arith.constant 1 : i32
    %dma_start3A_1335 = arith.constant 0 : i32
    %dma_start3A_1336 = arith.constant 0 : i32
    %dma_start3A_1337 = tpu.memref_slice %arg8[%dma_start3A_1333, %dma_start3A_1335, %dma_start3A_1336] : memref<2x1600x32xf32, #tpu.memory_space<vmem>> -> memref<1x1600x32xf32, #tpu.memory_space<vmem>>
    %dma_start3A_1338 = tpu.memref_squeeze %dma_start3A_1337 : memref<1x1600x32xf32, #tpu.memory_space<vmem>> -> memref<1600x32xf32, #tpu.memory_space<vmem>>
    %dma_start3A_1339 = arith.constant 0 : i32
    %dma_start3A_1340 = tpu.memref_slice %arg6[%dma_start3A_1334, %mul3A_2, %dma_start3A_1339] : memref<3x51200x32xf32, #tpu.memory_space<hbm>> -> memref<1x1600x32xf32, #tpu.memory_space<hbm>>
    %dma_start3A_1341 = tpu.memref_squeeze %dma_start3A_1340 : memref<1x1600x32xf32, #tpu.memory_space<hbm>> -> memref<1600x32xf32, #tpu.memory_space<hbm>>
    %dma_start3A_1342 = arith.constant 0 : i32
    %dma_start3A_1343 = tpu.memref_slice %arg6[%dma_start3A_1334, %mul3A_2, %dma_start3A_1342] : memref<3x51200x32xf32, #tpu.memory_space<hbm>> -> memref<1x1600x32xf32, #tpu.memory_space<hbm>>
    %dma_start3A_1344 = tpu.memref_squeeze %dma_start3A_1343 : memref<1x1600x32xf32, #tpu.memory_space<hbm>> -> memref<1600x32xf32, #tpu.memory_space<hbm>>
    %dma_start3A_1345 = arith.constant 0 : i32
    %dma_start3A_1346 = arith.constant 0 : i32
    %dma_start3A_1347 = tpu.memref_slice %arg8[%dma_start3A_1333, %dma_start3A_1345, %dma_start3A_1346] : memref<2x1600x32xf32, #tpu.memory_space<vmem>> -> memref<1x1600x32xf32, #tpu.memory_space<vmem>>
    %dma_start3A_1348 = tpu.memref_squeeze %dma_start3A_1347 : memref<1x1600x32xf32, #tpu.memory_space<vmem>> -> memref<1600x32xf32, #tpu.memory_space<vmem>>
    tpu.enqueue_dma source(%dma_start3A_1348 : memref<1600x32xf32, #tpu.memory_space<vmem>>) target(%dma_start3A_1344 : memref<1600x32xf32, #tpu.memory_space<hbm>>) target_semaphore(%arg10 : memref<!tpu.dma_semaphore, #tpu.memory_space<semaphore_mem>>)
    %dma_wait3A_1349 = arith.constant 2 : i32
    %dma_wait3A_1350 = arith.constant 0 : i32
    %dma_wait3A_1351 = arith.constant 0 : i32
    %dma_wait3A_1352 = arith.constant 0 : i32
    %dma_wait3A_1353 = arith.constant 0 : i32
    %dma_wait3A_1354 = tpu.memref_slice %arg8[%dma_wait3A_1351, %dma_wait3A_1352, %dma_wait3A_1353] : memref<2x1600x32xf32, #tpu.memory_space<vmem>> -> memref<1x80x32xf32, #tpu.memory_space<vmem>>
    %dma_wait3A_1355 = tpu.memref_squeeze %dma_wait3A_1354 : memref<1x80x32xf32, #tpu.memory_space<vmem>> -> memref<80x32xf32, #tpu.memory_space<vmem>>
    %dma_wait3A_1356 = arith.constant 0 : i32
    %dma_wait3A_1357 = tpu.memref_slice %arg7[%dma_wait3A_1349, %dma_wait3A_1350, %dma_wait3A_1356] : memref<3x20x80xi32, #tpu.memory_space<vmem>> -> memref<1x1x80xi32, #tpu.memory_space<vmem>>
    %dma_wait3A_1358 = tpu.memref_squeeze %dma_wait3A_1357 : memref<1x1x80xi32, #tpu.memory_space<vmem>> -> memref<80xi32, #tpu.memory_space<vmem>>
    %dma_wait3A_1359 = arith.constant 0 : i32
    %dma_wait3A_1360 = arith.constant 0 : i32
    %dma_wait3A_1361 = tpu.memref_slice %arg5[%dma_wait3A_1359, %dma_wait3A_1360] : memref<1001x32xf32, #tpu.memory_space<hbm>> -> memref<1001x32xf32, #tpu.memory_space<hbm>>
    tpu.wait_indirect_dma semaphore(%arg9 : memref<!tpu.dma_semaphore, #tpu.memory_space<semaphore_mem>>) src(%dma_wait3A_1361 : memref<1001x32xf32, #tpu.memory_space<hbm>>) dst(%dma_wait3A_1355 : memref<80x32xf32, #tpu.memory_space<vmem>>)
    %dma_wait3A_1362 = arith.constant 2 : i32
    %dma_wait3A_1363 = arith.constant 1 : i32
    %dma_wait3A_1364 = arith.constant 0 : i32
    %dma_wait3A_1365 = arith.constant 80 : i32
    %dma_wait3A_1366 = arith.constant 0 : i32
    %dma_wait3A_1367 = tpu.memref_slice %arg8[%dma_wait3A_1364, %dma_wait3A_1365, %dma_wait3A_1366] : memref<2x1600x32xf32, #tpu.memory_space<vmem>> -> memref<1x80x32xf32, #tpu.memory_space<vmem>>
    %dma_wait3A_1368 = tpu.memref_squeeze %dma_wait3A_1367 : memref<1x80x32xf32, #tpu.memory_space<vmem>> -> memref<80x32xf32, #tpu.memory_space<vmem>>
    %dma_wait3A_1369 = arith.constant 0 : i32
    %dma_wait3A_1370 = tpu.memref_slice %arg7[%dma_wait3A_1362, %dma_wait3A_1363, %dma_wait3A_1369] : memref<3x20x80xi32, #tpu.memory_space<vmem>> -> memref<1x1x80xi32, #tpu.memory_space<vmem>>
    %dma_wait3A_1371 = tpu.memref_squeeze %dma_wait3A_1370 : memref<1x1x80xi32, #tpu.memory_space<vmem>> -> memref<80xi32, #tpu.memory_space<vmem>>
    %dma_wait3A_1372 = arith.constant 0 : i32
    %dma_wait3A_1373 = arith.constant 0 : i32
    %dma_wait3A_1374 = tpu.memref_slice %arg5[%dma_wait3A_1372, %dma_wait3A_1373] : memref<1001x32xf32, #tpu.memory_space<hbm>> -> memref<1001x32xf32, #tpu.memory_space<hbm>>
    tpu.wait_indirect_dma semaphore(%arg9 : memref<!tpu.dma_semaphore, #tpu.memory_space<semaphore_mem>>) src(%dma_wait3A_1374 : memref<1001x32xf32, #tpu.memory_space<hbm>>) dst(%dma_wait3A_1368 : memref<80x32xf32, #tpu.memory_space<vmem>>)
    %dma_wait3A_1375 = arith.constant 2 : i32
    %dma_wait3A_1376 = arith.constant 2 : i32
    %dma_wait3A_1377 = arith.constant 0 : i32
    %dma_wait3A_1378 = arith.constant 160 : i32
    %dma_wait3A_1379 = arith.constant 0 : i32
    %dma_wait3A_1380 = tpu.memref_slice %arg8[%dma_wait3A_1377, %dma_wait3A_1378, %dma_wait3A_1379] : memref<2x1600x32xf32, #tpu.memory_space<vmem>> -> memref<1x80x32xf32, #tpu.memory_space<vmem>>
    %dma_wait3A_1381 = tpu.memref_squeeze %dma_wait3A_1380 : memref<1x80x32xf32, #tpu.memory_space<vmem>> -> memref<80x32xf32, #tpu.memory_space<vmem>>
    %dma_wait3A_1382 = arith.constant 0 : i32
    %dma_wait3A_1383 = tpu.memref_slice %arg7[%dma_wait3A_1375, %dma_wait3A_1376, %dma_wait3A_1382] : memref<3x20x80xi32, #tpu.memory_space<vmem>> -> memref<1x1x80xi32, #tpu.memory_space<vmem>>
    %dma_wait3A_1384 = tpu.memref_squeeze %dma_wait3A_1383 : memref<1x1x80xi32, #tpu.memory_space<vmem>> -> memref<80xi32, #tpu.memory_space<vmem>>
    %dma_wait3A_1385 = arith.constant 0 : i32
    %dma_wait3A_1386 = arith.constant 0 : i32
    %dma_wait3A_1387 = tpu.memref_slice %arg5[%dma_wait3A_1385, %dma_wait3A_1386] : memref<1001x32xf32, #tpu.memory_space<hbm>> -> memref<1001x32xf32, #tpu.memory_space<hbm>>
    tpu.wait_indirect_dma semaphore(%arg9 : memref<!tpu.dma_semaphore, #tpu.memory_space<semaphore_mem>>) src(%dma_wait3A_1387 : memref<1001x32xf32, #tpu.memory_space<hbm>>) dst(%dma_wait3A_1381 : memref<80x32xf32, #tpu.memory_space<vmem>>)
    %dma_wait3A_1388 = arith.constant 2 : i32
    %dma_wait3A_1389 = arith.constant 3 : i32
    %dma_wait3A_1390 = arith.constant 0 : i32
    %dma_wait3A_1391 = arith.constant 240 : i32
    %dma_wait3A_1392 = arith.constant 0 : i32
    %dma_wait3A_1393 = tpu.memref_slice %arg8[%dma_wait3A_1390, %dma_wait3A_1391, %dma_wait3A_1392] : memref<2x1600x32xf32, #tpu.memory_space<vmem>> -> memref<1x80x32xf32, #tpu.memory_space<vmem>>
    %dma_wait3A_1394 = tpu.memref_squeeze %dma_wait3A_1393 : memref<1x80x32xf32, #tpu.memory_space<vmem>> -> memref<80x32xf32, #tpu.memory_space<vmem>>
    %dma_wait3A_1395 = arith.constant 0 : i32
    %dma_wait3A_1396 = tpu.memref_slice %arg7[%dma_wait3A_1388, %dma_wait3A_1389, %dma_wait3A_1395] : memref<3x20x80xi32, #tpu.memory_space<vmem>> -> memref<1x1x80xi32, #tpu.memory_space<vmem>>
    %dma_wait3A_1397 = tpu.memref_squeeze %dma_wait3A_1396 : memref<1x1x80xi32, #tpu.memory_space<vmem>> -> memref<80xi32, #tpu.memory_space<vmem>>
    %dma_wait3A_1398 = arith.constant 0 : i32
    %dma_wait3A_1399 = arith.constant 0 : i32
    %dma_wait3A_1400 = tpu.memref_slice %arg5[%dma_wait3A_1398, %dma_wait3A_1399] : memref<1001x32xf32, #tpu.memory_space<hbm>> -> memref<1001x32xf32, #tpu.memory_space<hbm>>
    tpu.wait_indirect_dma semaphore(%arg9 : memref<!tpu.dma_semaphore, #tpu.memory_space<semaphore_mem>>) src(%dma_wait3A_1400 : memref<1001x32xf32, #tpu.memory_space<hbm>>) dst(%dma_wait3A_1394 : memref<80x32xf32, #tpu.memory_space<vmem>>)
    %dma_wait3A_1401 = arith.constant 2 : i32
    %dma_wait3A_1402 = arith.constant 4 : i32
    %dma_wait3A_1403 = arith.constant 0 : i32
    %dma_wait3A_1404 = arith.constant 320 : i32
    %dma_wait3A_1405 = arith.constant 0 : i32
    %dma_wait3A_1406 = tpu.memref_slice %arg8[%dma_wait3A_1403, %dma_wait3A_1404, %dma_wait3A_1405] : memref<2x1600x32xf32, #tpu.memory_space<vmem>> -> memref<1x80x32xf32, #tpu.memory_space<vmem>>
    %dma_wait3A_1407 = tpu.memref_squeeze %dma_wait3A_1406 : memref<1x80x32xf32, #tpu.memory_space<vmem>> -> memref<80x32xf32, #tpu.memory_space<vmem>>
    %dma_wait3A_1408 = arith.constant 0 : i32
    %dma_wait3A_1409 = tpu.memref_slice %arg7[%dma_wait3A_1401, %dma_wait3A_1402, %dma_wait3A_1408] : memref<3x20x80xi32, #tpu.memory_space<vmem>> -> memref<1x1x80xi32, #tpu.memory_space<vmem>>
    %dma_wait3A_1410 = tpu.memref_squeeze %dma_wait3A_1409 : memref<1x1x80xi32, #tpu.memory_space<vmem>> -> memref<80xi32, #tpu.memory_space<vmem>>
    %dma_wait3A_1411 = arith.constant 0 : i32
    %dma_wait3A_1412 = arith.constant 0 : i32
    %dma_wait3A_1413 = tpu.memref_slice %arg5[%dma_wait3A_1411, %dma_wait3A_1412] : memref<1001x32xf32, #tpu.memory_space<hbm>> -> memref<1001x32xf32, #tpu.memory_space<hbm>>
    tpu.wait_indirect_dma semaphore(%arg9 : memref<!tpu.dma_semaphore, #tpu.memory_space<semaphore_mem>>) src(%dma_wait3A_1413 : memref<1001x32xf32, #tpu.memory_space<hbm>>) dst(%dma_wait3A_1407 : memref<80x32xf32, #tpu.memory_space<vmem>>)
    %dma_wait3A_1414 = arith.constant 2 : i32
    %dma_wait3A_1415 = arith.constant 5 : i32
    %dma_wait3A_1416 = arith.constant 0 : i32
    %dma_wait3A_1417 = arith.constant 400 : i32
    %dma_wait3A_1418 = arith.constant 0 : i32
    %dma_wait3A_1419 = tpu.memref_slice %arg8[%dma_wait3A_1416, %dma_wait3A_1417, %dma_wait3A_1418] : memref<2x1600x32xf32, #tpu.memory_space<vmem>> -> memref<1x80x32xf32, #tpu.memory_space<vmem>>
    %dma_wait3A_1420 = tpu.memref_squeeze %dma_wait3A_1419 : memref<1x80x32xf32, #tpu.memory_space<vmem>> -> memref<80x32xf32, #tpu.memory_space<vmem>>
    %dma_wait3A_1421 = arith.constant 0 : i32
    %dma_wait3A_1422 = tpu.memref_slice %arg7[%dma_wait3A_1414, %dma_wait3A_1415, %dma_wait3A_1421] : memref<3x20x80xi32, #tpu.memory_space<vmem>> -> memref<1x1x80xi32, #tpu.memory_space<vmem>>
    %dma_wait3A_1423 = tpu.memref_squeeze %dma_wait3A_1422 : memref<1x1x80xi32, #tpu.memory_space<vmem>> -> memref<80xi32, #tpu.memory_space<vmem>>
    %dma_wait3A_1424 = arith.constant 0 : i32
    %dma_wait3A_1425 = arith.constant 0 : i32
    %dma_wait3A_1426 = tpu.memref_slice %arg5[%dma_wait3A_1424, %dma_wait3A_1425] : memref<1001x32xf32, #tpu.memory_space<hbm>> -> memref<1001x32xf32, #tpu.memory_space<hbm>>
    tpu.wait_indirect_dma semaphore(%arg9 : memref<!tpu.dma_semaphore, #tpu.memory_space<semaphore_mem>>) src(%dma_wait3A_1426 : memref<1001x32xf32, #tpu.memory_space<hbm>>) dst(%dma_wait3A_1420 : memref<80x32xf32, #tpu.memory_space<vmem>>)
    %dma_wait3A_1427 = arith.constant 2 : i32
    %dma_wait3A_1428 = arith.constant 6 : i32
    %dma_wait3A_1429 = arith.constant 0 : i32
    %dma_wait3A_1430 = arith.constant 480 : i32
    %dma_wait3A_1431 = arith.constant 0 : i32
    %dma_wait3A_1432 = tpu.memref_slice %arg8[%dma_wait3A_1429, %dma_wait3A_1430, %dma_wait3A_1431] : memref<2x1600x32xf32, #tpu.memory_space<vmem>> -> memref<1x80x32xf32, #tpu.memory_space<vmem>>
    %dma_wait3A_1433 = tpu.memref_squeeze %dma_wait3A_1432 : memref<1x80x32xf32, #tpu.memory_space<vmem>> -> memref<80x32xf32, #tpu.memory_space<vmem>>
    %dma_wait3A_1434 = arith.constant 0 : i32
    %dma_wait3A_1435 = tpu.memref_slice %arg7[%dma_wait3A_1427, %dma_wait3A_1428, %dma_wait3A_1434] : memref<3x20x80xi32, #tpu.memory_space<vmem>> -> memref<1x1x80xi32, #tpu.memory_space<vmem>>
    %dma_wait3A_1436 = tpu.memref_squeeze %dma_wait3A_1435 : memref<1x1x80xi32, #tpu.memory_space<vmem>> -> memref<80xi32, #tpu.memory_space<vmem>>
    %dma_wait3A_1437 = arith.constant 0 : i32
    %dma_wait3A_1438 = arith.constant 0 : i32
    %dma_wait3A_1439 = tpu.memref_slice %arg5[%dma_wait3A_1437, %dma_wait3A_1438] : memref<1001x32xf32, #tpu.memory_space<hbm>> -> memref<1001x32xf32, #tpu.memory_space<hbm>>
    tpu.wait_indirect_dma semaphore(%arg9 : memref<!tpu.dma_semaphore, #tpu.memory_space<semaphore_mem>>) src(%dma_wait3A_1439 : memref<1001x32xf32, #tpu.memory_space<hbm>>) dst(%dma_wait3A_1433 : memref<80x32xf32, #tpu.memory_space<vmem>>)
    %dma_wait3A_1440 = arith.constant 2 : i32
    %dma_wait3A_1441 = arith.constant 7 : i32
    %dma_wait3A_1442 = arith.constant 0 : i32
    %dma_wait3A_1443 = arith.constant 560 : i32
    %dma_wait3A_1444 = arith.constant 0 : i32
    %dma_wait3A_1445 = tpu.memref_slice %arg8[%dma_wait3A_1442, %dma_wait3A_1443, %dma_wait3A_1444] : memref<2x1600x32xf32, #tpu.memory_space<vmem>> -> memref<1x80x32xf32, #tpu.memory_space<vmem>>
    %dma_wait3A_1446 = tpu.memref_squeeze %dma_wait3A_1445 : memref<1x80x32xf32, #tpu.memory_space<vmem>> -> memref<80x32xf32, #tpu.memory_space<vmem>>
    %dma_wait3A_1447 = arith.constant 0 : i32
    %dma_wait3A_1448 = tpu.memref_slice %arg7[%dma_wait3A_1440, %dma_wait3A_1441, %dma_wait3A_1447] : memref<3x20x80xi32, #tpu.memory_space<vmem>> -> memref<1x1x80xi32, #tpu.memory_space<vmem>>
    %dma_wait3A_1449 = tpu.memref_squeeze %dma_wait3A_1448 : memref<1x1x80xi32, #tpu.memory_space<vmem>> -> memref<80xi32, #tpu.memory_space<vmem>>
    %dma_wait3A_1450 = arith.constant 0 : i32
    %dma_wait3A_1451 = arith.constant 0 : i32
    %dma_wait3A_1452 = tpu.memref_slice %arg5[%dma_wait3A_1450, %dma_wait3A_1451] : memref<1001x32xf32, #tpu.memory_space<hbm>> -> memref<1001x32xf32, #tpu.memory_space<hbm>>
    tpu.wait_indirect_dma semaphore(%arg9 : memref<!tpu.dma_semaphore, #tpu.memory_space<semaphore_mem>>) src(%dma_wait3A_1452 : memref<1001x32xf32, #tpu.memory_space<hbm>>) dst(%dma_wait3A_1446 : memref<80x32xf32, #tpu.memory_space<vmem>>)
    %dma_wait3A_1453 = arith.constant 2 : i32
    %dma_wait3A_1454 = arith.constant 8 : i32
    %dma_wait3A_1455 = arith.constant 0 : i32
    %dma_wait3A_1456 = arith.constant 640 : i32
    %dma_wait3A_1457 = arith.constant 0 : i32
    %dma_wait3A_1458 = tpu.memref_slice %arg8[%dma_wait3A_1455, %dma_wait3A_1456, %dma_wait3A_1457] : memref<2x1600x32xf32, #tpu.memory_space<vmem>> -> memref<1x80x32xf32, #tpu.memory_space<vmem>>
    %dma_wait3A_1459 = tpu.memref_squeeze %dma_wait3A_1458 : memref<1x80x32xf32, #tpu.memory_space<vmem>> -> memref<80x32xf32, #tpu.memory_space<vmem>>
    %dma_wait3A_1460 = arith.constant 0 : i32
    %dma_wait3A_1461 = tpu.memref_slice %arg7[%dma_wait3A_1453, %dma_wait3A_1454, %dma_wait3A_1460] : memref<3x20x80xi32, #tpu.memory_space<vmem>> -> memref<1x1x80xi32, #tpu.memory_space<vmem>>
    %dma_wait3A_1462 = tpu.memref_squeeze %dma_wait3A_1461 : memref<1x1x80xi32, #tpu.memory_space<vmem>> -> memref<80xi32, #tpu.memory_space<vmem>>
    %dma_wait3A_1463 = arith.constant 0 : i32
    %dma_wait3A_1464 = arith.constant 0 : i32
    %dma_wait3A_1465 = tpu.memref_slice %arg5[%dma_wait3A_1463, %dma_wait3A_1464] : memref<1001x32xf32, #tpu.memory_space<hbm>> -> memref<1001x32xf32, #tpu.memory_space<hbm>>
    tpu.wait_indirect_dma semaphore(%arg9 : memref<!tpu.dma_semaphore, #tpu.memory_space<semaphore_mem>>) src(%dma_wait3A_1465 : memref<1001x32xf32, #tpu.memory_space<hbm>>) dst(%dma_wait3A_1459 : memref<80x32xf32, #tpu.memory_space<vmem>>)
    %dma_wait3A_1466 = arith.constant 2 : i32
    %dma_wait3A_1467 = arith.constant 9 : i32
    %dma_wait3A_1468 = arith.constant 0 : i32
    %dma_wait3A_1469 = arith.constant 720 : i32
    %dma_wait3A_1470 = arith.constant 0 : i32
    %dma_wait3A_1471 = tpu.memref_slice %arg8[%dma_wait3A_1468, %dma_wait3A_1469, %dma_wait3A_1470] : memref<2x1600x32xf32, #tpu.memory_space<vmem>> -> memref<1x80x32xf32, #tpu.memory_space<vmem>>
    %dma_wait3A_1472 = tpu.memref_squeeze %dma_wait3A_1471 : memref<1x80x32xf32, #tpu.memory_space<vmem>> -> memref<80x32xf32, #tpu.memory_space<vmem>>
    %dma_wait3A_1473 = arith.constant 0 : i32
    %dma_wait3A_1474 = tpu.memref_slice %arg7[%dma_wait3A_1466, %dma_wait3A_1467, %dma_wait3A_1473] : memref<3x20x80xi32, #tpu.memory_space<vmem>> -> memref<1x1x80xi32, #tpu.memory_space<vmem>>
    %dma_wait3A_1475 = tpu.memref_squeeze %dma_wait3A_1474 : memref<1x1x80xi32, #tpu.memory_space<vmem>> -> memref<80xi32, #tpu.memory_space<vmem>>
    %dma_wait3A_1476 = arith.constant 0 : i32
    %dma_wait3A_1477 = arith.constant 0 : i32
    %dma_wait3A_1478 = tpu.memref_slice %arg5[%dma_wait3A_1476, %dma_wait3A_1477] : memref<1001x32xf32, #tpu.memory_space<hbm>> -> memref<1001x32xf32, #tpu.memory_space<hbm>>
    tpu.wait_indirect_dma semaphore(%arg9 : memref<!tpu.dma_semaphore, #tpu.memory_space<semaphore_mem>>) src(%dma_wait3A_1478 : memref<1001x32xf32, #tpu.memory_space<hbm>>) dst(%dma_wait3A_1472 : memref<80x32xf32, #tpu.memory_space<vmem>>)
    %dma_wait3A_1479 = arith.constant 2 : i32
    %dma_wait3A_1480 = arith.constant 10 : i32
    %dma_wait3A_1481 = arith.constant 0 : i32
    %dma_wait3A_1482 = arith.constant 800 : i32
    %dma_wait3A_1483 = arith.constant 0 : i32
    %dma_wait3A_1484 = tpu.memref_slice %arg8[%dma_wait3A_1481, %dma_wait3A_1482, %dma_wait3A_1483] : memref<2x1600x32xf32, #tpu.memory_space<vmem>> -> memref<1x80x32xf32, #tpu.memory_space<vmem>>
    %dma_wait3A_1485 = tpu.memref_squeeze %dma_wait3A_1484 : memref<1x80x32xf32, #tpu.memory_space<vmem>> -> memref<80x32xf32, #tpu.memory_space<vmem>>
    %dma_wait3A_1486 = arith.constant 0 : i32
    %dma_wait3A_1487 = tpu.memref_slice %arg7[%dma_wait3A_1479, %dma_wait3A_1480, %dma_wait3A_1486] : memref<3x20x80xi32, #tpu.memory_space<vmem>> -> memref<1x1x80xi32, #tpu.memory_space<vmem>>
    %dma_wait3A_1488 = tpu.memref_squeeze %dma_wait3A_1487 : memref<1x1x80xi32, #tpu.memory_space<vmem>> -> memref<80xi32, #tpu.memory_space<vmem>>
    %dma_wait3A_1489 = arith.constant 0 : i32
    %dma_wait3A_1490 = arith.constant 0 : i32
    %dma_wait3A_1491 = tpu.memref_slice %arg5[%dma_wait3A_1489, %dma_wait3A_1490] : memref<1001x32xf32, #tpu.memory_space<hbm>> -> memref<1001x32xf32, #tpu.memory_space<hbm>>
    tpu.wait_indirect_dma semaphore(%arg9 : memref<!tpu.dma_semaphore, #tpu.memory_space<semaphore_mem>>) src(%dma_wait3A_1491 : memref<1001x32xf32, #tpu.memory_space<hbm>>) dst(%dma_wait3A_1485 : memref<80x32xf32, #tpu.memory_space<vmem>>)
    %dma_wait3A_1492 = arith.constant 2 : i32
    %dma_wait3A_1493 = arith.constant 11 : i32
    %dma_wait3A_1494 = arith.constant 0 : i32
    %dma_wait3A_1495 = arith.constant 880 : i32
    %dma_wait3A_1496 = arith.constant 0 : i32
    %dma_wait3A_1497 = tpu.memref_slice %arg8[%dma_wait3A_1494, %dma_wait3A_1495, %dma_wait3A_1496] : memref<2x1600x32xf32, #tpu.memory_space<vmem>> -> memref<1x80x32xf32, #tpu.memory_space<vmem>>
    %dma_wait3A_1498 = tpu.memref_squeeze %dma_wait3A_1497 : memref<1x80x32xf32, #tpu.memory_space<vmem>> -> memref<80x32xf32, #tpu.memory_space<vmem>>
    %dma_wait3A_1499 = arith.constant 0 : i32
    %dma_wait3A_1500 = tpu.memref_slice %arg7[%dma_wait3A_1492, %dma_wait3A_1493, %dma_wait3A_1499] : memref<3x20x80xi32, #tpu.memory_space<vmem>> -> memref<1x1x80xi32, #tpu.memory_space<vmem>>
    %dma_wait3A_1501 = tpu.memref_squeeze %dma_wait3A_1500 : memref<1x1x80xi32, #tpu.memory_space<vmem>> -> memref<80xi32, #tpu.memory_space<vmem>>
    %dma_wait3A_1502 = arith.constant 0 : i32
    %dma_wait3A_1503 = arith.constant 0 : i32
    %dma_wait3A_1504 = tpu.memref_slice %arg5[%dma_wait3A_1502, %dma_wait3A_1503] : memref<1001x32xf32, #tpu.memory_space<hbm>> -> memref<1001x32xf32, #tpu.memory_space<hbm>>
    tpu.wait_indirect_dma semaphore(%arg9 : memref<!tpu.dma_semaphore, #tpu.memory_space<semaphore_mem>>) src(%dma_wait3A_1504 : memref<1001x32xf32, #tpu.memory_space<hbm>>) dst(%dma_wait3A_1498 : memref<80x32xf32, #tpu.memory_space<vmem>>)
    %dma_wait3A_1505 = arith.constant 2 : i32
    %dma_wait3A_1506 = arith.constant 12 : i32
    %dma_wait3A_1507 = arith.constant 0 : i32
    %dma_wait3A_1508 = arith.constant 960 : i32
    %dma_wait3A_1509 = arith.constant 0 : i32
    %dma_wait3A_1510 = tpu.memref_slice %arg8[%dma_wait3A_1507, %dma_wait3A_1508, %dma_wait3A_1509] : memref<2x1600x32xf32, #tpu.memory_space<vmem>> -> memref<1x80x32xf32, #tpu.memory_space<vmem>>
    %dma_wait3A_1511 = tpu.memref_squeeze %dma_wait3A_1510 : memref<1x80x32xf32, #tpu.memory_space<vmem>> -> memref<80x32xf32, #tpu.memory_space<vmem>>
    %dma_wait3A_1512 = arith.constant 0 : i32
    %dma_wait3A_1513 = tpu.memref_slice %arg7[%dma_wait3A_1505, %dma_wait3A_1506, %dma_wait3A_1512] : memref<3x20x80xi32, #tpu.memory_space<vmem>> -> memref<1x1x80xi32, #tpu.memory_space<vmem>>
    %dma_wait3A_1514 = tpu.memref_squeeze %dma_wait3A_1513 : memref<1x1x80xi32, #tpu.memory_space<vmem>> -> memref<80xi32, #tpu.memory_space<vmem>>
    %dma_wait3A_1515 = arith.constant 0 : i32
    %dma_wait3A_1516 = arith.constant 0 : i32
    %dma_wait3A_1517 = tpu.memref_slice %arg5[%dma_wait3A_1515, %dma_wait3A_1516] : memref<1001x32xf32, #tpu.memory_space<hbm>> -> memref<1001x32xf32, #tpu.memory_space<hbm>>
    tpu.wait_indirect_dma semaphore(%arg9 : memref<!tpu.dma_semaphore, #tpu.memory_space<semaphore_mem>>) src(%dma_wait3A_1517 : memref<1001x32xf32, #tpu.memory_space<hbm>>) dst(%dma_wait3A_1511 : memref<80x32xf32, #tpu.memory_space<vmem>>)
    %dma_wait3A_1518 = arith.constant 2 : i32
    %dma_wait3A_1519 = arith.constant 13 : i32
    %dma_wait3A_1520 = arith.constant 0 : i32
    %dma_wait3A_1521 = arith.constant 1040 : i32
    %dma_wait3A_1522 = arith.constant 0 : i32
    %dma_wait3A_1523 = tpu.memref_slice %arg8[%dma_wait3A_1520, %dma_wait3A_1521, %dma_wait3A_1522] : memref<2x1600x32xf32, #tpu.memory_space<vmem>> -> memref<1x80x32xf32, #tpu.memory_space<vmem>>
    %dma_wait3A_1524 = tpu.memref_squeeze %dma_wait3A_1523 : memref<1x80x32xf32, #tpu.memory_space<vmem>> -> memref<80x32xf32, #tpu.memory_space<vmem>>
    %dma_wait3A_1525 = arith.constant 0 : i32
    %dma_wait3A_1526 = tpu.memref_slice %arg7[%dma_wait3A_1518, %dma_wait3A_1519, %dma_wait3A_1525] : memref<3x20x80xi32, #tpu.memory_space<vmem>> -> memref<1x1x80xi32, #tpu.memory_space<vmem>>
    %dma_wait3A_1527 = tpu.memref_squeeze %dma_wait3A_1526 : memref<1x1x80xi32, #tpu.memory_space<vmem>> -> memref<80xi32, #tpu.memory_space<vmem>>
    %dma_wait3A_1528 = arith.constant 0 : i32
    %dma_wait3A_1529 = arith.constant 0 : i32
    %dma_wait3A_1530 = tpu.memref_slice %arg5[%dma_wait3A_1528, %dma_wait3A_1529] : memref<1001x32xf32, #tpu.memory_space<hbm>> -> memref<1001x32xf32, #tpu.memory_space<hbm>>
    tpu.wait_indirect_dma semaphore(%arg9 : memref<!tpu.dma_semaphore, #tpu.memory_space<semaphore_mem>>) src(%dma_wait3A_1530 : memref<1001x32xf32, #tpu.memory_space<hbm>>) dst(%dma_wait3A_1524 : memref<80x32xf32, #tpu.memory_space<vmem>>)
    %dma_wait3A_1531 = arith.constant 2 : i32
    %dma_wait3A_1532 = arith.constant 14 : i32
    %dma_wait3A_1533 = arith.constant 0 : i32
    %dma_wait3A_1534 = arith.constant 1120 : i32
    %dma_wait3A_1535 = arith.constant 0 : i32
    %dma_wait3A_1536 = tpu.memref_slice %arg8[%dma_wait3A_1533, %dma_wait3A_1534, %dma_wait3A_1535] : memref<2x1600x32xf32, #tpu.memory_space<vmem>> -> memref<1x80x32xf32, #tpu.memory_space<vmem>>
    %dma_wait3A_1537 = tpu.memref_squeeze %dma_wait3A_1536 : memref<1x80x32xf32, #tpu.memory_space<vmem>> -> memref<80x32xf32, #tpu.memory_space<vmem>>
    %dma_wait3A_1538 = arith.constant 0 : i32
    %dma_wait3A_1539 = tpu.memref_slice %arg7[%dma_wait3A_1531, %dma_wait3A_1532, %dma_wait3A_1538] : memref<3x20x80xi32, #tpu.memory_space<vmem>> -> memref<1x1x80xi32, #tpu.memory_space<vmem>>
    %dma_wait3A_1540 = tpu.memref_squeeze %dma_wait3A_1539 : memref<1x1x80xi32, #tpu.memory_space<vmem>> -> memref<80xi32, #tpu.memory_space<vmem>>
    %dma_wait3A_1541 = arith.constant 0 : i32
    %dma_wait3A_1542 = arith.constant 0 : i32
    %dma_wait3A_1543 = tpu.memref_slice %arg5[%dma_wait3A_1541, %dma_wait3A_1542] : memref<1001x32xf32, #tpu.memory_space<hbm>> -> memref<1001x32xf32, #tpu.memory_space<hbm>>
    tpu.wait_indirect_dma semaphore(%arg9 : memref<!tpu.dma_semaphore, #tpu.memory_space<semaphore_mem>>) src(%dma_wait3A_1543 : memref<1001x32xf32, #tpu.memory_space<hbm>>) dst(%dma_wait3A_1537 : memref<80x32xf32, #tpu.memory_space<vmem>>)
    %dma_wait3A_1544 = arith.constant 2 : i32
    %dma_wait3A_1545 = arith.constant 15 : i32
    %dma_wait3A_1546 = arith.constant 0 : i32
    %dma_wait3A_1547 = arith.constant 1200 : i32
    %dma_wait3A_1548 = arith.constant 0 : i32
    %dma_wait3A_1549 = tpu.memref_slice %arg8[%dma_wait3A_1546, %dma_wait3A_1547, %dma_wait3A_1548] : memref<2x1600x32xf32, #tpu.memory_space<vmem>> -> memref<1x80x32xf32, #tpu.memory_space<vmem>>
    %dma_wait3A_1550 = tpu.memref_squeeze %dma_wait3A_1549 : memref<1x80x32xf32, #tpu.memory_space<vmem>> -> memref<80x32xf32, #tpu.memory_space<vmem>>
    %dma_wait3A_1551 = arith.constant 0 : i32
    %dma_wait3A_1552 = tpu.memref_slice %arg7[%dma_wait3A_1544, %dma_wait3A_1545, %dma_wait3A_1551] : memref<3x20x80xi32, #tpu.memory_space<vmem>> -> memref<1x1x80xi32, #tpu.memory_space<vmem>>
    %dma_wait3A_1553 = tpu.memref_squeeze %dma_wait3A_1552 : memref<1x1x80xi32, #tpu.memory_space<vmem>> -> memref<80xi32, #tpu.memory_space<vmem>>
    %dma_wait3A_1554 = arith.constant 0 : i32
    %dma_wait3A_1555 = arith.constant 0 : i32
    %dma_wait3A_1556 = tpu.memref_slice %arg5[%dma_wait3A_1554, %dma_wait3A_1555] : memref<1001x32xf32, #tpu.memory_space<hbm>> -> memref<1001x32xf32, #tpu.memory_space<hbm>>
    tpu.wait_indirect_dma semaphore(%arg9 : memref<!tpu.dma_semaphore, #tpu.memory_space<semaphore_mem>>) src(%dma_wait3A_1556 : memref<1001x32xf32, #tpu.memory_space<hbm>>) dst(%dma_wait3A_1550 : memref<80x32xf32, #tpu.memory_space<vmem>>)
    %dma_wait3A_1557 = arith.constant 2 : i32
    %dma_wait3A_1558 = arith.constant 16 : i32
    %dma_wait3A_1559 = arith.constant 0 : i32
    %dma_wait3A_1560 = arith.constant 1280 : i32
    %dma_wait3A_1561 = arith.constant 0 : i32
    %dma_wait3A_1562 = tpu.memref_slice %arg8[%dma_wait3A_1559, %dma_wait3A_1560, %dma_wait3A_1561] : memref<2x1600x32xf32, #tpu.memory_space<vmem>> -> memref<1x80x32xf32, #tpu.memory_space<vmem>>
    %dma_wait3A_1563 = tpu.memref_squeeze %dma_wait3A_1562 : memref<1x80x32xf32, #tpu.memory_space<vmem>> -> memref<80x32xf32, #tpu.memory_space<vmem>>
    %dma_wait3A_1564 = arith.constant 0 : i32
    %dma_wait3A_1565 = tpu.memref_slice %arg7[%dma_wait3A_1557, %dma_wait3A_1558, %dma_wait3A_1564] : memref<3x20x80xi32, #tpu.memory_space<vmem>> -> memref<1x1x80xi32, #tpu.memory_space<vmem>>
    %dma_wait3A_1566 = tpu.memref_squeeze %dma_wait3A_1565 : memref<1x1x80xi32, #tpu.memory_space<vmem>> -> memref<80xi32, #tpu.memory_space<vmem>>
    %dma_wait3A_1567 = arith.constant 0 : i32
    %dma_wait3A_1568 = arith.constant 0 : i32
    %dma_wait3A_1569 = tpu.memref_slice %arg5[%dma_wait3A_1567, %dma_wait3A_1568] : memref<1001x32xf32, #tpu.memory_space<hbm>> -> memref<1001x32xf32, #tpu.memory_space<hbm>>
    tpu.wait_indirect_dma semaphore(%arg9 : memref<!tpu.dma_semaphore, #tpu.memory_space<semaphore_mem>>) src(%dma_wait3A_1569 : memref<1001x32xf32, #tpu.memory_space<hbm>>) dst(%dma_wait3A_1563 : memref<80x32xf32, #tpu.memory_space<vmem>>)
    %dma_wait3A_1570 = arith.constant 2 : i32
    %dma_wait3A_1571 = arith.constant 17 : i32
    %dma_wait3A_1572 = arith.constant 0 : i32
    %dma_wait3A_1573 = arith.constant 1360 : i32
    %dma_wait3A_1574 = arith.constant 0 : i32
    %dma_wait3A_1575 = tpu.memref_slice %arg8[%dma_wait3A_1572, %dma_wait3A_1573, %dma_wait3A_1574] : memref<2x1600x32xf32, #tpu.memory_space<vmem>> -> memref<1x80x32xf32, #tpu.memory_space<vmem>>
    %dma_wait3A_1576 = tpu.memref_squeeze %dma_wait3A_1575 : memref<1x80x32xf32, #tpu.memory_space<vmem>> -> memref<80x32xf32, #tpu.memory_space<vmem>>
    %dma_wait3A_1577 = arith.constant 0 : i32
    %dma_wait3A_1578 = tpu.memref_slice %arg7[%dma_wait3A_1570, %dma_wait3A_1571, %dma_wait3A_1577] : memref<3x20x80xi32, #tpu.memory_space<vmem>> -> memref<1x1x80xi32, #tpu.memory_space<vmem>>
    %dma_wait3A_1579 = tpu.memref_squeeze %dma_wait3A_1578 : memref<1x1x80xi32, #tpu.memory_space<vmem>> -> memref<80xi32, #tpu.memory_space<vmem>>
    %dma_wait3A_1580 = arith.constant 0 : i32
    %dma_wait3A_1581 = arith.constant 0 : i32
    %dma_wait3A_1582 = tpu.memref_slice %arg5[%dma_wait3A_1580, %dma_wait3A_1581] : memref<1001x32xf32, #tpu.memory_space<hbm>> -> memref<1001x32xf32, #tpu.memory_space<hbm>>
    tpu.wait_indirect_dma semaphore(%arg9 : memref<!tpu.dma_semaphore, #tpu.memory_space<semaphore_mem>>) src(%dma_wait3A_1582 : memref<1001x32xf32, #tpu.memory_space<hbm>>) dst(%dma_wait3A_1576 : memref<80x32xf32, #tpu.memory_space<vmem>>)
    %dma_wait3A_1583 = arith.constant 2 : i32
    %dma_wait3A_1584 = arith.constant 18 : i32
    %dma_wait3A_1585 = arith.constant 0 : i32
    %dma_wait3A_1586 = arith.constant 1440 : i32
    %dma_wait3A_1587 = arith.constant 0 : i32
    %dma_wait3A_1588 = tpu.memref_slice %arg8[%dma_wait3A_1585, %dma_wait3A_1586, %dma_wait3A_1587] : memref<2x1600x32xf32, #tpu.memory_space<vmem>> -> memref<1x80x32xf32, #tpu.memory_space<vmem>>
    %dma_wait3A_1589 = tpu.memref_squeeze %dma_wait3A_1588 : memref<1x80x32xf32, #tpu.memory_space<vmem>> -> memref<80x32xf32, #tpu.memory_space<vmem>>
    %dma_wait3A_1590 = arith.constant 0 : i32
    %dma_wait3A_1591 = tpu.memref_slice %arg7[%dma_wait3A_1583, %dma_wait3A_1584, %dma_wait3A_1590] : memref<3x20x80xi32, #tpu.memory_space<vmem>> -> memref<1x1x80xi32, #tpu.memory_space<vmem>>
    %dma_wait3A_1592 = tpu.memref_squeeze %dma_wait3A_1591 : memref<1x1x80xi32, #tpu.memory_space<vmem>> -> memref<80xi32, #tpu.memory_space<vmem>>
    %dma_wait3A_1593 = arith.constant 0 : i32
    %dma_wait3A_1594 = arith.constant 0 : i32
    %dma_wait3A_1595 = tpu.memref_slice %arg5[%dma_wait3A_1593, %dma_wait3A_1594] : memref<1001x32xf32, #tpu.memory_space<hbm>> -> memref<1001x32xf32, #tpu.memory_space<hbm>>
    tpu.wait_indirect_dma semaphore(%arg9 : memref<!tpu.dma_semaphore, #tpu.memory_space<semaphore_mem>>) src(%dma_wait3A_1595 : memref<1001x32xf32, #tpu.memory_space<hbm>>) dst(%dma_wait3A_1589 : memref<80x32xf32, #tpu.memory_space<vmem>>)
    %dma_wait3A_1596 = arith.constant 2 : i32
    %dma_wait3A_1597 = arith.constant 19 : i32
    %dma_wait3A_1598 = arith.constant 0 : i32
    %dma_wait3A_1599 = arith.constant 1520 : i32
    %dma_wait3A_1600 = arith.constant 0 : i32
    %dma_wait3A_1601 = tpu.memref_slice %arg8[%dma_wait3A_1598, %dma_wait3A_1599, %dma_wait3A_1600] : memref<2x1600x32xf32, #tpu.memory_space<vmem>> -> memref<1x80x32xf32, #tpu.memory_space<vmem>>
    %dma_wait3A_1602 = tpu.memref_squeeze %dma_wait3A_1601 : memref<1x80x32xf32, #tpu.memory_space<vmem>> -> memref<80x32xf32, #tpu.memory_space<vmem>>
    %dma_wait3A_1603 = arith.constant 0 : i32
    %dma_wait3A_1604 = tpu.memref_slice %arg7[%dma_wait3A_1596, %dma_wait3A_1597, %dma_wait3A_1603] : memref<3x20x80xi32, #tpu.memory_space<vmem>> -> memref<1x1x80xi32, #tpu.memory_space<vmem>>
    %dma_wait3A_1605 = tpu.memref_squeeze %dma_wait3A_1604 : memref<1x1x80xi32, #tpu.memory_space<vmem>> -> memref<80xi32, #tpu.memory_space<vmem>>
    %dma_wait3A_1606 = arith.constant 0 : i32
    %dma_wait3A_1607 = arith.constant 0 : i32
    %dma_wait3A_1608 = tpu.memref_slice %arg5[%dma_wait3A_1606, %dma_wait3A_1607] : memref<1001x32xf32, #tpu.memory_space<hbm>> -> memref<1001x32xf32, #tpu.memory_space<hbm>>
    tpu.wait_indirect_dma semaphore(%arg9 : memref<!tpu.dma_semaphore, #tpu.memory_space<semaphore_mem>>) src(%dma_wait3A_1608 : memref<1001x32xf32, #tpu.memory_space<hbm>>) dst(%dma_wait3A_1602 : memref<80x32xf32, #tpu.memory_space<vmem>>)
    %dma_start3A_1609 = arith.constant 0 : i32
    %dma_start3A_1610 = arith.constant 2 : i32
    %dma_start3A_1611 = arith.constant 0 : i32
    %dma_start3A_1612 = arith.constant 0 : i32
    %dma_start3A_1613 = tpu.memref_slice %arg8[%dma_start3A_1609, %dma_start3A_1611, %dma_start3A_1612] : memref<2x1600x32xf32, #tpu.memory_space<vmem>> -> memref<1x1600x32xf32, #tpu.memory_space<vmem>>
    %dma_start3A_1614 = tpu.memref_squeeze %dma_start3A_1613 : memref<1x1600x32xf32, #tpu.memory_space<vmem>> -> memref<1600x32xf32, #tpu.memory_space<vmem>>
    %dma_start3A_1615 = arith.constant 0 : i32
    %dma_start3A_1616 = tpu.memref_slice %arg6[%dma_start3A_1610, %mul3A_2, %dma_start3A_1615] : memref<3x51200x32xf32, #tpu.memory_space<hbm>> -> memref<1x1600x32xf32, #tpu.memory_space<hbm>>
    %dma_start3A_1617 = tpu.memref_squeeze %dma_start3A_1616 : memref<1x1600x32xf32, #tpu.memory_space<hbm>> -> memref<1600x32xf32, #tpu.memory_space<hbm>>
    %dma_start3A_1618 = arith.constant 0 : i32
    %dma_start3A_1619 = tpu.memref_slice %arg6[%dma_start3A_1610, %mul3A_2, %dma_start3A_1618] : memref<3x51200x32xf32, #tpu.memory_space<hbm>> -> memref<1x1600x32xf32, #tpu.memory_space<hbm>>
    %dma_start3A_1620 = tpu.memref_squeeze %dma_start3A_1619 : memref<1x1600x32xf32, #tpu.memory_space<hbm>> -> memref<1600x32xf32, #tpu.memory_space<hbm>>
    %dma_start3A_1621 = arith.constant 0 : i32
    %dma_start3A_1622 = arith.constant 0 : i32
    %dma_start3A_1623 = tpu.memref_slice %arg8[%dma_start3A_1609, %dma_start3A_1621, %dma_start3A_1622] : memref<2x1600x32xf32, #tpu.memory_space<vmem>> -> memref<1x1600x32xf32, #tpu.memory_space<vmem>>
    %dma_start3A_1624 = tpu.memref_squeeze %dma_start3A_1623 : memref<1x1600x32xf32, #tpu.memory_space<vmem>> -> memref<1600x32xf32, #tpu.memory_space<vmem>>
    tpu.enqueue_dma source(%dma_start3A_1624 : memref<1600x32xf32, #tpu.memory_space<vmem>>) target(%dma_start3A_1620 : memref<1600x32xf32, #tpu.memory_space<hbm>>) target_semaphore(%arg10 : memref<!tpu.dma_semaphore, #tpu.memory_space<semaphore_mem>>)
    %dma_wait3A_1625 = arith.constant 0 : i32
    %dma_wait3A_1626 = arith.constant 2 : i32
    %dma_wait3A_1627 = arith.constant 0 : i32
    %dma_wait3A_1628 = arith.constant 0 : i32
    %dma_wait3A_1629 = tpu.memref_slice %arg8[%dma_wait3A_1625, %dma_wait3A_1627, %dma_wait3A_1628] : memref<2x1600x32xf32, #tpu.memory_space<vmem>> -> memref<1x1600x32xf32, #tpu.memory_space<vmem>>
    %dma_wait3A_1630 = tpu.memref_squeeze %dma_wait3A_1629 : memref<1x1600x32xf32, #tpu.memory_space<vmem>> -> memref<1600x32xf32, #tpu.memory_space<vmem>>
    %dma_wait3A_1631 = arith.constant 0 : i32
    %dma_wait3A_1632 = tpu.memref_slice %arg6[%dma_wait3A_1626, %mul3A_2, %dma_wait3A_1631] : memref<3x51200x32xf32, #tpu.memory_space<hbm>> -> memref<1x1600x32xf32, #tpu.memory_space<hbm>>
    %dma_wait3A_1633 = tpu.memref_squeeze %dma_wait3A_1632 : memref<1x1600x32xf32, #tpu.memory_space<hbm>> -> memref<1600x32xf32, #tpu.memory_space<hbm>>
    %dma_wait3A_1634 = arith.constant 0 : i32
    %dma_wait3A_1635 = tpu.memref_slice %arg6[%dma_wait3A_1626, %mul3A_2, %dma_wait3A_1634] : memref<3x51200x32xf32, #tpu.memory_space<hbm>> -> memref<1x1600x32xf32, #tpu.memory_space<hbm>>
    %dma_wait3A_1636 = tpu.memref_squeeze %dma_wait3A_1635 : memref<1x1600x32xf32, #tpu.memory_space<hbm>> -> memref<1600x32xf32, #tpu.memory_space<hbm>>
    %dma_wait3A_1637 = arith.constant 0 : i32
    %dma_wait3A_1638 = arith.constant 0 : i32
    %dma_wait3A_1639 = tpu.memref_slice %arg8[%dma_wait3A_1625, %dma_wait3A_1637, %dma_wait3A_1638] : memref<2x1600x32xf32, #tpu.memory_space<vmem>> -> memref<1x1600x32xf32, #tpu.memory_space<vmem>>
    %dma_wait3A_1640 = tpu.memref_squeeze %dma_wait3A_1639 : memref<1x1600x32xf32, #tpu.memory_space<vmem>> -> memref<1600x32xf32, #tpu.memory_space<vmem>>
    tpu.wait_dma2 semaphore(%arg10 : memref<!tpu.dma_semaphore, #tpu.memory_space<semaphore_mem>>) src(%dma_wait3A_1640 : memref<1600x32xf32, #tpu.memory_space<vmem>>) dst(%dma_wait3A_1636 : memref<1600x32xf32, #tpu.memory_space<hbm>>)
    %dma_wait3A_1641 = arith.constant 1 : i32
    %dma_wait3A_1642 = arith.constant 1 : i32
    %dma_wait3A_1643 = arith.constant 0 : i32
    %dma_wait3A_1644 = arith.constant 0 : i32
    %dma_wait3A_1645 = tpu.memref_slice %arg8[%dma_wait3A_1641, %dma_wait3A_1643, %dma_wait3A_1644] : memref<2x1600x32xf32, #tpu.memory_space<vmem>> -> memref<1x1600x32xf32, #tpu.memory_space<vmem>>
    %dma_wait3A_1646 = tpu.memref_squeeze %dma_wait3A_1645 : memref<1x1600x32xf32, #tpu.memory_space<vmem>> -> memref<1600x32xf32, #tpu.memory_space<vmem>>
    %dma_wait3A_1647 = arith.constant 0 : i32
    %dma_wait3A_1648 = tpu.memref_slice %arg6[%dma_wait3A_1642, %mul3A_2, %dma_wait3A_1647] : memref<3x51200x32xf32, #tpu.memory_space<hbm>> -> memref<1x1600x32xf32, #tpu.memory_space<hbm>>
    %dma_wait3A_1649 = tpu.memref_squeeze %dma_wait3A_1648 : memref<1x1600x32xf32, #tpu.memory_space<hbm>> -> memref<1600x32xf32, #tpu.memory_space<hbm>>
    %dma_wait3A_1650 = arith.constant 0 : i32
    %dma_wait3A_1651 = tpu.memref_slice %arg6[%dma_wait3A_1642, %mul3A_2, %dma_wait3A_1650] : memref<3x51200x32xf32, #tpu.memory_space<hbm>> -> memref<1x1600x32xf32, #tpu.memory_space<hbm>>
    %dma_wait3A_1652 = tpu.memref_squeeze %dma_wait3A_1651 : memref<1x1600x32xf32, #tpu.memory_space<hbm>> -> memref<1600x32xf32, #tpu.memory_space<hbm>>
    %dma_wait3A_1653 = arith.constant 0 : i32
    %dma_wait3A_1654 = arith.constant 0 : i32
    %dma_wait3A_1655 = tpu.memref_slice %arg8[%dma_wait3A_1641, %dma_wait3A_1653, %dma_wait3A_1654] : memref<2x1600x32xf32, #tpu.memory_space<vmem>> -> memref<1x1600x32xf32, #tpu.memory_space<vmem>>
    %dma_wait3A_1656 = tpu.memref_squeeze %dma_wait3A_1655 : memref<1x1600x32xf32, #tpu.memory_space<vmem>> -> memref<1600x32xf32, #tpu.memory_space<vmem>>
    tpu.wait_dma2 semaphore(%arg10 : memref<!tpu.dma_semaphore, #tpu.memory_space<semaphore_mem>>) src(%dma_wait3A_1656 : memref<1600x32xf32, #tpu.memory_space<vmem>>) dst(%dma_wait3A_1652 : memref<1600x32xf32, #tpu.memory_space<hbm>>)
    return
  }
}

</mosaic_0001>

<sc_bundles>
// kernel: _sc_gather.3.cloned.1.call-start
scs
__scs_entry_jumppad:
0x0: {  	(pc) =	sbr.rel $0x88, $3  }
0x1: {  	(tag) =	ssettag $0x0;
	lr =	simm.s32 $0x1  }
0x2: {  	[smem:$0x3F9D] =	sst lr;
	_ =	strace $0xD0000000  }
0x3: {  	_ = 	snop  }
0x4: {  	_ = 	snop  }
0x5: {  	_ = 	snop  }
0x6: {  	_ = 	snop  }
0x7: {  	_ = 	snop  }
__scs_overlays_trampoline_lowered:
0x8: {  	[smem:$0x3FAC] =	sst s0  }
0x9: {  	[smem:$0x3FAD] =	sst s1  }
0xa: {  	[smem:$0x3FAE] =	sst s2  }
0xb: {  	[smem:$0x3FAF] =	sst s3  }
0xc: {  	[smem:$0x3FB0] =	sst s4  }
0xd: {  	[smem:$0x3FB1] =	sst s5  }
0xe: {  	[smem:$0x3FB2] =	sst s6  }
0xf: {  	[smem:$0x3FB3] =	sst s7  }
0x10: {  	[smem:$0x3FB4] =	sst s8  }
0x11: {  	[smem:$0x3FB5] =	sst s9;
	s0 =	simm.s32 @!p0 $0x0  }
0x12: {  	s1 =	sld [smem:$0x3F9B];
	s0 =	simm.s32 @p0 $0x1  }
0x13: {  	[smem:$0x3FB6] =	sst s0;
	s0 =	simm.s32 @!p1 $0x0  }
0x14: {  	s2 =	sld [smem:$0x3F9A];
	s0 =	simm.s32 @p1 $0x1  }
0x15: {  	[smem:$0x3FB7] =	sst s0;
	s0 =	simm.s32 @!p2 $0x0  }
0x16: {  	s3 =	sld [smem:$0x3FDB];
	s0 =	simm.s32 @p2 $0x1  }
0x17: {  	s4 =	simm.s32 $0x1BF5;
	[smem:$0x3FB9] =	sst s0  }
0x18: {  	s0 =	sld [smem:$0x3F9C];
	_ =	swait.ge [sflag:s4], $0x0  }
0x19: {  	s7 =	sld [smem:$0x3F9D]  }
0x1a: {  	s8 =	sadd.s32 $0xFFFFE003, lr  }
0x1b: {  	s9 =	sadd.s32 $0xFFFFFEF7, lr;
	s5 =	simm.s32 $0xFFFFFFFF;
	p2 =	slt.u32 s8, $0xFFFFF086  }
0x1c: {  	p1 =	slt.u32 s9, $0xF7A;
	s5 =	simm.s32 @!p2 $0x0  }
0x1d: {  	s5 =	simm.s32 @p1 $0x1;
	p0 =	seq.s32 s7, s2  }
0x1e: {  	s7 =	smul.u32 @!p0 $0xF7A, s2;
	p2 =	seq.s32 @!p0 s5, $0x0  }
0x1f: {  	s9 =	smul.u32 $0xF7A, s1;
	s8 =	simm.s32 @!p0 $0x1BF5;
	p2 =	por !p2, p0  }
0x20: {  	[sflag:s8] =	ssyncset.s32 @!p0 $0xFFFFF086;
	s6 =	sadd.s32 @!p0 s3, s7;
	s7 =	simm.s32 @!p0 $0x108  }
0x21: {  	s3 =	sadd.s32 s3, s9;
	s6 =	sadd.s32 @!p0 $0x88, s6;
	s7 =	simm.s32 @p2 $0x1082  }
0x22: {  	[simem:s7], [sflag:s8] =	dma.local @!p0 [hbm:s6], $0xF7A  }
0x23: {  	s9 =	sor.u32 $0xD0000000, s2;
	s6 =	simm.s32 $0x108;
	_ =	swait.ge @!p0 [sflag:s8], $0x0  }
0x24: {  	s3 =	sadd.s32 $0x88, s3;
	s6 =	simm.s32 @!p1 $0x1082;
	[sflag:s4] =	ssyncset.s32 $0xFFFFF086  }
0x25: {  	[simem:s6], [sflag:s4] =	dma.local [hbm:s3], $0xF7A  }
0x26: {  	[smem:$0x3F9D] =	sst s1;
	(tag) =	ssettag s2;
	_ =	strace s9  }
0x27: {  	s1 =	sld [smem:$0x3FAD]  }
0x28: {  	s2 =	sld [smem:$0x3FAE]  }
0x29: {  	s4 =	sld [smem:$0x3FB0]  }
0x2a: {  	p0 =	seq.s32 s5, $0x0;
	s5 =	sld [smem:$0x3FB1]  }
0x2b: {  	s6 =	sld [smem:$0x3FB2]  }
0x2c: {  	s7 =	sld [smem:$0x3FB3]  }
0x2d: {  	s3 =	simm.s32 $0x108;
	s8 =	sld [smem:$0x3FB4]  }
0x2e: {  	s3 =	simm.s32 @!p0 $0x1082;
	s9 =	sld [smem:$0x3FB5]  }
0x2f: {  	lr =	sadd.s32 s0, s3;
	s0 =	sld [smem:$0x3FAC]  }
0x30: {  	s3 =	sld [smem:$0x3FAF]  }
0x31: {  	[smem:$0x3FB8] =	sst s10  }
0x32: {  	s10 =	sld [smem:$0x3FB6];
	_ =	sdelay $0x3  }
0x33: {  	p0 =	seq.s32 s10, $0x1;
	s10 =	sld [smem:$0x3FB8];
	_ =	sdelay $0x3  }
0x34: {  	[smem:$0x3FB8] =	sst s10  }
0x35: {  	s10 =	sld [smem:$0x3FB7];
	_ =	sdelay $0x3  }
0x36: {  	p1 =	seq.s32 s10, $0x1;
	s10 =	sld [smem:$0x3FB8];
	_ =	sdelay $0x3  }
0x37: {  	[smem:$0x3FB8] =	sst s10  }
0x38: {  	s10 =	sld [smem:$0x3FB9]  }
0x39: {  	_ = 	snop;
	(pc) =	sbr.ind lr, $3  }
0x3a: {  	_ = 	snop  }
0x3b: {  	_ = 	snop  }
0x3c: {  	p2 =	seq.s32 s10, $0x1;
	s10 =	sld [smem:$0x3FB8]  }
0x3d: {  	_ =	shalt  }
0x3e: {  	_ =	shalt  }
0x3f: {  	_ =	shalt  }
0x40: {  	_ =	shalt  }
0x41: {  	_ =	shalt  }
0x42: {  	_ =	shalt  }
0x43: {  	_ =	shalt  }
0x44: {  	_ =	shalt  }
0x45: {  	_ =	shalt  }
0x46: {  	_ =	shalt  }
0x47: {  	_ =	shalt  }
0x48: {  	_ =	shalt  }
0x49: {  	_ =	shalt  }
0x4a: {  	_ =	shalt  }
0x4b: {  	_ =	shalt  }
0x4c: {  	_ =	shalt  }
0x4d: {  	_ =	shalt  }
0x4e: {  	_ =	shalt  }
0x4f: {  	_ =	shalt  }
0x50: {  	_ =	shalt  }
0x51: {  	_ =	shalt  }
0x52: {  	_ =	shalt  }
0x53: {  	_ =	shalt  }
0x54: {  	_ =	shalt  }
0x55: {  	_ =	shalt  }
0x56: {  	_ =	shalt  }
0x57: {  	_ =	shalt  }
0x58: {  	_ =	shalt  }
0x59: {  	_ =	shalt  }
0x5a: {  	_ =	shalt  }
0x5b: {  	_ =	shalt  }
0x5c: {  	_ =	shalt  }
0x5d: {  	_ =	shalt  }
0x5e: {  	_ =	shalt  }
0x5f: {  	_ =	shalt  }
0x60: {  	_ =	shalt  }
0x61: {  	_ =	shalt  }
0x62: {  	_ =	shalt  }
0x63: {  	_ =	shalt  }
0x64: {  	_ =	shalt  }
0x65: {  	_ =	shalt  }
0x66: {  	_ =	shalt  }
0x67: {  	_ =	shalt  }
0x68: {  	_ =	shalt  }
0x69: {  	_ =	shalt  }
0x6a: {  	_ =	shalt  }
0x6b: {  	_ =	shalt  }
0x6c: {  	_ =	shalt  }
0x6d: {  	_ =	shalt  }
0x6e: {  	_ =	shalt  }
0x6f: {  	_ =	shalt  }
0x70: {  	_ =	shalt  }
0x71: {  	_ =	shalt  }
0x72: {  	_ =	shalt  }
0x73: {  	_ =	shalt  }
0x74: {  	_ =	shalt  }
0x75: {  	_ =	shalt  }
0x76: {  	_ =	shalt  }
0x77: {  	_ =	shalt  }
0x78: {  	_ =	shalt  }
0x79: {  	_ =	shalt  }
0x7a: {  	_ =	shalt  }
0x7b: {  	_ =	shalt  }
0x7c: {  	_ =	shalt  }
0x7d: {  	_ =	shalt  }
0x7e: {  	_ =	shalt  }
0x7f: {  	_ =	shalt  }
0x80: {  	_ =	shalt  }
0x81: {  	_ =	shalt  }
0x82: {  	_ =	shalt  }
0x83: {  	_ =	shalt  }
0x84: {  	_ =	shalt  }
0x85: {  	_ =	shalt  }
0x86: {  	_ =	shalt  }
0x87: {  	_ =	shalt  }
.Lfunc_end0:
.L_simem_size_0:
called_computation_lowered:
.L_overlay_start_0:
0x88: {  	s2 =	sld [smem:$0x3FD9]  }
0x89: {  	s3 =	sld [smem:$0x3FFE];
	_ =	sdelay $0x1  }
0x8a: {  	s1 =	srdreg.scid  }
0x8b: {  	s0 =	sand.u32 $0x1, s1  }
0x8c: {  	s17 =	sshll.u32 s0, $0xA;
	s2 =	sadd.s32 s3, s2  }
0x8d: {  	s2 =	sadd.s32 s2, s17  }
0x8e: {  	[smem:$0x3FC4] =	sst s2  }
0x8f: {  	_ = 	snop  }
0x90: {  	s2 =	sld [smem:$0x3FD0];
	(tm) =	ssettm $0x1  }
0x91: {  	s18 =	sld [smem:$0x3FFB];
	_ =	sdelay $0x3  }
0x92: {  	_ =	strace s18  }
0x93: {  	s3 =	sld [smem:$0x3FFC];
	_ =	sdelay $0x3  }
0x94: {  	_ =	strace s3  }
0x95: {  	s3 =	sld [smem:$0x3FFD];
	_ =	sdelay $0x3  }
0x96: {  	_ =	strace s3  }
0x97: {  	_ =	strace $0x8FFFFFFF  }
0x98: {  	s19 =	sld [smem:$0x3FDB];
	_ =	sdelay $0x1  }
0x99: {  	s4 =	simm.s32 $_scs_section_size  }
0x9a: {  	s5 =	simm.s32 $_size__tile_overlayer_lowered;
	s6 =	simm.s32 $_tile_overlayer_lowered  }
0x9b: {  	s22 =	simm.s32 $0x1BFF;
	s21 =	sshll.u32 s6, $0x1;
	s3 =	sadd.s32 s4, s19  }
0x9c: {  	s7 =	simm.s32 $0x0;
	s20 =	sshll.u32 s5, $0x1;
	s5 =	sadd.s32 s21, s3  }
0x9d: {  	[timem:s7], [sflag:s22] =	dma.local [hbm:s5], s20  }
0x9e: {  	_ =	swait.ge [sflag:s22], s20  }
0x9f: {  	s4 =	ssub.s32 $0x0, s20;
	[sflag:s22] =	ssyncset.done $0x0  }
0xa0: {  	[sflag:s22] =	ssyncadd.s32 s4;
	_ =	sdelay $0x1  }
0xa1: {  	s23 =	simm.s32 $0x1B8B  }
0xa2: {  	_ =	swait.ge [sflag:s23], $0x1  }
0xa3: {  	[sflag:s23] =	ssyncset.done $0x0  }
0xa4: {  	s25 =	simm.s32 $0x1B8E;
	s24 =	sld [smem:$0x3FFE];
	[sflag:s23] =	ssyncadd.s32 $0xFFFFFFFF  }
0xa5: {  	s26 =	simm.s32 $execute0_lowered;
	[smem:$0x3FD2] =	sst s25  }
0xa6: {  	s5 =	sshll.u32 s26, $0x1;
	_ =	strace $0x80000046;
	[dreg:$0x1] =	wrdreg $0xFFFFFFFF  }
0xa7: {  	s28 =	simm.s32 $_size_execute0_lowered;
	s3 =	sadd.s32 s3, s5;
	[dreg:$0x0] =	wrdreg $0x0  }
0xa8: {  	s5 =	sshll.u32 s28, $0x1;
	[dreg:$0x2] =	wrdreg s3  }
0xa9: {  	[dreg:$0x3] =	wrdreg s5  }
0xaa: {  	[dreg:$0x4] =	wrdreg $0xC0  }
0xab: {  	_ =	task [dreg:s7], $0x5FFFF  }
0xac: {  	[dreg:$0x1] =	wrdreg $0xFFFFFFFF  }
0xad: {  	[dreg:$0x0] =	wrdreg $0x60  }
0xae: {  	[dreg:$0x2] =	wrdreg s24  }
0xaf: {  	[dreg:$0x3] =	wrdreg s2  }
0xb0: {  	[dreg:$0x4] =	wrdreg $0x9  }
0xb1: {  	_ =	task.clear_ibuf [dreg:s7], $0x5FFFF;
	_ =	strace $0x90000046  }
0xb2: {  	s29 =	simm.s32 $0x9;
	_ =	strace $0x80000048  }
0xb3: {  	_ =	swait.ge [sflag:s29], $0x1  }
0xb4: {  	[sflag:s29] =	ssyncadd.s32 $0xFFFFFFFF  }
0xb5: {  	_ =	strace $0x90000048  }
0xb6: {  	_ =	sfence  }
0xb7: {  	s30 =	sld [smem:$0x0];
	_ =	sdelay $0x2  }
0xb8: {  	s31 =	sshll.u32 s1, $0xD;
	s1 =	sshrl.u32 s1, $0x2  }
0xb9: {  	s3 =	sand.u32 $0x4000, s31;
	s1 =	sadd.s32 s1, s30  }
0xba: {  	s0 =	sor.u32 s3, s0;
	s1 =	sshll.u32 s1, $0x11  }
0xbb: {  	s0 =	sor.u32 s1, s0  }
0xbc: {  	s0 =	sadd.s32 $0x8F2B, s0  }
0xbd: {  	[sflag:s0] =	ssyncadd.remote.s32 $0x1  }
0xbe: {  	_ =	sfence.sel $0xFFFF  }
0xbf: {  	[dreg:$0x0] =	wrdreg $0xFFFFFFFF;
	(pc) =	sbr.abs _section_cstart, $3  }
0xc0: {  	[dreg:$0x1] =	wrdreg $0xFFFFFFFF  }
0xc1: {  	_ =	task.clear_ibuf [dreg:s7], $0x2FFFF;
	_ =	strace $0x9FFFFFFF  }
0xc2: {  	(tm) =	ssettm $0x7FFFFFFF  }
0xc3: {  	_ =	shalt  }
tec
execute0_lowered:
.L_overlay_start_1:
0x0: {  	(tag) =	ssettag $0x1  }
0x1: {  	s0 =	srdreg.scid  }
0x2: {  	s1 =	stileid.u32;
	s4 =	rddreg [dreg:$0x1];
	s16 =	simm.s32 $0x0  }
0x3: {  	s0 =	sand.u32 $0x1, s0;
	s1 =	sshll.u32 s1, $0x1;
	[smem:$0x7FF] =	sst s16  }
0x4: {  	s19 =	simm.s32 $0xA0;
	s2 =	sor.u32 s0, s1;
	s1 =	rddreg [dreg:$0x0]  }
0x5: {  	s20 =	simm.s32 $0xF0;
	_ =	strace $0x80000047;
	[dreg:$0x6] =	wrdreg s19  }
0x6: {  	s21 =	simm.s32 $0x140;
	[dreg:$0x7] =	wrdreg s20  }
0x7: {  	s22 =	simm.s32 $0x190;
	[dreg:$0x8] =	wrdreg s21  }
0x8: {  	s23 =	simm.s32 $0x1E0;
	[dreg:$0x9] =	wrdreg s22  }
0x9: {  	s24 =	simm.s32 $0x230;
	[dreg:$0xa] =	wrdreg s23  }
0xa: {  	s25 =	simm.s32 $0x280;
	[dreg:$0xb] =	wrdreg s24  }
0xb: {  	s26 =	simm.s32 $0x2D0;
	[dreg:$0xc] =	wrdreg s25  }
0xc: {  	s7 =	simm.s32 $0x460;
	[dreg:$0xd] =	wrdreg s26  }
0xd: {  	s8 =	simm.s32 $0x4B0;
	[dreg:$0x12] =	wrdreg s7  }
0xe: {  	s9 =	simm.s32 $0x500;
	[dreg:$0x13] =	wrdreg s8  }
0xf: {  	s10 =	simm.s32 $0x550;
	[dreg:$0x14] =	wrdreg s9  }
0x10: {  	s11 =	simm.s32 $0x5A0;
	[dreg:$0x15] =	wrdreg s10  }
0x11: {  	s12 =	simm.s32 $0x5F0;
	[dreg:$0x16] =	wrdreg s11  }
0x12: {  	s13 =	simm.s32 $0x640;
	[dreg:$0x17] =	wrdreg s12  }
0x13: {  	s14 =	simm.s32 $0x690;
	[dreg:$0x18] =	wrdreg s13  }
0x14: {  	s15 =	simm.s32 $0xE4C0;
	[dreg:$0x19] =	wrdreg s14  }
0x15: {  	s16 =	simm.s32 $0x6E0;
	[dreg:$0x1a] =	wrdreg s15  }
0x16: {  	[dreg:$0x1b] =	wrdreg s16;
	s19 =	simm.s32 $0xF8C0  }
0x17: {  	s20 =	simm.s32 $0x780;
	[dreg:$0x1e] =	wrdreg s19  }
0x18: {  	s21 =	simm.s32 $0x102C0;
	[dreg:$0x1f] =	wrdreg s20  }
0x19: {  	s22 =	simm.s32 $0x7D0;
	[smem:$0x7CB] =	sst s21  }
0x1a: {  	s23 =	simm.s32 $0x10CC0;
	[smem:$0x7CC] =	sst s22  }
0x1b: {  	s24 =	simm.s32 $0x820;
	[smem:$0x7CD] =	sst s23  }
0x1c: {  	s25 =	simm.s32 $0x116C0;
	[smem:$0x7CE] =	sst s24  }
0x1d: {  	s26 =	simm.s32 $0x870;
	[smem:$0x7CF] =	sst s25  }
0x1e: {  	s7 =	simm.s32 $0x134C0;
	[smem:$0x7D0] =	sst s26  }
0x1f: {  	s8 =	simm.s32 $0x960;
	[smem:$0x7D5] =	sst s7  }
0x20: {  	s9 =	simm.s32 $0x13EC0;
	[smem:$0x7D6] =	sst s8  }
0x21: {  	s10 =	simm.s32 $0x9B0;
	[smem:$0x7D7] =	sst s9  }
0x22: {  	s11 =	simm.s32 $0x148C0;
	[smem:$0x7D8] =	sst s10  }
0x23: {  	s12 =	simm.s32 $0xA00;
	[smem:$0x7D9] =	sst s11  }
0x24: {  	s13 =	simm.s32 $0x152C0;
	[smem:$0x7DA] =	sst s12  }
0x25: {  	s14 =	simm.s32 $0xA50;
	[smem:$0x7DB] =	sst s13  }
0x26: {  	s15 =	simm.s32 $0x15CC0;
	[smem:$0x7DC] =	sst s14  }
0x27: {  	s16 =	simm.s32 $0xAA0;
	s3 =	smul.u32 $0x258, s2;
	[smem:$0x7DD] =	sst s15  }
0x28: {  	s5 =	smul.u32 $0xC800, s2;
	s2 =	simm.s32 $0x320;
	[smem:$0x7DE] =	sst s16  }
0x29: {  	s19 =	simm.s32 $0x170C0;
	[dreg:$0xe] =	wrdreg s2  }
0x2a: {  	s20 =	simm.s32 $0xB40;
	[smem:$0x7E1] =	sst s19  }
0x2b: {  	s21 =	simm.s32 $0x17AC0;
	[smem:$0x7E2] =	sst s20  }
0x2c: {  	s22 =	simm.s32 $0xB90;
	[smem:$0x7E3] =	sst s21  }
0x2d: {  	s23 =	simm.s32 $0x184C0;
	[smem:$0x7E4] =	sst s22  }
0x2e: {  	s24 =	simm.s32 $0xBE0;
	[smem:$0x7E5] =	sst s23  }
0x2f: {  	s7 =	simm.s32 $0x18EC0;
	[smem:$0x7E6] =	sst s24  }
0x30: {  	s25 =	simm.s32 $0xC30;
	[smem:$0x7E7] =	sst s7  }
0x31: {  	s26 =	simm.s32 $0x198C0;
	[smem:$0x7E8] =	sst s25  }
0x32: {  	s8 =	simm.s32 $0xCD0;
	[smem:$0x7E9] =	sst s26  }
0x33: {  	s9 =	simm.s32 $0xD20;
	[smem:$0x7EB] =	sst s8  }
0x34: {  	s10 =	simm.s32 $0xD70;
	[smem:$0x7EC] =	sst s9  }
0x35: {  	s11 =	simm.s32 $0xDC0;
	[smem:$0x7ED] =	sst s10  }
0x36: {  	s12 =	simm.s32 $0xE10;
	[smem:$0x7EE] =	sst s11  }
0x37: {  	s13 =	simm.s32 $0xE60;
	[smem:$0x7EF] =	sst s12  }
0x38: {  	s28 =	simm.s32 $0x9EC0;
	s14 =	simm.s32 $0xEB0;
	[smem:$0x7F0] =	sst s13  }
0x39: {  	s29 =	simm.s32 $0xA8C0;
	s15 =	simm.s32 $0xF00;
	[smem:$0x7F1] =	sst s14  }
0x3a: {  	s30 =	simm.s32 $0xB2C0;
	s16 =	simm.s32 $0xF50;
	[smem:$0x7F2] =	sst s15  }
0x3b: {  	s31 =	simm.s32 $0xBCC0;
	s2 =	simm.s32 $0x120C0;
	[smem:$0x7F3] =	sst s16  }
0x3c: {  	s0 =	ssub.s32 $0x2, s0;
	s19 =	simm.s32 $0x1040;
	[smem:$0x7D1] =	sst s2  }
0x3d: {  	s9 =	simm.s32 $0x50;
	s20 =	simm.s32 $0x1090;
	[smem:$0x7F6] =	sst s19  }
0x3e: {  	s21 =	simm.s32 $0x10E0;
	s22 =	simm.s32 $0x1130;
	[smem:$0x7F7] =	sst s20  }
0x3f: {  	s23 =	simm.s32 $0x1180;
	s24 =	simm.s32 $0x11D0;
	[smem:$0x7F8] =	sst s21  }
0x40: {  	s25 =	simm.s32 $0x1220;
	s26 =	simm.s32 $0x1270;
	[smem:$0x7F9] =	sst s22  }
0x41: {  	s10 =	simm.s32 $0x0;
	s14 =	simm.s32 $0x1CC0;
	[smem:$0x7FA] =	sst s23  }
0x42: {  	s15 =	simm.s32 $0x26C0;
	s16 =	simm.s32 $0x30C0;
	[smem:$0x7FB] =	sst s24  }
0x43: {  	s8 =	simm.s32 $0xC6C0;
	s3 =	sadd.s32 s3, s1;
	[smem:$0x7FC] =	sst s25  }
0x44: {  	s5 =	sshrl.u32 s5, $0x3;
	[smem:$0x7FD] =	sst s26;
	s6 =	sadd.s32 $0x2400, s3  }
0x45: {  	s2 =	sshrl.u32 s0, $0x1;
	s17 =	sadd.s32 s4, s5;
	[dreg:$0x3] =	wrdreg s6  }
0x46: {  	s19 =	simm.s32 $0x4EC0;
	s3 =	simm.s32 $0x370;
	[smem:$0x7CA] =	sst s17  }
0x47: {  	s20 =	simm.s32 $0x58C0;
	s5 =	simm.s32 $0x3C0;
	[dreg:$0xf] =	wrdreg s3  }
0x48: {  	s21 =	simm.s32 $0x62C0;
	s4 =	sadd.s32 $0x32000, s17;
	[dreg:$0x10] =	wrdreg s5  }
0x49: {  	s22 =	simm.s32 $0x6CC0;
	s18 =	sadd.s32 $0x64000, s17;
	[dreg:$0x4] =	wrdreg s4  }
0x4a: {  	s23 =	simm.s32 $0x76C0;
	s6 =	simm.s32 $0x410;
	[dreg:$0x5] =	wrdreg s18  }
0x4b: {  	s24 =	simm.s32 $0x80C0;
	s17 =	simm.s32 $0xEEC0;
	[dreg:$0x11] =	wrdreg s6  }
0x4c: {  	s25 =	simm.s32 $0x8AC0;
	s3 =	simm.s32 $0x8C0;
	[dreg:$0x1c] =	wrdreg s17  }
0x4d: {  	s26 =	simm.s32 $0x94C0;
	s5 =	simm.s32 $0x12AC0;
	[smem:$0x7D2] =	sst s3  }
0x4e: {  	s0 =	ssub.s32 s0, s2;
	s18 =	simm.s32 $0x730;
	[smem:$0x7D3] =	sst s5  }
0x4f: {  	s7 =	smax.u32 s0, $0x1;
	s6 =	simm.s32 $0x910;
	[dreg:$0x1d] =	wrdreg s18  }
0x50: {  	s0 =	simm.s32 $0x2;
	s17 =	simm.s32 $0x166C0;
	[smem:$0x7D4] =	sst s6  }
0x51: {  	s4 =	sadd.s32 $0x400, s1;
	s3 =	simm.s32 $0xC80;
	[smem:$0x7DF] =	sst s17  }
0x52: {  	s5 =	sadd.s32 $0x18DC00, s1;
	s18 =	simm.s32 $0xAF0;
	[smem:$0x7EA] =	sst s3  }
0x53: {  	s6 =	sadd.s32 $0x1400, s1;
	s17 =	simm.s32 $0xFA0;
	[smem:$0x7E0] =	sst s18  }
0x54: {  	s1 =	simm.s32 $0x1;
	[smem:$0x7F4] =	sst s17;
	s18 =	simm.s32 $0xFF0  }
0x55: {  	s17 =	simm.s32 $0x3AC0;
	[smem:$0x7F5] =	sst s18;
	s18 =	simm.s32 $0x44C0  }
.LBB2_1:
0x56: {  	s3 =	rddreg [dreg:$0x3];
	s13 =	simm.s32 $0x3  }
0x57: {  	[tilespmem:s10], [sflag:$0x3] =	stream.linear.gather [hbm4b:s3+s10], $0x12C0, $0x38;
	[tilespmem:$0x1A2C0] =	vst v63  }
0x58: {  	_ =	swait.ge [sflag:s13], $0x12C0  }
0x59: {  	[sflag:s13] =	ssyncset.done $0x0  }
0x5a: {  	s2 =	simm.s32 $0x12C0;
	s11 =	rddreg [dreg:$0x7];
	[sflag:s13] =	ssyncadd.s32 $0xFFFFED40  }
0x5b: {  	[tilespmem:s2], [sflag:$0x1] =	stream.indirect.gather [hbm4b:s4+s9], $0x20, s10, s9, $0xb8;
	[tilespmem:$0x1A2C0] =	vst v63  }
0x5c: {  	s12 =	rddreg [dreg:$0x8]  }
0x5d: {  	[tilespmem:s14], [sflag:$0x1] =	stream.indirect.gather [hbm4b:s4+s9], $0x20, s9, s9, $0xb8;
	[tilespmem:$0x1A2C0] =	vst v63  }
0x5e: {  	s2 =	rddreg [dreg:$0x6]  }
0x5f: {  	[tilespmem:s15], [sflag:$0x1] =	stream.indirect.gather [hbm4b:s4+s9], $0x20, s2, s9, $0xb8;
	[tilespmem:$0x1A2C0] =	vst v63  }
0x60: {  	s3 =	rddreg [dreg:$0x18]  }
0x61: {  	[tilespmem:s16], [sflag:$0x1] =	stream.indirect.gather [hbm4b:s4+s9], $0x20, s11, s9, $0xb8;
	[tilespmem:$0x1A2C0] =	vst v63  }
0x62: {  	s13 =	rddreg [dreg:$0x9]  }
0x63: {  	[tilespmem:s17], [sflag:$0x1] =	stream.indirect.gather [hbm4b:s4+s9], $0x20, s12, s9, $0xb8;
	[tilespmem:$0x1A2C0] =	vst v63  }
0x64: {  	s2 =	rddreg [dreg:$0xa]  }
0x65: {  	[tilespmem:s18], [sflag:$0x1] =	stream.indirect.gather [hbm4b:s4+s9], $0x20, s13, s9, $0xb8;
	[tilespmem:$0x1A2C0] =	vst v63  }
0x66: {  	s11 =	rddreg [dreg:$0x19]  }
0x67: {  	[tilespmem:s19], [sflag:$0x1] =	stream.indirect.gather [hbm4b:s4+s9], $0x20, s2, s9, $0xb8;
	[tilespmem:$0x1A2C0] =	vst v63  }
0x68: {  	s12 =	rddreg [dreg:$0xb]  }
0x69: {  	[tilespmem:s20], [sflag:$0x1] =	stream.indirect.gather [hbm4b:s4+s9], $0x20, s12, s9, $0xb8;
	[tilespmem:$0x1A2C0] =	vst v63  }
0x6a: {  	s13 =	rddreg [dreg:$0xc]  }
0x6b: {  	[tilespmem:s21], [sflag:$0x1] =	stream.indirect.gather [hbm4b:s4+s9], $0x20, s13, s9, $0xb8;
	[tilespmem:$0x1A2C0] =	vst v63  }
0x6c: {  	s2 =	rddreg [dreg:$0xd]  }
0x6d: {  	[tilespmem:s22], [sflag:$0x1] =	stream.indirect.gather [hbm4b:s4+s9], $0x20, s2, s9, $0xb8;
	[tilespmem:$0x1A2C0] =	vst v63  }
0x6e: {  	s12 =	rddreg [dreg:$0xe]  }
0x6f: {  	[tilespmem:s23], [sflag:$0x1] =	stream.indirect.gather [hbm4b:s4+s9], $0x20, s12, s9, $0xb8;
	[tilespmem:$0x1A2C0] =	vst v63  }
0x70: {  	s13 =	rddreg [dreg:$0xf]  }
0x71: {  	[tilespmem:s24], [sflag:$0x1] =	stream.indirect.gather [hbm4b:s4+s9], $0x20, s13, s9, $0xb8;
	[tilespmem:$0x1A2C0] =	vst v63  }
0x72: {  	s2 =	rddreg [dreg:$0x10]  }
0x73: {  	[tilespmem:s25], [sflag:$0x1] =	stream.indirect.gather [hbm4b:s4+s9], $0x20, s2, s9, $0xb8;
	[tilespmem:$0x1A2C0] =	vst v63  }
0x74: {  	s12 =	rddreg [dreg:$0x11]  }
0x75: {  	[tilespmem:s26], [sflag:$0x1] =	stream.indirect.gather [hbm4b:s4+s9], $0x20, s12, s9, $0xb8;
	[tilespmem:$0x1A2C0] =	vst v63  }
0x76: {  	s13 =	rddreg [dreg:$0x12]  }
0x77: {  	[tilespmem:s28], [sflag:$0x1] =	stream.indirect.gather [hbm4b:s4+s9], $0x20, s13, s9, $0xb8;
	[tilespmem:$0x1A2C0] =	vst v63  }
0x78: {  	s2 =	rddreg [dreg:$0x13]  }
0x79: {  	[tilespmem:s29], [sflag:$0x1] =	stream.indirect.gather [hbm4b:s4+s9], $0x20, s2, s9, $0xb8;
	[tilespmem:$0x1A2C0] =	vst v63  }
0x7a: {  	s12 =	rddreg [dreg:$0x14]  }
0x7b: {  	[tilespmem:s30], [sflag:$0x1] =	stream.indirect.gather [hbm4b:s4+s9], $0x20, s12, s9, $0xb8;
	[tilespmem:$0x1A2C0] =	vst v63  }
0x7c: {  	s13 =	rddreg [dreg:$0x15]  }
0x7d: {  	[tilespmem:s31], [sflag:$0x1] =	stream.indirect.gather [hbm4b:s4+s9], $0x20, s13, s9, $0xb8;
	[tilespmem:$0x1A2C0] =	vst v63  }
0x7e: {  	s2 =	rddreg [dreg:$0x16]  }
0x7f: {  	[tilespmem:s8], [sflag:$0x1] =	stream.indirect.gather [hbm4b:s4+s9], $0x20, s2, s9, $0xb8;
	[tilespmem:$0x1A2C0] =	vst v63  }
0x80: {  	s12 =	rddreg [dreg:$0x17];
	s2 =	simm.s32 $0xD0C0  }
0x81: {  	[tilespmem:s2], [sflag:$0x1] =	stream.indirect.gather [hbm4b:s4+s9], $0x20, s12, s9, $0xb8;
	[tilespmem:$0x1A2C0] =	vst v63  }
0x82: {  	s13 =	simm.s32 $0xDAC0;
	s12 =	rddreg [dreg:$0x1a]  }
0x83: {  	[tilespmem:s13], [sflag:$0x1] =	stream.indirect.gather [hbm4b:s5+s9], $0x20, s3, s9, $0xb8;
	[tilespmem:$0x1A2C0] =	vst v63  }
0x84: {  	s3 =	rddreg [dreg:$0x1b]  }
0x85: {  	s13 =	rddreg [dreg:$0x1e]  }
0x86: {  	[tilespmem:s12], [sflag:$0x1] =	stream.indirect.gather [hbm4b:s5+s9], $0x20, s11, s9, $0xb8;
	[tilespmem:$0x1A2C0] =	vst v63  }
0x87: {  	s11 =	rddreg [dreg:$0x1c]  }
0x88: {  	s12 =	rddreg [dreg:$0x1d]  }
0x89: {  	[tilespmem:s11], [sflag:$0x1] =	stream.indirect.gather [hbm4b:s5+s9], $0x20, s3, s9, $0xb8;
	[tilespmem:$0x1A2C0] =	vst v63  }
0x8a: {  	s3 =	rddreg [dreg:$0x1f]  }
0x8b: {  	s11 =	sld [smem:$0x7CB]  }
0x8c: {  	[tilespmem:s13], [sflag:$0x1] =	stream.indirect.gather [hbm4b:s5+s9], $0x20, s12, s9, $0xb8;
	[tilespmem:$0x1A2C0] =	vst v63  }
0x8d: {  	s12 =	sld [smem:$0x7CC]  }
0x8e: {  	s13 =	sld [smem:$0x7CD]  }
0x8f: {  	[tilespmem:s11], [sflag:$0x1] =	stream.indirect.gather [hbm4b:s5+s9], $0x20, s3, s9, $0xb8;
	[tilespmem:$0x1A2C0] =	vst v63  }
0x90: {  	s3 =	sld [smem:$0x7CE]  }
0x91: {  	s11 =	sld [smem:$0x7CF]  }
0x92: {  	[tilespmem:s13], [sflag:$0x1] =	stream.indirect.gather [hbm4b:s5+s9], $0x20, s12, s9, $0xb8;
	[tilespmem:$0x1A2C0] =	vst v63  }
0x93: {  	s12 =	sld [smem:$0x7D0]  }
0x94: {  	s13 =	sld [smem:$0x7D1]  }
0x95: {  	[tilespmem:s11], [sflag:$0x1] =	stream.indirect.gather [hbm4b:s5+s9], $0x20, s3, s9, $0xb8;
	[tilespmem:$0x1A2C0] =	vst v63  }
0x96: {  	s3 =	sld [smem:$0x7D2]  }
0x97: {  	s11 =	sld [smem:$0x7D3]  }
0x98: {  	[tilespmem:s13], [sflag:$0x1] =	stream.indirect.gather [hbm4b:s5+s9], $0x20, s12, s9, $0xb8;
	[tilespmem:$0x1A2C0] =	vst v63  }
0x99: {  	s12 =	sld [smem:$0x7D4]  }
0x9a: {  	s13 =	sld [smem:$0x7D5]  }
0x9b: {  	[tilespmem:s11], [sflag:$0x1] =	stream.indirect.gather [hbm4b:s5+s9], $0x20, s3, s9, $0xb8;
	[tilespmem:$0x1A2C0] =	vst v63  }
0x9c: {  	s3 =	sld [smem:$0x7D6]  }
0x9d: {  	s11 =	sld [smem:$0x7D7]  }
0x9e: {  	[tilespmem:s13], [sflag:$0x1] =	stream.indirect.gather [hbm4b:s5+s9], $0x20, s12, s9, $0xb8;
	[tilespmem:$0x1A2C0] =	vst v63  }
0x9f: {  	s12 =	sld [smem:$0x7D8]  }
0xa0: {  	s13 =	sld [smem:$0x7D9]  }
0xa1: {  	[tilespmem:s11], [sflag:$0x1] =	stream.indirect.gather [hbm4b:s5+s9], $0x20, s3, s9, $0xb8;
	[tilespmem:$0x1A2C0] =	vst v63  }
0xa2: {  	s3 =	sld [smem:$0x7DA]  }
0xa3: {  	s11 =	sld [smem:$0x7DB]  }
0xa4: {  	[tilespmem:s13], [sflag:$0x1] =	stream.indirect.gather [hbm4b:s5+s9], $0x20, s12, s9, $0xb8;
	[tilespmem:$0x1A2C0] =	vst v63  }
0xa5: {  	s12 =	sld [smem:$0x7DC]  }
0xa6: {  	s13 =	sld [smem:$0x7DD]  }
0xa7: {  	[tilespmem:s11], [sflag:$0x1] =	stream.indirect.gather [hbm4b:s5+s9], $0x20, s3, s9, $0xb8;
	[tilespmem:$0x1A2C0] =	vst v63  }
0xa8: {  	s3 =	sld [smem:$0x7DE]  }
0xa9: {  	s11 =	sld [smem:$0x7DF]  }
0xaa: {  	[tilespmem:s13], [sflag:$0x1] =	stream.indirect.gather [hbm4b:s5+s9], $0x20, s12, s9, $0xb8;
	[tilespmem:$0x1A2C0] =	vst v63  }
0xab: {  	s12 =	sld [smem:$0x7E0]  }
0xac: {  	s13 =	sld [smem:$0x7E1]  }
0xad: {  	[tilespmem:s11], [sflag:$0x1] =	stream.indirect.gather [hbm4b:s5+s9], $0x20, s3, s9, $0xb8;
	[tilespmem:$0x1A2C0] =	vst v63  }
0xae: {  	s3 =	sld [smem:$0x7E2]  }
0xaf: {  	s11 =	sld [smem:$0x7E3]  }
0xb0: {  	[tilespmem:s13], [sflag:$0x1] =	stream.indirect.gather [hbm4b:s5+s9], $0x20, s12, s9, $0xb8;
	[tilespmem:$0x1A2C0] =	vst v63  }
0xb1: {  	s12 =	sld [smem:$0x7E4]  }
0xb2: {  	s13 =	sld [smem:$0x7E5]  }
0xb3: {  	[tilespmem:s11], [sflag:$0x1] =	stream.indirect.gather [hbm4b:s5+s9], $0x20, s3, s9, $0xb8;
	[tilespmem:$0x1A2C0] =	vst v63  }
0xb4: {  	s3 =	sld [smem:$0x7E6]  }
0xb5: {  	s11 =	sld [smem:$0x7E7]  }
0xb6: {  	[tilespmem:s13], [sflag:$0x1] =	stream.indirect.gather [hbm4b:s5+s9], $0x20, s12, s9, $0xb8;
	[tilespmem:$0x1A2C0] =	vst v63  }
0xb7: {  	s12 =	sld [smem:$0x7E8]  }
0xb8: {  	s13 =	sld [smem:$0x7E9]  }
0xb9: {  	[tilespmem:s11], [sflag:$0x1] =	stream.indirect.gather [hbm4b:s5+s9], $0x20, s3, s9, $0xb8;
	[tilespmem:$0x1A2C0] =	vst v63  }
0xba: {  	_ = 	snop  }
0xbb: {  	[tilespmem:s13], [sflag:$0x1] =	stream.indirect.gather [hbm4b:s5+s9], $0x20, s12, s9, $0xb8;
	[tilespmem:$0x1A2C0] =	vst v63  }
0xbc: {  	_ =	swait.ge [sflag:s1], $0xA00  }
0xbd: {  	[sflag:s1] =	ssyncset.done $0x0  }
0xbe: {  	[sflag:s1] =	ssyncadd.s32 $0xFFFFF600  }
0xbf: {  	_ =	swait.ge [sflag:s1], $0xA00  }
0xc0: {  	[sflag:s1] =	ssyncset.done $0x0  }
0xc1: {  	[sflag:s1] =	ssyncadd.s32 $0xFFFFF600  }
0xc2: {  	_ =	swait.ge [sflag:s1], $0xA00  }
0xc3: {  	[sflag:s1] =	ssyncset.done $0x0  }
0xc4: {  	[sflag:s1] =	ssyncadd.s32 $0xFFFFF600  }
0xc5: {  	_ =	swait.ge [sflag:s1], $0xA00  }
0xc6: {  	[sflag:s1] =	ssyncset.done $0x0  }
0xc7: {  	[sflag:s1] =	ssyncadd.s32 $0xFFFFF600  }
0xc8: {  	_ =	swait.ge [sflag:s1], $0xA00  }
0xc9: {  	[sflag:s1] =	ssyncset.done $0x0  }
0xca: {  	[sflag:s1] =	ssyncadd.s32 $0xFFFFF600  }
0xcb: {  	_ =	swait.ge [sflag:s1], $0xA00  }
0xcc: {  	[sflag:s1] =	ssyncset.done $0x0  }
0xcd: {  	[sflag:s1] =	ssyncadd.s32 $0xFFFFF600  }
0xce: {  	_ =	swait.ge [sflag:s1], $0xA00  }
0xcf: {  	[sflag:s1] =	ssyncset.done $0x0  }
0xd0: {  	[sflag:s1] =	ssyncadd.s32 $0xFFFFF600  }
0xd1: {  	_ =	swait.ge [sflag:s1], $0xA00  }
0xd2: {  	[sflag:s1] =	ssyncset.done $0x0  }
0xd3: {  	[sflag:s1] =	ssyncadd.s32 $0xFFFFF600  }
0xd4: {  	_ =	swait.ge [sflag:s1], $0xA00  }
0xd5: {  	[sflag:s1] =	ssyncset.done $0x0  }
0xd6: {  	[sflag:s1] =	ssyncadd.s32 $0xFFFFF600  }
0xd7: {  	_ =	swait.ge [sflag:s1], $0xA00  }
0xd8: {  	[sflag:s1] =	ssyncset.done $0x0  }
0xd9: {  	[sflag:s1] =	ssyncadd.s32 $0xFFFFF600  }
0xda: {  	_ =	swait.ge [sflag:s1], $0xA00  }
0xdb: {  	[sflag:s1] =	ssyncset.done $0x0  }
0xdc: {  	[sflag:s1] =	ssyncadd.s32 $0xFFFFF600  }
0xdd: {  	_ =	swait.ge [sflag:s1], $0xA00  }
0xde: {  	[sflag:s1] =	ssyncset.done $0x0  }
0xdf: {  	[sflag:s1] =	ssyncadd.s32 $0xFFFFF600  }
0xe0: {  	_ =	swait.ge [sflag:s1], $0xA00  }
0xe1: {  	[sflag:s1] =	ssyncset.done $0x0  }
0xe2: {  	[sflag:s1] =	ssyncadd.s32 $0xFFFFF600  }
0xe3: {  	_ =	swait.ge [sflag:s1], $0xA00  }
0xe4: {  	[sflag:s1] =	ssyncset.done $0x0  }
0xe5: {  	[sflag:s1] =	ssyncadd.s32 $0xFFFFF600  }
0xe6: {  	_ =	swait.ge [sflag:s1], $0xA00  }
0xe7: {  	[sflag:s1] =	ssyncset.done $0x0  }
0xe8: {  	[sflag:s1] =	ssyncadd.s32 $0xFFFFF600  }
0xe9: {  	_ =	swait.ge [sflag:s1], $0xA00  }
0xea: {  	[sflag:s1] =	ssyncset.done $0x0  }
0xeb: {  	[sflag:s1] =	ssyncadd.s32 $0xFFFFF600  }
0xec: {  	_ =	swait.ge [sflag:s1], $0xA00  }
0xed: {  	[sflag:s1] =	ssyncset.done $0x0  }
0xee: {  	[sflag:s1] =	ssyncadd.s32 $0xFFFFF600  }
0xef: {  	_ =	swait.ge [sflag:s1], $0xA00  }
0xf0: {  	[sflag:s1] =	ssyncset.done $0x0  }
0xf1: {  	[sflag:s1] =	ssyncadd.s32 $0xFFFFF600  }
0xf2: {  	_ =	swait.ge [sflag:s1], $0xA00  }
0xf3: {  	[sflag:s1] =	ssyncset.done $0x0  }
0xf4: {  	[sflag:s1] =	ssyncadd.s32 $0xFFFFF600  }
0xf5: {  	_ =	swait.ge [sflag:s1], $0xA00  }
0xf6: {  	s13 =	sld [smem:$0x7CA]  }
0xf7: {  	[sflag:s1] =	ssyncset.done $0x0  }
0xf8: {  	s12 =	simm.s32 $0x12C0;
	[sflag:s1] =	ssyncadd.s32 $0xFFFFF600  }
0xf9: {  	[hbm4b:s13+s10] =	stream.linear.scatter [tilespmem:s12], [sflag:$0x2], $0xC800, $0x38;
	[tilespmem:$0x1A2C0] =	vst v63  }
0xfa: {  	_ =	swait.ge [sflag:s0], $0xC800  }
0xfb: {  	s11 =	sld [smem:$0x7EA]  }
0xfc: {  	[sflag:s0] =	ssyncset.done $0x0  }
0xfd: {  	s13 =	sld [smem:$0x7EB];
	[sflag:s0] =	ssyncadd.s32 $0xFFFF3800  }
0xfe: {  	[tilespmem:s12], [sflag:$0x1] =	stream.indirect.gather [hbm4b:s6+s9], $0x20, s11, s9, $0xb8;
	[tilespmem:$0x1A2C0] =	vst v63  }
0xff: {  	s3 =	sld [smem:$0x7EC]  }
0x100: {  	[tilespmem:s14], [sflag:$0x1] =	stream.indirect.gather [hbm4b:s6+s9], $0x20, s13, s9, $0xb8;
	[tilespmem:$0x1A2C0] =	vst v63  }
0x101: {  	s13 =	sld [smem:$0x7ED]  }
0x102: {  	[tilespmem:s15], [sflag:$0x1] =	stream.indirect.gather [hbm4b:s6+s9], $0x20, s3, s9, $0xb8;
	[tilespmem:$0x1A2C0] =	vst v63  }
0x103: {  	s3 =	sld [smem:$0x7EE]  }
0x104: {  	[tilespmem:s16], [sflag:$0x1] =	stream.indirect.gather [hbm4b:s6+s9], $0x20, s13, s9, $0xb8;
	[tilespmem:$0x1A2C0] =	vst v63  }
0x105: {  	s13 =	sld [smem:$0x7EF]  }
0x106: {  	[tilespmem:s17], [sflag:$0x1] =	stream.indirect.gather [hbm4b:s6+s9], $0x20, s3, s9, $0xb8;
	[tilespmem:$0x1A2C0] =	vst v63  }
0x107: {  	s3 =	sld [smem:$0x7F0]  }
0x108: {  	[tilespmem:s18], [sflag:$0x1] =	stream.indirect.gather [hbm4b:s6+s9], $0x20, s13, s9, $0xb8;
	[tilespmem:$0x1A2C0] =	vst v63  }
0x109: {  	s13 =	sld [smem:$0x7F1]  }
0x10a: {  	[tilespmem:s19], [sflag:$0x1] =	stream.indirect.gather [hbm4b:s6+s9], $0x20, s3, s9, $0xb8;
	[tilespmem:$0x1A2C0] =	vst v63  }
0x10b: {  	s3 =	sld [smem:$0x7F2]  }
0x10c: {  	[tilespmem:s20], [sflag:$0x1] =	stream.indirect.gather [hbm4b:s6+s9], $0x20, s13, s9, $0xb8;
	[tilespmem:$0x1A2C0] =	vst v63  }
0x10d: {  	s13 =	sld [smem:$0x7F3]  }
0x10e: {  	[tilespmem:s21], [sflag:$0x1] =	stream.indirect.gather [hbm4b:s6+s9], $0x20, s3, s9, $0xb8;
	[tilespmem:$0x1A2C0] =	vst v63  }
0x10f: {  	s3 =	sld [smem:$0x7F4]  }
0x110: {  	[tilespmem:s22], [sflag:$0x1] =	stream.indirect.gather [hbm4b:s6+s9], $0x20, s13, s9, $0xb8;
	[tilespmem:$0x1A2C0] =	vst v63  }
0x111: {  	s13 =	sld [smem:$0x7F5]  }
0x112: {  	[tilespmem:s23], [sflag:$0x1] =	stream.indirect.gather [hbm4b:s6+s9], $0x20, s3, s9, $0xb8;
	[tilespmem:$0x1A2C0] =	vst v63  }
0x113: {  	s3 =	sld [smem:$0x7F6]  }
0x114: {  	[tilespmem:s24], [sflag:$0x1] =	stream.indirect.gather [hbm4b:s6+s9], $0x20, s13, s9, $0xb8;
	[tilespmem:$0x1A2C0] =	vst v63  }
0x115: {  	s13 =	sld [smem:$0x7F7]  }
0x116: {  	[tilespmem:s25], [sflag:$0x1] =	stream.indirect.gather [hbm4b:s6+s9], $0x20, s3, s9, $0xb8;
	[tilespmem:$0x1A2C0] =	vst v63  }
0x117: {  	s3 =	sld [smem:$0x7F8]  }
0x118: {  	[tilespmem:s26], [sflag:$0x1] =	stream.indirect.gather [hbm4b:s6+s9], $0x20, s13, s9, $0xb8;
	[tilespmem:$0x1A2C0] =	vst v63  }
0x119: {  	s13 =	sld [smem:$0x7F9]  }
0x11a: {  	[tilespmem:s28], [sflag:$0x1] =	stream.indirect.gather [hbm4b:s6+s9], $0x20, s3, s9, $0xb8;
	[tilespmem:$0x1A2C0] =	vst v63  }
0x11b: {  	s3 =	sld [smem:$0x7FA]  }
0x11c: {  	[tilespmem:s29], [sflag:$0x1] =	stream.indirect.gather [hbm4b:s6+s9], $0x20, s13, s9, $0xb8;
	[tilespmem:$0x1A2C0] =	vst v63  }
0x11d: {  	s13 =	sld [smem:$0x7FB]  }
0x11e: {  	[tilespmem:s30], [sflag:$0x1] =	stream.indirect.gather [hbm4b:s6+s9], $0x20, s3, s9, $0xb8;
	[tilespmem:$0x1A2C0] =	vst v63  }
0x11f: {  	s3 =	sld [smem:$0x7FC]  }
0x120: {  	[tilespmem:s31], [sflag:$0x1] =	stream.indirect.gather [hbm4b:s6+s9], $0x20, s13, s9, $0xb8;
	[tilespmem:$0x1A2C0] =	vst v63  }
0x121: {  	s13 =	sld [smem:$0x7FD]  }
0x122: {  	[tilespmem:s8], [sflag:$0x1] =	stream.indirect.gather [hbm4b:s6+s9], $0x20, s3, s9, $0xb8;
	[tilespmem:$0x1A2C0] =	vst v63  }
0x123: {  	_ = 	snop  }
0x124: {  	[tilespmem:s2], [sflag:$0x1] =	stream.indirect.gather [hbm4b:s6+s9], $0x20, s13, s9, $0xb8;
	[tilespmem:$0x1A2C0] =	vst v63  }
0x125: {  	_ =	swait.ge [sflag:s1], $0xA00  }
0x126: {  	[sflag:s1] =	ssyncset.done $0x0  }
0x127: {  	[sflag:s1] =	ssyncadd.s32 $0xFFFFF600  }
0x128: {  	_ =	swait.ge [sflag:s1], $0xA00  }
0x129: {  	[sflag:s1] =	ssyncset.done $0x0  }
0x12a: {  	[sflag:s1] =	ssyncadd.s32 $0xFFFFF600  }
0x12b: {  	_ =	swait.ge [sflag:s1], $0xA00  }
0x12c: {  	[sflag:s1] =	ssyncset.done $0x0  }
0x12d: {  	[sflag:s1] =	ssyncadd.s32 $0xFFFFF600  }
0x12e: {  	_ =	swait.ge [sflag:s1], $0xA00  }
0x12f: {  	[sflag:s1] =	ssyncset.done $0x0  }
0x130: {  	[sflag:s1] =	ssyncadd.s32 $0xFFFFF600  }
0x131: {  	_ =	swait.ge [sflag:s1], $0xA00  }
0x132: {  	[sflag:s1] =	ssyncset.done $0x0  }
0x133: {  	[sflag:s1] =	ssyncadd.s32 $0xFFFFF600  }
0x134: {  	_ =	swait.ge [sflag:s1], $0xA00  }
0x135: {  	[sflag:s1] =	ssyncset.done $0x0  }
0x136: {  	[sflag:s1] =	ssyncadd.s32 $0xFFFFF600  }
0x137: {  	_ =	swait.ge [sflag:s1], $0xA00  }
0x138: {  	[sflag:s1] =	ssyncset.done $0x0  }
0x139: {  	[sflag:s1] =	ssyncadd.s32 $0xFFFFF600  }
0x13a: {  	_ =	swait.ge [sflag:s1], $0xA00  }
0x13b: {  	[sflag:s1] =	ssyncset.done $0x0  }
0x13c: {  	[sflag:s1] =	ssyncadd.s32 $0xFFFFF600  }
0x13d: {  	_ =	swait.ge [sflag:s1], $0xA00  }
0x13e: {  	[sflag:s1] =	ssyncset.done $0x0  }
0x13f: {  	[sflag:s1] =	ssyncadd.s32 $0xFFFFF600  }
0x140: {  	_ =	swait.ge [sflag:s1], $0xA00  }
0x141: {  	[sflag:s1] =	ssyncset.done $0x0  }
0x142: {  	[sflag:s1] =	ssyncadd.s32 $0xFFFFF600  }
0x143: {  	_ =	swait.ge [sflag:s1], $0xA00  }
0x144: {  	[sflag:s1] =	ssyncset.done $0x0  }
0x145: {  	[sflag:s1] =	ssyncadd.s32 $0xFFFFF600  }
0x146: {  	_ =	swait.ge [sflag:s1], $0xA00  }
0x147: {  	[sflag:s1] =	ssyncset.done $0x0  }
0x148: {  	[sflag:s1] =	ssyncadd.s32 $0xFFFFF600  }
0x149: {  	_ =	swait.ge [sflag:s1], $0xA00  }
0x14a: {  	[sflag:s1] =	ssyncset.done $0x0  }
0x14b: {  	[sflag:s1] =	ssyncadd.s32 $0xFFFFF600  }
0x14c: {  	_ =	swait.ge [sflag:s1], $0xA00  }
0x14d: {  	[sflag:s1] =	ssyncset.done $0x0  }
0x14e: {  	[sflag:s1] =	ssyncadd.s32 $0xFFFFF600  }
0x14f: {  	_ =	swait.ge [sflag:s1], $0xA00  }
0x150: {  	[sflag:s1] =	ssyncset.done $0x0  }
0x151: {  	[sflag:s1] =	ssyncadd.s32 $0xFFFFF600  }
0x152: {  	_ =	swait.ge [sflag:s1], $0xA00  }
0x153: {  	[sflag:s1] =	ssyncset.done $0x0  }
0x154: {  	[sflag:s1] =	ssyncadd.s32 $0xFFFFF600  }
0x155: {  	_ =	swait.ge [sflag:s1], $0xA00  }
0x156: {  	[sflag:s1] =	ssyncset.done $0x0  }
0x157: {  	[sflag:s1] =	ssyncadd.s32 $0xFFFFF600  }
0x158: {  	_ =	swait.ge [sflag:s1], $0xA00  }
0x159: {  	[sflag:s1] =	ssyncset.done $0x0  }
0x15a: {  	[sflag:s1] =	ssyncadd.s32 $0xFFFFF600  }
0x15b: {  	_ =	swait.ge [sflag:s1], $0xA00  }
0x15c: {  	[sflag:s1] =	ssyncset.done $0x0  }
0x15d: {  	[sflag:s1] =	ssyncadd.s32 $0xFFFFF600  }
0x15e: {  	_ =	swait.ge [sflag:s1], $0xA00  }
0x15f: {  	[sflag:s1] =	ssyncset.done $0x0  }
0x160: {  	s11 =	simm.s32 $0xDAC0;
	s2 =	rddreg [dreg:$0x4];
	[sflag:s1] =	ssyncadd.s32 $0xFFFFF600  }
0x161: {  	[hbm4b:s2+s10] =	stream.linear.scatter [tilespmem:s11], [sflag:$0x2], $0xC800, $0x38;
	[tilespmem:$0x1A2C0] =	vst v63  }
0x162: {  	_ =	swait.ge [sflag:s1], $0xA00  }
0x163: {  	[sflag:s1] =	ssyncset.done $0x0  }
0x164: {  	[sflag:s1] =	ssyncadd.s32 $0xFFFFF600  }
0x165: {  	_ =	swait.ge [sflag:s1], $0xA00  }
0x166: {  	[sflag:s1] =	ssyncset.done $0x0  }
0x167: {  	[sflag:s1] =	ssyncadd.s32 $0xFFFFF600  }
0x168: {  	_ =	swait.ge [sflag:s1], $0xA00  }
0x169: {  	[sflag:s1] =	ssyncset.done $0x0  }
0x16a: {  	[sflag:s1] =	ssyncadd.s32 $0xFFFFF600  }
0x16b: {  	_ =	swait.ge [sflag:s1], $0xA00  }
0x16c: {  	[sflag:s1] =	ssyncset.done $0x0  }
0x16d: {  	[sflag:s1] =	ssyncadd.s32 $0xFFFFF600  }
0x16e: {  	_ =	swait.ge [sflag:s1], $0xA00  }
0x16f: {  	[sflag:s1] =	ssyncset.done $0x0  }
0x170: {  	[sflag:s1] =	ssyncadd.s32 $0xFFFFF600  }
0x171: {  	_ =	swait.ge [sflag:s1], $0xA00  }
0x172: {  	[sflag:s1] =	ssyncset.done $0x0  }
0x173: {  	[sflag:s1] =	ssyncadd.s32 $0xFFFFF600  }
0x174: {  	_ =	swait.ge [sflag:s1], $0xA00  }
0x175: {  	[sflag:s1] =	ssyncset.done $0x0  }
0x176: {  	[sflag:s1] =	ssyncadd.s32 $0xFFFFF600  }
0x177: {  	_ =	swait.ge [sflag:s1], $0xA00  }
0x178: {  	[sflag:s1] =	ssyncset.done $0x0  }
0x179: {  	[sflag:s1] =	ssyncadd.s32 $0xFFFFF600  }
0x17a: {  	_ =	swait.ge [sflag:s1], $0xA00  }
0x17b: {  	[sflag:s1] =	ssyncset.done $0x0  }
0x17c: {  	[sflag:s1] =	ssyncadd.s32 $0xFFFFF600  }
0x17d: {  	_ =	swait.ge [sflag:s1], $0xA00  }
0x17e: {  	[sflag:s1] =	ssyncset.done $0x0  }
0x17f: {  	[sflag:s1] =	ssyncadd.s32 $0xFFFFF600  }
0x180: {  	_ =	swait.ge [sflag:s1], $0xA00  }
0x181: {  	[sflag:s1] =	ssyncset.done $0x0  }
0x182: {  	[sflag:s1] =	ssyncadd.s32 $0xFFFFF600  }
0x183: {  	_ =	swait.ge [sflag:s1], $0xA00  }
0x184: {  	[sflag:s1] =	ssyncset.done $0x0  }
0x185: {  	[sflag:s1] =	ssyncadd.s32 $0xFFFFF600  }
0x186: {  	_ =	swait.ge [sflag:s1], $0xA00  }
0x187: {  	[sflag:s1] =	ssyncset.done $0x0  }
0x188: {  	[sflag:s1] =	ssyncadd.s32 $0xFFFFF600  }
0x189: {  	_ =	swait.ge [sflag:s1], $0xA00  }
0x18a: {  	[sflag:s1] =	ssyncset.done $0x0  }
0x18b: {  	[sflag:s1] =	ssyncadd.s32 $0xFFFFF600  }
0x18c: {  	_ =	swait.ge [sflag:s1], $0xA00  }
0x18d: {  	[sflag:s1] =	ssyncset.done $0x0  }
0x18e: {  	[sflag:s1] =	ssyncadd.s32 $0xFFFFF600  }
0x18f: {  	_ =	swait.ge [sflag:s1], $0xA00  }
0x190: {  	[sflag:s1] =	ssyncset.done $0x0  }
0x191: {  	[sflag:s1] =	ssyncadd.s32 $0xFFFFF600  }
0x192: {  	_ =	swait.ge [sflag:s1], $0xA00  }
0x193: {  	[sflag:s1] =	ssyncset.done $0x0  }
0x194: {  	[sflag:s1] =	ssyncadd.s32 $0xFFFFF600  }
0x195: {  	_ =	swait.ge [sflag:s1], $0xA00  }
0x196: {  	[sflag:s1] =	ssyncset.done $0x0  }
0x197: {  	[sflag:s1] =	ssyncadd.s32 $0xFFFFF600  }
0x198: {  	_ =	swait.ge [sflag:s1], $0xA00  }
0x199: {  	[sflag:s1] =	ssyncset.done $0x0  }
0x19a: {  	[sflag:s1] =	ssyncadd.s32 $0xFFFFF600  }
0x19b: {  	_ =	swait.ge [sflag:s1], $0xA00  }
0x19c: {  	[sflag:s1] =	ssyncset.done $0x0  }
0x19d: {  	s12 =	simm.s32 $0x12C0;
	s13 =	rddreg [dreg:$0x5];
	[sflag:s1] =	ssyncadd.s32 $0xFFFFF600  }
0x19e: {  	[hbm4b:s13+s10] =	stream.linear.scatter [tilespmem:s12], [sflag:$0x2], $0xC800, $0x38;
	[tilespmem:$0x1A2C0] =	vst v63  }
0x19f: {  	p0 =	sne.s32 s7, $0x1;
	_ =	swait.ge [sflag:s0], $0xC800  }
.Ltmp0:
0x1a0: {  	[sflag:s0] =	ssyncset.done $0x0;
	(pc) =	sbr.rel @p0 .LBB2_1-.Ltmp0, $4  }
0x1a1: {  	[sflag:s0] =	ssyncadd.s32 $0xFFFF3800  }
0x1a2: {  	_ =	swait.ge [sflag:s0], $0xC800  }
0x1a3: {  	[sflag:s0] =	ssyncset.done $0x0  }
0x1a4: {  	s7 =	sadd.s32 $0xFFFFFFFF, s7;
	[sflag:s0] =	ssyncadd.s32 $0xFFFF3800  }
0x1a5: {  	_ =	sfence.sel $0x180000  }
0x1a6: {  	[bflag:$0x0] =	sbarrier.arrive $0xFFFF  }
0x1a7: {  	_ =	strace $0x90000047  }
0x1a8: {  	s0 =	stileid.u32;
	[bflag:$0x2] =	sbarrier.arrive $0xFFFF  }
0x1a9: {  	p0 =	sne.s32 s0, $0x0;
	s0 =	rddreg [dreg:$0x2]  }
0x1aa: {  	s0 =	sadd.s32 @!p0 $0x100000, s0  }
0x1ab: {  	[sflag:s0] =	ssyncadd.tile.s32 @!p0 $0x1;
	_ =	shalt  }
.Lfunc_end2:
_tile_overlayer_lowered:
.L_overlay_start_2:
0x1ac: {  	(tag) =	ssettag $0x2  }
0x1ad: {  	s0 =	rddreg [dreg:$0x0];
	s2 =	stileid.u32  }
0x1ae: {  	s1 =	rddreg [dreg:$0x1];
	p0 =	sne.s32 s2, $0x0  }
0x1af: {  	s3 =	rddreg [dreg:$0x2];
	[bflag:$0x3] =	sbarrier.arrive $0xFFFF;
	s2 =	simm.s32 @!p0 $0x1C03  }
0x1b0: {  	[timem:s3], [sflag:s2] =	dma.local @!p0 [hbm:s0], s1  }
0x1b1: {  	s0 =	simm.s32 @!p0 $0x3  }
0x1b2: {  	_ =	swait.ge @!p0 [sflag:s0], s1  }
0x1b3: {  	s1 =	ssub.s32 @!p0 $0x0, s1;
	[sflag:s0] =	ssyncset.done @!p0 $0x0  }
0x1b4: {  	[sflag:s0] =	ssyncadd.s32 @!p0 s1  }
0x1b5: {  	[bflag:$0x3] =	sbarrier.arrive $0xFFFF  }
0x1b6: {  	_ =	shalt  }

</sc_bundles>
